<compile_context>
chip_gen: v7x
topology: tpu7x:2x2x1
jax: 0.10.2.dev20260603
libtpu: 0.0.44.dev20260713+nightly
codegen_flags: <defaults>
</compile_context>

<pallas_src>
import functools

import jax
import jax.numpy as jnp
from jax.experimental import pallas as pl
from jax.experimental.pallas import tpu as pltpu

_N_E = 8192
_E = 256
_B = 16
_T = 256
_LC = 0.2

_CB = 512
_NBLK = _N_E // _CB
_W = 512



def _ab_kernel(ks_ref, w_ref, wl_ref, ks3_ref, wf_ref,
               mi_ref, enc_ref, v_ref,
               s1_s, rv_ref, ri_ref, adv_s, p_s):
    i = pl.program_id(0)

    @pl.when(i == 0)
    def _():
        ks = ks_ref[...]
        s1_s[...] = jnp.sum(ks * ks, axis=1, keepdims=True)
        wl = wl_ref[...]
        s2l = jnp.sum(wl * wl, axis=1)
        mml = jax.lax.dot_general(ks, wl, (((1,), (1,)), ((), ())),
                                  preferred_element_type=jnp.float32)
        rv_ref[...] = s1_s[...] + s2l[None, :] - 2.0 * mml
        ri_ref[...] = jnp.full((ks.shape[0], 1), _N_E, jnp.int32)

    @pl.when(i < _NBLK)
    def _():
        ks = ks_ref[...]
        w = w_ref[...]
        s1 = s1_s[...]
        s2 = jnp.sum(w * w, axis=1)
        mm = jax.lax.dot_general(ks, w, (((1,), (1,)), ((), ())),
                                 preferred_element_type=jnp.float32)
        d = s1 + s2[None, :] - 2.0 * mm
        bval = jnp.min(d, axis=1, keepdims=True)
        iot = jax.lax.broadcasted_iota(jnp.int32, d.shape, 1)
        bidx = jnp.min(jnp.where(d == bval, iot, 2 ** 30), axis=1,
                       keepdims=True) + i * _CB
        rv = rv_ref[...]
        ri = ri_ref[...]
        upd = (bval < rv) | ((bval == rv) & (bidx < ri))
        rv_ref[...] = jnp.where(upd, bval, rv)
        ri_ref[...] = jnp.where(upd, bidx, ri)

    @pl.when(i == _NBLK)
    def _():
        mi_ref[...] = ri_ref[...]
        iot_j = jax.lax.broadcasted_iota(jnp.int32, (_B, _W), 1)
        iot_1w = jax.lax.broadcasted_iota(jnp.int32, (1, _W), 1)
        p0_rows = []
        j0_rows = []
        sb_rows = []
        for b in range(_B):
            e0 = jnp.clip(ri_ref[b * _T, 0], 0, _N_E - 1)
            s = jnp.minimum((e0 // 256) * 256, _N_E - _W)
            s = pl.multiple_of(s, 256)
            j0b = e0 - s
            wwin = wf_ref[pl.ds(s, _W), :]
            ks_b = ks3_ref[b]
            s1b = jnp.sum(ks_b * ks_b, axis=1, keepdims=True)
            s2b = jnp.sum(wwin * wwin, axis=1)
            mmb = jax.lax.dot_general(ks_b, wwin, (((1,), (1,)), ((), ())),
                                      preferred_element_type=jnp.float32)
            dw = s1b + s2b[None, :] - 2.0 * mmb
            dnext = jnp.concatenate([dw[:, 1:], dw[:, :1]], axis=1)
            adv = (dnext < dw) & (jax.lax.broadcasted_iota(
                jnp.int32, dw.shape, 1) < (_N_E - 1 - s))
            adv_s[:, b, :] = adv.astype(jnp.float32)
            p0_rows.append((iot_1w == j0b).astype(jnp.float32))
            j0_rows.append(jnp.zeros((1, 1), jnp.int32) + j0b)
            sb_rows.append(jnp.zeros((1, 1), jnp.int32) + s)

        p0 = jnp.concatenate(p0_rows, axis=0)
        j0 = jnp.concatenate(j0_rows, axis=0)
        sbcol = jnp.concatenate(sb_rows, axis=0)
        p_s[0] = p0

        def body(t, carry):
            p, j = carry
            advrow = adv_s[pl.ds(t, 1)].reshape(_B, _W)
            a = jnp.sum(p * advrow, axis=1, keepdims=True)
            pshift = jnp.concatenate([p[:, :1] * 0.0, p[:, :-1]], axis=1)
            p = jnp.where(a > 0.0, pshift, p)
            j = j + a.astype(jnp.int32)
            p_s[pl.ds(t, 1)] = p.reshape(1, _B, _W)
            return (p, j)

        pT, jT = jax.lax.fori_loop(1, _T, body, (p0, j0))

        pall = p_s[...]
        jf = jnp.sum(pall * iot_j[None].astype(jnp.float32), axis=2)
        enc_ref[...] = jnp.swapaxes(jf.astype(jnp.int32), 0, 1) + sbcol
        v_ref[...] = jnp.max(jT - j0)[None, None]


def _ab_pass(ksf, key_soft, W):
    bt = ksf.shape[0]
    return pl.pallas_call(
        _ab_kernel,
        grid=(_NBLK + 1,),
        in_specs=[
            pl.BlockSpec((bt, _E), lambda i: (0, 0)),
            pl.BlockSpec((_CB, _E), lambda i: (jnp.minimum(i, _NBLK - 1), 0)),
            pl.BlockSpec((1, _E), lambda i: (0, 0)),
            pl.BlockSpec((_B, _T, _E), lambda i: (0, 0, 0)),
            pl.BlockSpec((_N_E + 1, _E), lambda i: (0, 0)),
        ],
        out_specs=[
            pl.BlockSpec((bt, 1), lambda i: (0, 0)),
            pl.BlockSpec((_B, _T), lambda i: (0, 0)),
            pl.BlockSpec((1, 1), lambda i: (0, 0)),
        ],
        out_shape=[
            jax.ShapeDtypeStruct((bt, 1), jnp.int32),
            jax.ShapeDtypeStruct((_B, _T), jnp.int32),
            jax.ShapeDtypeStruct((1, 1), jnp.int32),
        ],
        scratch_shapes=[
            pltpu.VMEM((bt, 1), jnp.float32),
            pltpu.VMEM((bt, 1), jnp.float32),
            pltpu.VMEM((bt, 1), jnp.int32),
            pltpu.VMEM((_T, _B, _W), jnp.float32),
            pltpu.VMEM((_T, _B, _W), jnp.float32),
        ],
    )(ksf, W, W[_N_E:], key_soft, W)



def _gather3(W, idx_h, idx_n, idx_m):
    from jax.experimental.pallas import tpu_sc as plsc
    from jax import lax
    info = plsc.get_sparse_core_info()
    nc, ns = info.num_cores, info.num_subcores
    nw = nc * ns
    bt = idx_h.shape[0]
    bpw = bt // nw
    mesh = plsc.VectorSubcoreMesh(core_axis_name="c", subcore_axis_name="s")

    @functools.partial(
        pl.kernel, mesh=mesh,
        out_type=[jax.ShapeDtypeStruct((bt, _E), jnp.float32)] * 3,
        scratch_types=[
            pltpu.VMEM((bpw,), jnp.int32),
            pltpu.VMEM((bpw,), jnp.int32),
            pltpu.VMEM((bpw,), jnp.int32),
            pltpu.VMEM((bpw, _E), jnp.float32),
            pltpu.VMEM((bpw, _E), jnp.float32),
            pltpu.VMEM((bpw, _E), jnp.float32),
            pltpu.SemaphoreType.DMA,
        ],
    )
    def k(w_hbm, ih_hbm, in_hbm, im_hbm, oh_hbm, on_hbm, om_hbm,
          i0, i1, i2, r0, r1, r2, sem):
        wid = lax.axis_index("s") * nc + lax.axis_index("c")
        base = wid * bpw
        idxs = (i0, i1, i2)
        rows = (r0, r1, r2)
        for src, iv in zip((ih_hbm, in_hbm, im_hbm), idxs):
            pltpu.sync_copy(src.at[pl.ds(base, bpw)], iv)
        copies = [pltpu.async_copy(w_hbm.at[iv], rv, sem)
                  for iv, rv in zip(idxs, rows)]
        for c in copies:
            c.wait()
        for rv, dst in zip(rows, (oh_hbm, on_hbm, om_hbm)):
            pltpu.sync_copy(rv, dst.at[pl.ds(base, bpw)])

    return k(W, idx_h, idx_n, idx_m)



def _rowsum(x):
    u = x[:, :128] + x[:, 128:]
    acc = u[:, 0:8]
    for t in range(1, 16):
        acc = acc + u[:, 8 * t: 8 * t + 8]
    q = acc[:, 0:4] + acc[:, 4:8]
    r = q[:, 0:2] + q[:, 2:4]
    return r[:, 0:1] + r[:, 1:2]


def _loss_kernel(ks_ref, kh_ref, kn_ref, km_ref, kout_ref, lh_ref, ln_ref):
    ks = ks_ref[...]
    kh = kh_ref[...]
    kout_ref[...] = ks + (kh - ks)
    rh = _rowsum((ks - kh) ** 2)
    rn = _rowsum((ks - kn_ref[...]) ** 2)
    rm = _rowsum((ks - km_ref[...]) ** 2)
    base_h = rh * _LC + rh
    base_n = rn * _LC + rn
    lmi = rm + rm * _LC
    lh_ref[...] = base_h - jnp.where(lmi < base_h, lmi, 0.0)
    ln_ref[...] = base_n - jnp.where(lmi < base_n, lmi, 0.0)


def _loss_pass(ksf, kh, kn, km):
    bt = ksf.shape[0]
    blk = 1024
    return pl.pallas_call(
        _loss_kernel,
        grid=(bt // blk,),
        in_specs=[pl.BlockSpec((blk, _E), lambda i: (i, 0))] * 4,
        out_specs=[pl.BlockSpec((blk, _E), lambda i: (i, 0)),
                   pl.BlockSpec((blk, 1), lambda i: (i, 0)),
                   pl.BlockSpec((blk, 1), lambda i: (i, 0))],
        out_shape=[jax.ShapeDtypeStruct((bt, _E), jnp.float32)]
        + [jax.ShapeDtypeStruct((bt, 1), jnp.float32)] * 2,
    )(ksf, kh, kn, km)



def kernel(key_soft, W):
    Bx, Tx, e_dim = key_soft.shape
    n_e = W.shape[0] - 1

    ksf = key_soft.reshape(-1, e_dim)
    min_idx, encoding_indices, v11 = _ab_pass(ksf, key_soft, W)
    min_indices = min_idx[:, 0]
    v = v11.reshape(())

    eif = encoding_indices.reshape(-1)
    kh, kn, km = _gather3(W, eif, jnp.clip(eif + 1, 0, n_e - 1), min_indices)
    khard, lh, ln = _loss_pass(ksf, kh, kn, km)

    key_hard = khard.reshape(key_soft.shape)
    loss_here = lh[:, 0].reshape(Bx, Tx)
    loss_next = ln[:, 0].reshape(Bx, Tx)
    return (key_hard, encoding_indices, v, loss_here, loss_next)

# --- scband reference (transcript-rebuilt; emitter-appended) ---
"""Pipeline reference for scband-vqneighbor-basic-26405458936341 (READ-ONLY COPY).

The authoritative reference and input builder live on the scoring server;
editing this copy changes nothing except your own understanding.
"""

import jax, jax.numpy as jnp
import numpy as np

N_E = 8192
E_DIM = 256
B = 16
T = 256
LEGACY_CLUSTER = 0.2


def setup_inputs(seed: int = 0):
    key = jax.random.key(seed)
    k1, k2 = jax.random.split(key)
    key_soft = jax.random.normal(k1, (B, T, E_DIM), dtype=jnp.float32)
    W = jax.random.uniform(k2, (N_E + 1, E_DIM), dtype=jnp.float32, minval=-1.0 / N_E, maxval=1.0 / N_E)
    return {"key_soft": key_soft, "W": W}


def _compute_indices(d3, n_e):
    # d3: [B, T, n_e+1] (no grad). Sequential neighbor-constrained index selection.
    enc0 = jnp.clip(jnp.argmin(d3[:, 0, :], axis=1), 0, n_e - 1)

    def step(ind_here, d_t):
        d_here = jnp.take_along_axis(d_t, ind_here[:, None], axis=1)[:, 0]
        ind_next = jnp.clip(ind_here + 1, 0, n_e - 1)
        d_next = jnp.take_along_axis(d_t, ind_next[:, None], axis=1)[:, 0]
        ind_new = jnp.where(d_here <= d_next, ind_here, ind_next)
        return ind_new, ind_new

    _, inds = jax.lax.scan(step, enc0, jnp.transpose(d3[:, 1:, :], (1, 0, 2)))
    return jnp.concatenate([enc0[:, None], jnp.transpose(inds, (1, 0))], axis=1)


def reference(key_soft, W):
    Bx, Tx, e_dim = key_soft.shape
    n_e = W.shape[0] - 1
    lc = LEGACY_CLUSTER
    sg = jax.lax.stop_gradient

    ksf = key_soft.reshape(-1, e_dim)
    d = jnp.sum(ksf ** 2, axis=1, keepdims=True) + jnp.sum(W ** 2, axis=1) - 2.0 * (ksf @ W.T)
    d_ng = sg(d)
    min_indices = jnp.argmin(d_ng, axis=1)
    d3 = d_ng.reshape(Bx, Tx, n_e + 1)
    encoding_indices = _compute_indices(d3, n_e)

    eif = encoding_indices.reshape(-1)
    key_hard_here = jnp.take(W, eif, axis=0).reshape(key_soft.shape)
    key_hard_next = jnp.take(W, jnp.clip(eif + 1, 0, n_e - 1), axis=0).reshape(key_soft.shape)
    key_min = jnp.take(W, min_indices, axis=0).reshape(key_soft.shape)

    loss_here_base = jnp.sum((sg(key_soft) - key_hard_here) ** 2, axis=-1) * lc + jnp.sum((key_soft - sg(key_hard_here)) ** 2, axis=-1)
    loss_next_base = jnp.sum((sg(key_soft) - key_hard_next) ** 2, axis=-1) * lc + jnp.sum((key_soft - sg(key_hard_next)) ** 2, axis=-1)
    loss_min_indices = jnp.sum((sg(key_soft) - key_min) ** 2, axis=-1) + jnp.sum((key_soft - sg(key_min)) ** 2, axis=-1) * lc
    loss_min_here = jnp.where(loss_min_indices < loss_here_base, loss_min_indices, 0.0)
    loss_min_next = jnp.where(loss_min_indices < loss_next_base, loss_min_indices, 0.0)
    loss_here = loss_here_base - loss_min_here
    loss_next = loss_next_base - loss_min_next

    key_hard = key_soft + sg(key_hard_here - key_soft)

    min_i = jnp.min(encoding_indices, axis=1)
    max_i = jnp.max(encoding_indices, axis=1)
    v = jnp.max(max_i - min_i)
    return (key_hard, encoding_indices, v, loss_here, loss_next)

if __name__ == "__main__":
    import jax
    _d = setup_inputs()
    print(jax.jit(kernel)(*tuple(_d.values())))

</pallas_src>

<mosaic_0001>
#map = affine_map<(d0, d1) -> (0, 0)>
#map1 = affine_map<(d0, d1) -> (0)>
module attributes {stable_mosaic.version = 14 : i64} {
  func.func @k(%arg0: i32, %arg1: i32, %arg2: memref<8193x256xf32, #tpu.memory_space<hbm>>, %arg3: memref<4096xi32, #tpu.memory_space<hbm>>, %arg4: memref<4096xi32, #tpu.memory_space<hbm>>, %arg5: memref<4096xi32, #tpu.memory_space<hbm>>, %arg6: memref<4096x256xf32, #tpu.memory_space<hbm>>, %arg7: memref<4096x256xf32, #tpu.memory_space<hbm>>, %arg8: memref<4096x256xf32, #tpu.memory_space<hbm>>, %arg9: memref<128xi32, #tpu.memory_space<vmem>>, %arg10: memref<128xi32, #tpu.memory_space<vmem>>, %arg11: memref<128xi32, #tpu.memory_space<vmem>>, %arg12: memref<128x256xf32, #tpu.memory_space<vmem>>, %arg13: memref<128x256xf32, #tpu.memory_space<vmem>>, %arg14: memref<128x256xf32, #tpu.memory_space<vmem>>, %arg15: memref<!tpu.dma_semaphore, #tpu.memory_space<semaphore_mem>>) attributes {dimension_semantics = [#tpu.dimension_semantics<core_parallel>, #tpu.dimension_semantics<subcore_parallel>], iteration_bounds = array<i64: 2, 16>, scalar_prefetch = 0 : i64, scratch_operands = 7 : i64, tpu.core_type = #tpu.core_type<sc_vector_subcore>, window_params = [{transform_indices = #map}, {transform_indices = #map1}, {transform_indices = #map1}, {transform_indices = #map1}, {transform_indices = #map}, {transform_indices = #map}, {transform_indices = #map}]} {
    %mul3A = arith.constant 2 : i32
    %mul3A_0 = arith.muli %arg1, %mul3A : i32
    %add3A = arith.addi %mul3A_0, %arg0 : i32
    %mul3A_1 = arith.constant 128 : i32
    %mul3A_2 = arith.muli %add3A, %mul3A_1 : i32
    "tpu.region"() ({
      %run_scoped3A = tpu.sem_alloc : memref<!tpu.dma_semaphore, #tpu.memory_space<semaphore_mem>>
      %dma_start3A_19 = tpu.memref_slice %arg3[%mul3A_2] : memref<4096xi32, #tpu.memory_space<hbm>> -> memref<128xi32, #tpu.memory_space<hbm>>
      %dma_start3A_20 = tpu.memref_slice %arg3[%mul3A_2] : memref<4096xi32, #tpu.memory_space<hbm>> -> memref<128xi32, #tpu.memory_space<hbm>>
      tpu.enqueue_dma source(%dma_start3A_20 : memref<128xi32, #tpu.memory_space<hbm>>) target(%arg9 : memref<128xi32, #tpu.memory_space<vmem>>) target_semaphore(%run_scoped3A : memref<!tpu.dma_semaphore, #tpu.memory_space<semaphore_mem>>)
      %dma_wait3A_21 = tpu.memref_slice %arg3[%mul3A_2] : memref<4096xi32, #tpu.memory_space<hbm>> -> memref<128xi32, #tpu.memory_space<hbm>>
      %dma_wait3A_22 = tpu.memref_slice %arg3[%mul3A_2] : memref<4096xi32, #tpu.memory_space<hbm>> -> memref<128xi32, #tpu.memory_space<hbm>>
      tpu.wait_dma2 semaphore(%run_scoped3A : memref<!tpu.dma_semaphore, #tpu.memory_space<semaphore_mem>>) src(%dma_wait3A_22 : memref<128xi32, #tpu.memory_space<hbm>>) dst(%arg9 : memref<128xi32, #tpu.memory_space<vmem>>)
      tpu.yield
    }) : () -> ()
    "tpu.region"() ({
      %run_scoped3A = tpu.sem_alloc : memref<!tpu.dma_semaphore, #tpu.memory_space<semaphore_mem>>
      %dma_start3A_19 = tpu.memref_slice %arg4[%mul3A_2] : memref<4096xi32, #tpu.memory_space<hbm>> -> memref<128xi32, #tpu.memory_space<hbm>>
      %dma_start3A_20 = tpu.memref_slice %arg4[%mul3A_2] : memref<4096xi32, #tpu.memory_space<hbm>> -> memref<128xi32, #tpu.memory_space<hbm>>
      tpu.enqueue_dma source(%dma_start3A_20 : memref<128xi32, #tpu.memory_space<hbm>>) target(%arg10 : memref<128xi32, #tpu.memory_space<vmem>>) target_semaphore(%run_scoped3A : memref<!tpu.dma_semaphore, #tpu.memory_space<semaphore_mem>>)
      %dma_wait3A_21 = tpu.memref_slice %arg4[%mul3A_2] : memref<4096xi32, #tpu.memory_space<hbm>> -> memref<128xi32, #tpu.memory_space<hbm>>
      %dma_wait3A_22 = tpu.memref_slice %arg4[%mul3A_2] : memref<4096xi32, #tpu.memory_space<hbm>> -> memref<128xi32, #tpu.memory_space<hbm>>
      tpu.wait_dma2 semaphore(%run_scoped3A : memref<!tpu.dma_semaphore, #tpu.memory_space<semaphore_mem>>) src(%dma_wait3A_22 : memref<128xi32, #tpu.memory_space<hbm>>) dst(%arg10 : memref<128xi32, #tpu.memory_space<vmem>>)
      tpu.yield
    }) : () -> ()
    "tpu.region"() ({
      %run_scoped3A = tpu.sem_alloc : memref<!tpu.dma_semaphore, #tpu.memory_space<semaphore_mem>>
      %dma_start3A_19 = tpu.memref_slice %arg5[%mul3A_2] : memref<4096xi32, #tpu.memory_space<hbm>> -> memref<128xi32, #tpu.memory_space<hbm>>
      %dma_start3A_20 = tpu.memref_slice %arg5[%mul3A_2] : memref<4096xi32, #tpu.memory_space<hbm>> -> memref<128xi32, #tpu.memory_space<hbm>>
      tpu.enqueue_dma source(%dma_start3A_20 : memref<128xi32, #tpu.memory_space<hbm>>) target(%arg11 : memref<128xi32, #tpu.memory_space<vmem>>) target_semaphore(%run_scoped3A : memref<!tpu.dma_semaphore, #tpu.memory_space<semaphore_mem>>)
      %dma_wait3A_21 = tpu.memref_slice %arg5[%mul3A_2] : memref<4096xi32, #tpu.memory_space<hbm>> -> memref<128xi32, #tpu.memory_space<hbm>>
      %dma_wait3A_22 = tpu.memref_slice %arg5[%mul3A_2] : memref<4096xi32, #tpu.memory_space<hbm>> -> memref<128xi32, #tpu.memory_space<hbm>>
      tpu.wait_dma2 semaphore(%run_scoped3A : memref<!tpu.dma_semaphore, #tpu.memory_space<semaphore_mem>>) src(%dma_wait3A_22 : memref<128xi32, #tpu.memory_space<hbm>>) dst(%arg11 : memref<128xi32, #tpu.memory_space<vmem>>)
      tpu.yield
    }) : () -> ()
    %dma_start3A = arith.constant 0 : i32
    %dma_start3A_3 = arith.constant 0 : i32
    %dma_start3A_4 = tpu.memref_slice %arg2[%dma_start3A, %dma_start3A_3] : memref<8193x256xf32, #tpu.memory_space<hbm>> -> memref<8193x256xf32, #tpu.memory_space<hbm>>
    tpu.enqueue_indirect_dma source(%dma_start3A_4 : memref<8193x256xf32, #tpu.memory_space<hbm>>) target(%arg12 : memref<128x256xf32, #tpu.memory_space<vmem>>) offsets(%arg9 : memref<128xi32, #tpu.memory_space<vmem>>) semaphore(%arg15 : memref<!tpu.dma_semaphore, #tpu.memory_space<semaphore_mem>>)
    %dma_start3A_5 = arith.constant 0 : i32
    %dma_start3A_6 = arith.constant 0 : i32
    %dma_start3A_7 = tpu.memref_slice %arg2[%dma_start3A_5, %dma_start3A_6] : memref<8193x256xf32, #tpu.memory_space<hbm>> -> memref<8193x256xf32, #tpu.memory_space<hbm>>
    tpu.enqueue_indirect_dma source(%dma_start3A_7 : memref<8193x256xf32, #tpu.memory_space<hbm>>) target(%arg13 : memref<128x256xf32, #tpu.memory_space<vmem>>) offsets(%arg10 : memref<128xi32, #tpu.memory_space<vmem>>) semaphore(%arg15 : memref<!tpu.dma_semaphore, #tpu.memory_space<semaphore_mem>>)
    %dma_start3A_8 = arith.constant 0 : i32
    %dma_start3A_9 = arith.constant 0 : i32
    %dma_start3A_10 = tpu.memref_slice %arg2[%dma_start3A_8, %dma_start3A_9] : memref<8193x256xf32, #tpu.memory_space<hbm>> -> memref<8193x256xf32, #tpu.memory_space<hbm>>
    tpu.enqueue_indirect_dma source(%dma_start3A_10 : memref<8193x256xf32, #tpu.memory_space<hbm>>) target(%arg14 : memref<128x256xf32, #tpu.memory_space<vmem>>) offsets(%arg11 : memref<128xi32, #tpu.memory_space<vmem>>) semaphore(%arg15 : memref<!tpu.dma_semaphore, #tpu.memory_space<semaphore_mem>>)
    %dma_wait3A = arith.constant 0 : i32
    %dma_wait3A_11 = arith.constant 0 : i32
    %dma_wait3A_12 = tpu.memref_slice %arg2[%dma_wait3A, %dma_wait3A_11] : memref<8193x256xf32, #tpu.memory_space<hbm>> -> memref<8193x256xf32, #tpu.memory_space<hbm>>
    tpu.wait_indirect_dma semaphore(%arg15 : memref<!tpu.dma_semaphore, #tpu.memory_space<semaphore_mem>>) src(%dma_wait3A_12 : memref<8193x256xf32, #tpu.memory_space<hbm>>) dst(%arg12 : memref<128x256xf32, #tpu.memory_space<vmem>>)
    %dma_wait3A_13 = arith.constant 0 : i32
    %dma_wait3A_14 = arith.constant 0 : i32
    %dma_wait3A_15 = tpu.memref_slice %arg2[%dma_wait3A_13, %dma_wait3A_14] : memref<8193x256xf32, #tpu.memory_space<hbm>> -> memref<8193x256xf32, #tpu.memory_space<hbm>>
    tpu.wait_indirect_dma semaphore(%arg15 : memref<!tpu.dma_semaphore, #tpu.memory_space<semaphore_mem>>) src(%dma_wait3A_15 : memref<8193x256xf32, #tpu.memory_space<hbm>>) dst(%arg13 : memref<128x256xf32, #tpu.memory_space<vmem>>)
    %dma_wait3A_16 = arith.constant 0 : i32
    %dma_wait3A_17 = arith.constant 0 : i32
    %dma_wait3A_18 = tpu.memref_slice %arg2[%dma_wait3A_16, %dma_wait3A_17] : memref<8193x256xf32, #tpu.memory_space<hbm>> -> memref<8193x256xf32, #tpu.memory_space<hbm>>
    tpu.wait_indirect_dma semaphore(%arg15 : memref<!tpu.dma_semaphore, #tpu.memory_space<semaphore_mem>>) src(%dma_wait3A_18 : memref<8193x256xf32, #tpu.memory_space<hbm>>) dst(%arg14 : memref<128x256xf32, #tpu.memory_space<vmem>>)
    "tpu.region"() ({
      %run_scoped3A = tpu.sem_alloc : memref<!tpu.dma_semaphore, #tpu.memory_space<semaphore_mem>>
      %dma_start3A_19 = arith.constant 0 : i32
      %dma_start3A_20 = tpu.memref_slice %arg6[%mul3A_2, %dma_start3A_19] : memref<4096x256xf32, #tpu.memory_space<hbm>> -> memref<128x256xf32, #tpu.memory_space<hbm>>
      %dma_start3A_21 = arith.constant 0 : i32
      %dma_start3A_22 = tpu.memref_slice %arg6[%mul3A_2, %dma_start3A_21] : memref<4096x256xf32, #tpu.memory_space<hbm>> -> memref<128x256xf32, #tpu.memory_space<hbm>>
      tpu.enqueue_dma source(%arg12 : memref<128x256xf32, #tpu.memory_space<vmem>>) target(%dma_start3A_22 : memref<128x256xf32, #tpu.memory_space<hbm>>) target_semaphore(%run_scoped3A : memref<!tpu.dma_semaphore, #tpu.memory_space<semaphore_mem>>)
      %dma_wait3A_23 = arith.constant 0 : i32
      %dma_wait3A_24 = tpu.memref_slice %arg6[%mul3A_2, %dma_wait3A_23] : memref<4096x256xf32, #tpu.memory_space<hbm>> -> memref<128x256xf32, #tpu.memory_space<hbm>>
      %dma_wait3A_25 = arith.constant 0 : i32
      %dma_wait3A_26 = tpu.memref_slice %arg6[%mul3A_2, %dma_wait3A_25] : memref<4096x256xf32, #tpu.memory_space<hbm>> -> memref<128x256xf32, #tpu.memory_space<hbm>>
      tpu.wait_dma2 semaphore(%run_scoped3A : memref<!tpu.dma_semaphore, #tpu.memory_space<semaphore_mem>>) src(%arg12 : memref<128x256xf32, #tpu.memory_space<vmem>>) dst(%dma_wait3A_26 : memref<128x256xf32, #tpu.memory_space<hbm>>)
      tpu.yield
    }) : () -> ()
    "tpu.region"() ({
      %run_scoped3A = tpu.sem_alloc : memref<!tpu.dma_semaphore, #tpu.memory_space<semaphore_mem>>
      %dma_start3A_19 = arith.constant 0 : i32
      %dma_start3A_20 = tpu.memref_slice %arg7[%mul3A_2, %dma_start3A_19] : memref<4096x256xf32, #tpu.memory_space<hbm>> -> memref<128x256xf32, #tpu.memory_space<hbm>>
      %dma_start3A_21 = arith.constant 0 : i32
      %dma_start3A_22 = tpu.memref_slice %arg7[%mul3A_2, %dma_start3A_21] : memref<4096x256xf32, #tpu.memory_space<hbm>> -> memref<128x256xf32, #tpu.memory_space<hbm>>
      tpu.enqueue_dma source(%arg13 : memref<128x256xf32, #tpu.memory_space<vmem>>) target(%dma_start3A_22 : memref<128x256xf32, #tpu.memory_space<hbm>>) target_semaphore(%run_scoped3A : memref<!tpu.dma_semaphore, #tpu.memory_space<semaphore_mem>>)
      %dma_wait3A_23 = arith.constant 0 : i32
      %dma_wait3A_24 = tpu.memref_slice %arg7[%mul3A_2, %dma_wait3A_23] : memref<4096x256xf32, #tpu.memory_space<hbm>> -> memref<128x256xf32, #tpu.memory_space<hbm>>
      %dma_wait3A_25 = arith.constant 0 : i32
      %dma_wait3A_26 = tpu.memref_slice %arg7[%mul3A_2, %dma_wait3A_25] : memref<4096x256xf32, #tpu.memory_space<hbm>> -> memref<128x256xf32, #tpu.memory_space<hbm>>
      tpu.wait_dma2 semaphore(%run_scoped3A : memref<!tpu.dma_semaphore, #tpu.memory_space<semaphore_mem>>) src(%arg13 : memref<128x256xf32, #tpu.memory_space<vmem>>) dst(%dma_wait3A_26 : memref<128x256xf32, #tpu.memory_space<hbm>>)
      tpu.yield
    }) : () -> ()
    "tpu.region"() ({
      %run_scoped3A = tpu.sem_alloc : memref<!tpu.dma_semaphore, #tpu.memory_space<semaphore_mem>>
      %dma_start3A_19 = arith.constant 0 : i32
      %dma_start3A_20 = tpu.memref_slice %arg8[%mul3A_2, %dma_start3A_19] : memref<4096x256xf32, #tpu.memory_space<hbm>> -> memref<128x256xf32, #tpu.memory_space<hbm>>
      %dma_start3A_21 = arith.constant 0 : i32
      %dma_start3A_22 = tpu.memref_slice %arg8[%mul3A_2, %dma_start3A_21] : memref<4096x256xf32, #tpu.memory_space<hbm>> -> memref<128x256xf32, #tpu.memory_space<hbm>>
      tpu.enqueue_dma source(%arg14 : memref<128x256xf32, #tpu.memory_space<vmem>>) target(%dma_start3A_22 : memref<128x256xf32, #tpu.memory_space<hbm>>) target_semaphore(%run_scoped3A : memref<!tpu.dma_semaphore, #tpu.memory_space<semaphore_mem>>)
      %dma_wait3A_23 = arith.constant 0 : i32
      %dma_wait3A_24 = tpu.memref_slice %arg8[%mul3A_2, %dma_wait3A_23] : memref<4096x256xf32, #tpu.memory_space<hbm>> -> memref<128x256xf32, #tpu.memory_space<hbm>>
      %dma_wait3A_25 = arith.constant 0 : i32
      %dma_wait3A_26 = tpu.memref_slice %arg8[%mul3A_2, %dma_wait3A_25] : memref<4096x256xf32, #tpu.memory_space<hbm>> -> memref<128x256xf32, #tpu.memory_space<hbm>>
      tpu.wait_dma2 semaphore(%run_scoped3A : memref<!tpu.dma_semaphore, #tpu.memory_space<semaphore_mem>>) src(%arg14 : memref<128x256xf32, #tpu.memory_space<vmem>>) dst(%dma_wait3A_26 : memref<128x256xf32, #tpu.memory_space<hbm>>)
      tpu.yield
    }) : () -> ()
    return
  }
}

module attributes {stable_mosaic.version = 14 : i64} {
  func.func @_loss_kernel(%arg0: i32, %arg1: memref<1024x256xf32, #tpu.memory_space<vmem>>, %arg2: memref<1024x256xf32, #tpu.memory_space<vmem>>, %arg3: memref<1024x256xf32, #tpu.memory_space<vmem>>, %arg4: memref<1024x256xf32, #tpu.memory_space<vmem>>, %arg5: memref<1024x256xf32, #tpu.memory_space<vmem>>, %arg6: memref<1024x1xf32, #tpu.memory_space<vmem>>, %arg7: memref<1024x1xf32, #tpu.memory_space<vmem>>) attributes {dimension_semantics = [#tpu.dimension_semantics<arbitrary>], iteration_bounds = array<i64: 4>, scalar_prefetch = 0 : i64, scratch_operands = 0 : i64, tpu.core_type = #tpu.core_type<tc>, window_params = [{transform_indices = @transform_0, window_bounds = array<i64: 1024, 256>}, {transform_indices = @transform_1, window_bounds = array<i64: 1024, 256>}, {transform_indices = @transform_2, window_bounds = array<i64: 1024, 256>}, {transform_indices = @transform_3, window_bounds = array<i64: 1024, 256>}, {transform_indices = @transform_4, window_bounds = array<i64: 1024, 256>}, {transform_indices = @transform_5, window_bounds = array<i64: 1024, 1>}, {transform_indices = @transform_6, window_bounds = array<i64: 1024, 1>}]} {
    %get3A = arith.constant 0 : index
    %get3A_0 = arith.constant 0 : index
    %get3A_1 = vector.load %arg1[%get3A, %get3A_0] : memref<1024x256xf32, #tpu.memory_space<vmem>>, vector<1024x256xf32>
    %get3A_2 = arith.constant 0 : index
    %get3A_3 = arith.constant 0 : index
    %get3A_4 = vector.load %arg2[%get3A_2, %get3A_3] : memref<1024x256xf32, #tpu.memory_space<vmem>>, vector<1024x256xf32>
    %sub3A = arith.subf %get3A_4, %get3A_1 : vector<1024x256xf32>
    %add3A = arith.addf %get3A_1, %sub3A : vector<1024x256xf32>
    %swap3A = arith.constant 0 : index
    %swap3A_5 = arith.constant 0 : index
    %swap3A_6 = vector.load %arg5[%swap3A, %swap3A_5] : memref<1024x256xf32, #tpu.memory_space<vmem>>, vector<1024x256xf32>
    tpu.vector_store %arg5[%swap3A, %swap3A_5], %add3A {strides = array<i32>} : memref<1024x256xf32, #tpu.memory_space<vmem>>, vector<1024x256xf32>,
    %sub3A_7 = arith.subf %get3A_1, %get3A_4 : vector<1024x256xf32>
    %integer_pow3A = arith.mulf %sub3A_7, %sub3A_7 : vector<1024x256xf32>
    %slice3A = vector.extract_strided_slice %integer_pow3A {offsets = [0, 0], sizes = [1024, 128], strides = [1, 1]} : vector<1024x256xf32> to vector<1024x128xf32>
    %slice3A_8 = vector.extract_strided_slice %integer_pow3A {offsets = [0, 128], sizes = [1024, 128], strides = [1, 1]} : vector<1024x256xf32> to vector<1024x128xf32>
    %add3A_9 = arith.addf %slice3A, %slice3A_8 : vector<1024x128xf32>
    %slice3A_10 = vector.extract_strided_slice %add3A_9 {offsets = [0, 0], sizes = [1024, 8], strides = [1, 1]} : vector<1024x128xf32> to vector<1024x8xf32>
    %slice3A_11 = vector.extract_strided_slice %add3A_9 {offsets = [0, 8], sizes = [1024, 8], strides = [1, 1]} : vector<1024x128xf32> to vector<1024x8xf32>
    %add3A_12 = arith.addf %slice3A_10, %slice3A_11 : vector<1024x8xf32>
    %slice3A_13 = vector.extract_strided_slice %add3A_9 {offsets = [0, 16], sizes = [1024, 8], strides = [1, 1]} : vector<1024x128xf32> to vector<1024x8xf32>
    %add3A_14 = arith.addf %add3A_12, %slice3A_13 : vector<1024x8xf32>
    %slice3A_15 = vector.extract_strided_slice %add3A_9 {offsets = [0, 24], sizes = [1024, 8], strides = [1, 1]} : vector<1024x128xf32> to vector<1024x8xf32>
    %add3A_16 = arith.addf %add3A_14, %slice3A_15 : vector<1024x8xf32>
    %slice3A_17 = vector.extract_strided_slice %add3A_9 {offsets = [0, 32], sizes = [1024, 8], strides = [1, 1]} : vector<1024x128xf32> to vector<1024x8xf32>
    %add3A_18 = arith.addf %add3A_16, %slice3A_17 : vector<1024x8xf32>
    %slice3A_19 = vector.extract_strided_slice %add3A_9 {offsets = [0, 40], sizes = [1024, 8], strides = [1, 1]} : vector<1024x128xf32> to vector<1024x8xf32>
    %add3A_20 = arith.addf %add3A_18, %slice3A_19 : vector<1024x8xf32>
    %slice3A_21 = vector.extract_strided_slice %add3A_9 {offsets = [0, 48], sizes = [1024, 8], strides = [1, 1]} : vector<1024x128xf32> to vector<1024x8xf32>
    %add3A_22 = arith.addf %add3A_20, %slice3A_21 : vector<1024x8xf32>
    %slice3A_23 = vector.extract_strided_slice %add3A_9 {offsets = [0, 56], sizes = [1024, 8], strides = [1, 1]} : vector<1024x128xf32> to vector<1024x8xf32>
    %add3A_24 = arith.addf %add3A_22, %slice3A_23 : vector<1024x8xf32>
    %slice3A_25 = vector.extract_strided_slice %add3A_9 {offsets = [0, 64], sizes = [1024, 8], strides = [1, 1]} : vector<1024x128xf32> to vector<1024x8xf32>
    %add3A_26 = arith.addf %add3A_24, %slice3A_25 : vector<1024x8xf32>
    %slice3A_27 = vector.extract_strided_slice %add3A_9 {offsets = [0, 72], sizes = [1024, 8], strides = [1, 1]} : vector<1024x128xf32> to vector<1024x8xf32>
    %add3A_28 = arith.addf %add3A_26, %slice3A_27 : vector<1024x8xf32>
    %slice3A_29 = vector.extract_strided_slice %add3A_9 {offsets = [0, 80], sizes = [1024, 8], strides = [1, 1]} : vector<1024x128xf32> to vector<1024x8xf32>
    %add3A_30 = arith.addf %add3A_28, %slice3A_29 : vector<1024x8xf32>
    %slice3A_31 = vector.extract_strided_slice %add3A_9 {offsets = [0, 88], sizes = [1024, 8], strides = [1, 1]} : vector<1024x128xf32> to vector<1024x8xf32>
    %add3A_32 = arith.addf %add3A_30, %slice3A_31 : vector<1024x8xf32>
    %slice3A_33 = vector.extract_strided_slice %add3A_9 {offsets = [0, 96], sizes = [1024, 8], strides = [1, 1]} : vector<1024x128xf32> to vector<1024x8xf32>
    %add3A_34 = arith.addf %add3A_32, %slice3A_33 : vector<1024x8xf32>
    %slice3A_35 = vector.extract_strided_slice %add3A_9 {offsets = [0, 104], sizes = [1024, 8], strides = [1, 1]} : vector<1024x128xf32> to vector<1024x8xf32>
    %add3A_36 = arith.addf %add3A_34, %slice3A_35 : vector<1024x8xf32>
    %slice3A_37 = vector.extract_strided_slice %add3A_9 {offsets = [0, 112], sizes = [1024, 8], strides = [1, 1]} : vector<1024x128xf32> to vector<1024x8xf32>
    %add3A_38 = arith.addf %add3A_36, %slice3A_37 : vector<1024x8xf32>
    %slice3A_39 = vector.extract_strided_slice %add3A_9 {offsets = [0, 120], sizes = [1024, 8], strides = [1, 1]} : vector<1024x128xf32> to vector<1024x8xf32>
    %add3A_40 = arith.addf %add3A_38, %slice3A_39 : vector<1024x8xf32>
    %slice3A_41 = vector.extract_strided_slice %add3A_40 {offsets = [0, 0], sizes = [1024, 4], strides = [1, 1]} : vector<1024x8xf32> to vector<1024x4xf32>
    %slice3A_42 = vector.extract_strided_slice %add3A_40 {offsets = [0, 4], sizes = [1024, 4], strides = [1, 1]} : vector<1024x8xf32> to vector<1024x4xf32>
    %add3A_43 = arith.addf %slice3A_41, %slice3A_42 : vector<1024x4xf32>
    %slice3A_44 = vector.extract_strided_slice %add3A_43 {offsets = [0, 0], sizes = [1024, 2], strides = [1, 1]} : vector<1024x4xf32> to vector<1024x2xf32>
    %slice3A_45 = vector.extract_strided_slice %add3A_43 {offsets = [0, 2], sizes = [1024, 2], strides = [1, 1]} : vector<1024x4xf32> to vector<1024x2xf32>
    %add3A_46 = arith.addf %slice3A_44, %slice3A_45 : vector<1024x2xf32>
    %slice3A_47 = vector.extract_strided_slice %add3A_46 {offsets = [0, 0], sizes = [1024, 1], strides = [1, 1]} : vector<1024x2xf32> to vector<1024x1xf32>
    %slice3A_48 = vector.extract_strided_slice %add3A_46 {offsets = [0, 1], sizes = [1024, 1], strides = [1, 1]} : vector<1024x2xf32> to vector<1024x1xf32>
    %add3A_49 = arith.addf %slice3A_47, %slice3A_48 : vector<1024x1xf32>
    %get3A_50 = arith.constant 0 : index
    %get3A_51 = arith.constant 0 : index
    %get3A_52 = vector.load %arg3[%get3A_50, %get3A_51] : memref<1024x256xf32, #tpu.memory_space<vmem>>, vector<1024x256xf32>
    %sub3A_53 = arith.subf %get3A_1, %get3A_52 : vector<1024x256xf32>
    %integer_pow3A_54 = arith.mulf %sub3A_53, %sub3A_53 : vector<1024x256xf32>
    %slice3A_55 = vector.extract_strided_slice %integer_pow3A_54 {offsets = [0, 0], sizes = [1024, 128], strides = [1, 1]} : vector<1024x256xf32> to vector<1024x128xf32>
    %slice3A_56 = vector.extract_strided_slice %integer_pow3A_54 {offsets = [0, 128], sizes = [1024, 128], strides = [1, 1]} : vector<1024x256xf32> to vector<1024x128xf32>
    %add3A_57 = arith.addf %slice3A_55, %slice3A_56 : vector<1024x128xf32>
    %slice3A_58 = vector.extract_strided_slice %add3A_57 {offsets = [0, 0], sizes = [1024, 8], strides = [1, 1]} : vector<1024x128xf32> to vector<1024x8xf32>
    %slice3A_59 = vector.extract_strided_slice %add3A_57 {offsets = [0, 8], sizes = [1024, 8], strides = [1, 1]} : vector<1024x128xf32> to vector<1024x8xf32>
    %add3A_60 = arith.addf %slice3A_58, %slice3A_59 : vector<1024x8xf32>
    %slice3A_61 = vector.extract_strided_slice %add3A_57 {offsets = [0, 16], sizes = [1024, 8], strides = [1, 1]} : vector<1024x128xf32> to vector<1024x8xf32>
    %add3A_62 = arith.addf %add3A_60, %slice3A_61 : vector<1024x8xf32>
    %slice3A_63 = vector.extract_strided_slice %add3A_57 {offsets = [0, 24], sizes = [1024, 8], strides = [1, 1]} : vector<1024x128xf32> to vector<1024x8xf32>
    %add3A_64 = arith.addf %add3A_62, %slice3A_63 : vector<1024x8xf32>
    %slice3A_65 = vector.extract_strided_slice %add3A_57 {offsets = [0, 32], sizes = [1024, 8], strides = [1, 1]} : vector<1024x128xf32> to vector<1024x8xf32>
    %add3A_66 = arith.addf %add3A_64, %slice3A_65 : vector<1024x8xf32>
    %slice3A_67 = vector.extract_strided_slice %add3A_57 {offsets = [0, 40], sizes = [1024, 8], strides = [1, 1]} : vector<1024x128xf32> to vector<1024x8xf32>
    %add3A_68 = arith.addf %add3A_66, %slice3A_67 : vector<1024x8xf32>
    %slice3A_69 = vector.extract_strided_slice %add3A_57 {offsets = [0, 48], sizes = [1024, 8], strides = [1, 1]} : vector<1024x128xf32> to vector<1024x8xf32>
    %add3A_70 = arith.addf %add3A_68, %slice3A_69 : vector<1024x8xf32>
    %slice3A_71 = vector.extract_strided_slice %add3A_57 {offsets = [0, 56], sizes = [1024, 8], strides = [1, 1]} : vector<1024x128xf32> to vector<1024x8xf32>
    %add3A_72 = arith.addf %add3A_70, %slice3A_71 : vector<1024x8xf32>
    %slice3A_73 = vector.extract_strided_slice %add3A_57 {offsets = [0, 64], sizes = [1024, 8], strides = [1, 1]} : vector<1024x128xf32> to vector<1024x8xf32>
    %add3A_74 = arith.addf %add3A_72, %slice3A_73 : vector<1024x8xf32>
    %slice3A_75 = vector.extract_strided_slice %add3A_57 {offsets = [0, 72], sizes = [1024, 8], strides = [1, 1]} : vector<1024x128xf32> to vector<1024x8xf32>
    %add3A_76 = arith.addf %add3A_74, %slice3A_75 : vector<1024x8xf32>
    %slice3A_77 = vector.extract_strided_slice %add3A_57 {offsets = [0, 80], sizes = [1024, 8], strides = [1, 1]} : vector<1024x128xf32> to vector<1024x8xf32>
    %add3A_78 = arith.addf %add3A_76, %slice3A_77 : vector<1024x8xf32>
    %slice3A_79 = vector.extract_strided_slice %add3A_57 {offsets = [0, 88], sizes = [1024, 8], strides = [1, 1]} : vector<1024x128xf32> to vector<1024x8xf32>
    %add3A_80 = arith.addf %add3A_78, %slice3A_79 : vector<1024x8xf32>
    %slice3A_81 = vector.extract_strided_slice %add3A_57 {offsets = [0, 96], sizes = [1024, 8], strides = [1, 1]} : vector<1024x128xf32> to vector<1024x8xf32>
    %add3A_82 = arith.addf %add3A_80, %slice3A_81 : vector<1024x8xf32>
    %slice3A_83 = vector.extract_strided_slice %add3A_57 {offsets = [0, 104], sizes = [1024, 8], strides = [1, 1]} : vector<1024x128xf32> to vector<1024x8xf32>
    %add3A_84 = arith.addf %add3A_82, %slice3A_83 : vector<1024x8xf32>
    %slice3A_85 = vector.extract_strided_slice %add3A_57 {offsets = [0, 112], sizes = [1024, 8], strides = [1, 1]} : vector<1024x128xf32> to vector<1024x8xf32>
    %add3A_86 = arith.addf %add3A_84, %slice3A_85 : vector<1024x8xf32>
    %slice3A_87 = vector.extract_strided_slice %add3A_57 {offsets = [0, 120], sizes = [1024, 8], strides = [1, 1]} : vector<1024x128xf32> to vector<1024x8xf32>
    %add3A_88 = arith.addf %add3A_86, %slice3A_87 : vector<1024x8xf32>
    %slice3A_89 = vector.extract_strided_slice %add3A_88 {offsets = [0, 0], sizes = [1024, 4], strides = [1, 1]} : vector<1024x8xf32> to vector<1024x4xf32>
    %slice3A_90 = vector.extract_strided_slice %add3A_88 {offsets = [0, 4], sizes = [1024, 4], strides = [1, 1]} : vector<1024x8xf32> to vector<1024x4xf32>
    %add3A_91 = arith.addf %slice3A_89, %slice3A_90 : vector<1024x4xf32>
    %slice3A_92 = vector.extract_strided_slice %add3A_91 {offsets = [0, 0], sizes = [1024, 2], strides = [1, 1]} : vector<1024x4xf32> to vector<1024x2xf32>
    %slice3A_93 = vector.extract_strided_slice %add3A_91 {offsets = [0, 2], sizes = [1024, 2], strides = [1, 1]} : vector<1024x4xf32> to vector<1024x2xf32>
    %add3A_94 = arith.addf %slice3A_92, %slice3A_93 : vector<1024x2xf32>
    %slice3A_95 = vector.extract_strided_slice %add3A_94 {offsets = [0, 0], sizes = [1024, 1], strides = [1, 1]} : vector<1024x2xf32> to vector<1024x1xf32>
    %slice3A_96 = vector.extract_strided_slice %add3A_94 {offsets = [0, 1], sizes = [1024, 1], strides = [1, 1]} : vector<1024x2xf32> to vector<1024x1xf32>
    %add3A_97 = arith.addf %slice3A_95, %slice3A_96 : vector<1024x1xf32>
    %get3A_98 = arith.constant 0 : index
    %get3A_99 = arith.constant 0 : index
    %get3A_100 = vector.load %arg4[%get3A_98, %get3A_99] : memref<1024x256xf32, #tpu.memory_space<vmem>>, vector<1024x256xf32>
    %sub3A_101 = arith.subf %get3A_1, %get3A_100 : vector<1024x256xf32>
    %integer_pow3A_102 = arith.mulf %sub3A_101, %sub3A_101 : vector<1024x256xf32>
    %slice3A_103 = vector.extract_strided_slice %integer_pow3A_102 {offsets = [0, 0], sizes = [1024, 128], strides = [1, 1]} : vector<1024x256xf32> to vector<1024x128xf32>
    %slice3A_104 = vector.extract_strided_slice %integer_pow3A_102 {offsets = [0, 128], sizes = [1024, 128], strides = [1, 1]} : vector<1024x256xf32> to vector<1024x128xf32>
    %add3A_105 = arith.addf %slice3A_103, %slice3A_104 : vector<1024x128xf32>
    %slice3A_106 = vector.extract_strided_slice %add3A_105 {offsets = [0, 0], sizes = [1024, 8], strides = [1, 1]} : vector<1024x128xf32> to vector<1024x8xf32>
    %slice3A_107 = vector.extract_strided_slice %add3A_105 {offsets = [0, 8], sizes = [1024, 8], strides = [1, 1]} : vector<1024x128xf32> to vector<1024x8xf32>
    %add3A_108 = arith.addf %slice3A_106, %slice3A_107 : vector<1024x8xf32>
    %slice3A_109 = vector.extract_strided_slice %add3A_105 {offsets = [0, 16], sizes = [1024, 8], strides = [1, 1]} : vector<1024x128xf32> to vector<1024x8xf32>
    %add3A_110 = arith.addf %add3A_108, %slice3A_109 : vector<1024x8xf32>
    %slice3A_111 = vector.extract_strided_slice %add3A_105 {offsets = [0, 24], sizes = [1024, 8], strides = [1, 1]} : vector<1024x128xf32> to vector<1024x8xf32>
    %add3A_112 = arith.addf %add3A_110, %slice3A_111 : vector<1024x8xf32>
    %slice3A_113 = vector.extract_strided_slice %add3A_105 {offsets = [0, 32], sizes = [1024, 8], strides = [1, 1]} : vector<1024x128xf32> to vector<1024x8xf32>
    %add3A_114 = arith.addf %add3A_112, %slice3A_113 : vector<1024x8xf32>
    %slice3A_115 = vector.extract_strided_slice %add3A_105 {offsets = [0, 40], sizes = [1024, 8], strides = [1, 1]} : vector<1024x128xf32> to vector<1024x8xf32>
    %add3A_116 = arith.addf %add3A_114, %slice3A_115 : vector<1024x8xf32>
    %slice3A_117 = vector.extract_strided_slice %add3A_105 {offsets = [0, 48], sizes = [1024, 8], strides = [1, 1]} : vector<1024x128xf32> to vector<1024x8xf32>
    %add3A_118 = arith.addf %add3A_116, %slice3A_117 : vector<1024x8xf32>
    %slice3A_119 = vector.extract_strided_slice %add3A_105 {offsets = [0, 56], sizes = [1024, 8], strides = [1, 1]} : vector<1024x128xf32> to vector<1024x8xf32>
    %add3A_120 = arith.addf %add3A_118, %slice3A_119 : vector<1024x8xf32>
    %slice3A_121 = vector.extract_strided_slice %add3A_105 {offsets = [0, 64], sizes = [1024, 8], strides = [1, 1]} : vector<1024x128xf32> to vector<1024x8xf32>
    %add3A_122 = arith.addf %add3A_120, %slice3A_121 : vector<1024x8xf32>
    %slice3A_123 = vector.extract_strided_slice %add3A_105 {offsets = [0, 72], sizes = [1024, 8], strides = [1, 1]} : vector<1024x128xf32> to vector<1024x8xf32>
    %add3A_124 = arith.addf %add3A_122, %slice3A_123 : vector<1024x8xf32>
    %slice3A_125 = vector.extract_strided_slice %add3A_105 {offsets = [0, 80], sizes = [1024, 8], strides = [1, 1]} : vector<1024x128xf32> to vector<1024x8xf32>
    %add3A_126 = arith.addf %add3A_124, %slice3A_125 : vector<1024x8xf32>
    %slice3A_127 = vector.extract_strided_slice %add3A_105 {offsets = [0, 88], sizes = [1024, 8], strides = [1, 1]} : vector<1024x128xf32> to vector<1024x8xf32>
    %add3A_128 = arith.addf %add3A_126, %slice3A_127 : vector<1024x8xf32>
    %slice3A_129 = vector.extract_strided_slice %add3A_105 {offsets = [0, 96], sizes = [1024, 8], strides = [1, 1]} : vector<1024x128xf32> to vector<1024x8xf32>
    %add3A_130 = arith.addf %add3A_128, %slice3A_129 : vector<1024x8xf32>
    %slice3A_131 = vector.extract_strided_slice %add3A_105 {offsets = [0, 104], sizes = [1024, 8], strides = [1, 1]} : vector<1024x128xf32> to vector<1024x8xf32>
    %add3A_132 = arith.addf %add3A_130, %slice3A_131 : vector<1024x8xf32>
    %slice3A_133 = vector.extract_strided_slice %add3A_105 {offsets = [0, 112], sizes = [1024, 8], strides = [1, 1]} : vector<1024x128xf32> to vector<1024x8xf32>
    %add3A_134 = arith.addf %add3A_132, %slice3A_133 : vector<1024x8xf32>
    %slice3A_135 = vector.extract_strided_slice %add3A_105 {offsets = [0, 120], sizes = [1024, 8], strides = [1, 1]} : vector<1024x128xf32> to vector<1024x8xf32>
    %add3A_136 = arith.addf %add3A_134, %slice3A_135 : vector<1024x8xf32>
    %slice3A_137 = vector.extract_strided_slice %add3A_136 {offsets = [0, 0], sizes = [1024, 4], strides = [1, 1]} : vector<1024x8xf32> to vector<1024x4xf32>
    %slice3A_138 = vector.extract_strided_slice %add3A_136 {offsets = [0, 4], sizes = [1024, 4], strides = [1, 1]} : vector<1024x8xf32> to vector<1024x4xf32>
    %add3A_139 = arith.addf %slice3A_137, %slice3A_138 : vector<1024x4xf32>
    %slice3A_140 = vector.extract_strided_slice %add3A_139 {offsets = [0, 0], sizes = [1024, 2], strides = [1, 1]} : vector<1024x4xf32> to vector<1024x2xf32>
    %slice3A_141 = vector.extract_strided_slice %add3A_139 {offsets = [0, 2], sizes = [1024, 2], strides = [1, 1]} : vector<1024x4xf32> to vector<1024x2xf32>
    %add3A_142 = arith.addf %slice3A_140, %slice3A_141 : vector<1024x2xf32>
    %slice3A_143 = vector.extract_strided_slice %add3A_142 {offsets = [0, 0], sizes = [1024, 1], strides = [1, 1]} : vector<1024x2xf32> to vector<1024x1xf32>
    %slice3A_144 = vector.extract_strided_slice %add3A_142 {offsets = [0, 1], sizes = [1024, 1], strides = [1, 1]} : vector<1024x2xf32> to vector<1024x1xf32>
    %add3A_145 = arith.addf %slice3A_143, %slice3A_144 : vector<1024x1xf32>
    %mul3A = arith.constant 2.000000e-01 : f32
    %mul3A_146 = vector.broadcast %mul3A : f32 to vector<1024x1xf32>
    %mul3A_147 = arith.mulf %add3A_49, %mul3A_146 : vector<1024x1xf32>
    %add3A_148 = arith.addf %mul3A_147, %add3A_49 : vector<1024x1xf32>
    %mul3A_149 = arith.constant 2.000000e-01 : f32
    %mul3A_150 = vector.broadcast %mul3A_149 : f32 to vector<1024x1xf32>
    %mul3A_151 = arith.mulf %add3A_97, %mul3A_150 : vector<1024x1xf32>
    %add3A_152 = arith.addf %mul3A_151, %add3A_97 : vector<1024x1xf32>
    %mul3A_153 = arith.constant 2.000000e-01 : f32
    %mul3A_154 = vector.broadcast %mul3A_153 : f32 to vector<1024x1xf32>
    %mul3A_155 = arith.mulf %add3A_145, %mul3A_154 : vector<1024x1xf32>
    %add3A_156 = arith.addf %add3A_145, %mul3A_155 : vector<1024x1xf32>
    %lt3A = arith.cmpf olt, %add3A_156, %add3A_148 : vector<1024x1xf32>
    %jit3A = arith.constant 0.000000e+00 : f32
    %broadcast_in_dim3A = vector.broadcast %jit3A : f32 to vector<1024x1xf32>
    %select_n3A = arith.select %lt3A, %add3A_156, %broadcast_in_dim3A : vector<1024x1xi1>, vector<1024x1xf32>
    %sub3A_157 = arith.subf %add3A_148, %select_n3A : vector<1024x1xf32>
    %swap3A_158 = arith.constant 0 : index
    %swap3A_159 = arith.constant 0 : index
    %swap3A_160 = vector.load %arg6[%swap3A_158, %swap3A_159] : memref<1024x1xf32, #tpu.memory_space<vmem>>, vector<1024x1xf32>
    tpu.vector_store %arg6[%swap3A_158, %swap3A_159], %sub3A_157 {strides = array<i32>} : memref<1024x1xf32, #tpu.memory_space<vmem>>, vector<1024x1xf32>,
    %lt3A_161 = arith.cmpf olt, %add3A_156, %add3A_152 : vector<1024x1xf32>
    %jit3A_162 = arith.constant 0.000000e+00 : f32
    %broadcast_in_dim3A_163 = vector.broadcast %jit3A_162 : f32 to vector<1024x1xf32>
    %select_n3A_164 = arith.select %lt3A_161, %add3A_156, %broadcast_in_dim3A_163 : vector<1024x1xi1>, vector<1024x1xf32>
    %sub3A_165 = arith.subf %add3A_152, %select_n3A_164 : vector<1024x1xf32>
    %swap3A_166 = arith.constant 0 : index
    %swap3A_167 = arith.constant 0 : index
    %swap3A_168 = vector.load %arg7[%swap3A_166, %swap3A_167] : memref<1024x1xf32, #tpu.memory_space<vmem>>, vector<1024x1xf32>
    tpu.vector_store %arg7[%swap3A_166, %swap3A_167], %sub3A_165 {strides = array<i32>} : memref<1024x1xf32, #tpu.memory_space<vmem>>, vector<1024x1xf32>,
    return
  }
  func.func @transform_0(%arg0: i32) -> (i32, i32) {
    %c0_i32 = arith.constant 0 : i32
    %c0_i32_0 = arith.constant 0 : i32
    return %arg0, %c0_i32 : i32, i32
  }
  func.func @transform_1(%arg0: i32) -> (i32, i32) {
    %c0_i32 = arith.constant 0 : i32
    %c0_i32_0 = arith.constant 0 : i32
    return %arg0, %c0_i32 : i32, i32
  }
  func.func @transform_2(%arg0: i32) -> (i32, i32) {
    %c0_i32 = arith.constant 0 : i32
    %c0_i32_0 = arith.constant 0 : i32
    return %arg0, %c0_i32 : i32, i32
  }
  func.func @transform_3(%arg0: i32) -> (i32, i32) {
    %c0_i32 = arith.constant 0 : i32
    %c0_i32_0 = arith.constant 0 : i32
    return %arg0, %c0_i32 : i32, i32
  }
  func.func @transform_4(%arg0: i32) -> (i32, i32) {
    %c0_i32 = arith.constant 0 : i32
    %c0_i32_0 = arith.constant 0 : i32
    return %arg0, %c0_i32 : i32, i32
  }
  func.func @transform_5(%arg0: i32) -> (i32, i32) {
    %c0_i32 = arith.constant 0 : i32
    %c0_i32_0 = arith.constant 0 : i32
    return %arg0, %c0_i32 : i32, i32
  }
  func.func @transform_6(%arg0: i32) -> (i32, i32) {
    %c0_i32 = arith.constant 0 : i32
    %c0_i32_0 = arith.constant 0 : i32
    return %arg0, %c0_i32 : i32, i32
  }
}

module attributes {stable_mosaic.version = 14 : i64} {
  func.func @_ab_kernel(%arg0: i32, %arg1: memref<4096x256xf32, #tpu.memory_space<vmem>>, %arg2: memref<512x256xf32, #tpu.memory_space<vmem>>, %arg3: memref<1x256xf32, #tpu.memory_space<vmem>>, %arg4: memref<16x256x256xf32, #tpu.memory_space<vmem>>, %arg5: memref<8193x256xf32, #tpu.memory_space<vmem>>, %arg6: memref<4096x1xi32, #tpu.memory_space<vmem>>, %arg7: memref<16x256xi32, #tpu.memory_space<vmem>>, %arg8: memref<1x1xi32, #tpu.memory_space<vmem>>, %arg9: memref<4096x1xf32, #tpu.memory_space<vmem>>, %arg10: memref<4096x1xf32, #tpu.memory_space<vmem>>, %arg11: memref<4096x1xi32, #tpu.memory_space<vmem>>, %arg12: memref<256x16x512xf32, #tpu.memory_space<vmem>>, %arg13: memref<256x16x512xf32, #tpu.memory_space<vmem>>) attributes {dimension_semantics = [#tpu.dimension_semantics<arbitrary>], iteration_bounds = array<i64: 17>, scalar_prefetch = 0 : i64, scratch_operands = 5 : i64, tpu.core_type = #tpu.core_type<tc>, window_params = [{pipeline_mode = #tpu.pipeline_mode<synchronous>, transform_indices = @transform_0, window_bounds = array<i64: 4096, 256>}, {transform_indices = @transform_1, window_bounds = array<i64: 512, 256>}, {pipeline_mode = #tpu.pipeline_mode<synchronous>, transform_indices = @transform_2, window_bounds = array<i64: 1, 256>}, {pipeline_mode = #tpu.pipeline_mode<synchronous>, transform_indices = @transform_3, window_bounds = array<i64: 16, 256, 256>}, {pipeline_mode = #tpu.pipeline_mode<synchronous>, transform_indices = @transform_4, window_bounds = array<i64: 8193, 256>}, {pipeline_mode = #tpu.pipeline_mode<synchronous>, transform_indices = @transform_5, window_bounds = array<i64: 4096, 1>}, {pipeline_mode = #tpu.pipeline_mode<synchronous>, transform_indices = @transform_6, window_bounds = array<i64: 16, 256>}, {pipeline_mode = #tpu.pipeline_mode<synchronous>, transform_indices = @transform_7, window_bounds = array<i64: 1, 1>}]} {
    %eq3A = arith.constant 0 : i32
    %eq3A_0 = arith.cmpi eq, %arg0, %eq3A : i32
    %convert_element_type3A = arith.extui %eq3A_0 : i1 to i32
    %cond3A = arith.constant 0 : i32
    %cond3A_1 = arith.cmpi ne, %convert_element_type3A, %cond3A : i32
    scf.if %cond3A_1 {
      %get3A = arith.constant 0 : index
      %get3A_11 = arith.constant 0 : index
      %get3A_12 = vector.load %arg1[%get3A, %get3A_11] : memref<4096x256xf32, #tpu.memory_space<vmem>>, vector<4096x256xf32>
      %mul3A = arith.mulf %get3A_12, %get3A_12 : vector<4096x256xf32>
      %reduce_sum3A = arith.constant dense<0.000000e+00> : vector<4096xf32>
      %reduce_sum3A_13 = vector.multi_reduction <add>, %mul3A, %reduce_sum3A [1] : vector<4096x256xf32> to vector<4096xf32>
      %broadcast_in_dim3A = vector.shape_cast %reduce_sum3A_13 : vector<4096xf32> to vector<4096x1xf32>
      %swap3A = arith.constant 0 : index
      %swap3A_14 = arith.constant 0 : index
      %swap3A_15 = vector.load %arg9[%swap3A, %swap3A_14] : memref<4096x1xf32, #tpu.memory_space<vmem>>, vector<4096x1xf32>
      tpu.vector_store %arg9[%swap3A, %swap3A_14], %broadcast_in_dim3A {strides = array<i32>} : memref<4096x1xf32, #tpu.memory_space<vmem>>, vector<4096x1xf32>,
      %get3A_16 = arith.constant 0 : index
      %get3A_17 = arith.constant 0 : index
      %get3A_18 = vector.load %arg3[%get3A_16, %get3A_17] : memref<1x256xf32, #tpu.memory_space<vmem>>, vector<1x256xf32>
      %mul3A_19 = arith.mulf %get3A_18, %get3A_18 : vector<1x256xf32>
      %reduce_sum3A_20 = arith.constant dense<0.000000e+00> : vector<1xf32>
      %reduce_sum3A_21 = vector.multi_reduction <add>, %mul3A_19, %reduce_sum3A_20 [1] : vector<1x256xf32> to vector<1xf32>
      %dot_general3A = arith.constant dense<0.000000e+00> : vector<4096x1xf32>
      %dot_general3A_22 = tpu.matmul %get3A_12, %get3A_18, %dot_general3A {dimension_numbers = #tpu.dot_dimension_numbers<[1], [1], [0], [0], [0, 0, 1, 0], [], []>, transpose_lhs_hint = false} : vector<4096x256xf32>, vector<1x256xf32>, vector<4096x1xf32> -> vector<4096x1xf32>
      %get3A_23 = arith.constant 0 : index
      %get3A_24 = arith.constant 0 : index
      %get3A_25 = vector.load %arg9[%get3A_23, %get3A_24] : memref<4096x1xf32, #tpu.memory_space<vmem>>, vector<4096x1xf32>
      %broadcast_in_dim3A_26 = vector.shape_cast %reduce_sum3A_21 : vector<1xf32> to vector<1x1xf32>
      %add3A = vector.broadcast %broadcast_in_dim3A_26 : vector<1x1xf32> to vector<4096x1xf32>
      %add3A_27 = arith.addf %get3A_25, %add3A : vector<4096x1xf32>
      %mul3A_28 = arith.constant 2.000000e+00 : f32
      %mul3A_29 = vector.broadcast %mul3A_28 : f32 to vector<4096x1xf32>
      %mul3A_30 = arith.mulf %mul3A_29, %dot_general3A_22 : vector<4096x1xf32>
      %sub3A = arith.subf %add3A_27, %mul3A_30 : vector<4096x1xf32>
      %swap3A_31 = arith.constant 0 : index
      %swap3A_32 = arith.constant 0 : index
      %swap3A_33 = vector.load %arg10[%swap3A_31, %swap3A_32] : memref<4096x1xf32, #tpu.memory_space<vmem>>, vector<4096x1xf32>
      tpu.vector_store %arg10[%swap3A_31, %swap3A_32], %sub3A {strides = array<i32>} : memref<4096x1xf32, #tpu.memory_space<vmem>>, vector<4096x1xf32>,
      %broadcast_in_dim3A_34 = arith.constant 8192 : i32
      %broadcast_in_dim3A_35 = vector.broadcast %broadcast_in_dim3A_34 : i32 to vector<4096x1xi32>
      %swap3A_36 = arith.constant 0 : index
      %swap3A_37 = arith.constant 0 : index
      %swap3A_38 = vector.load %arg11[%swap3A_36, %swap3A_37] : memref<4096x1xi32, #tpu.memory_space<vmem>>, vector<4096x1xi32>
      tpu.vector_store %arg11[%swap3A_36, %swap3A_37], %broadcast_in_dim3A_35 {strides = array<i32>} : memref<4096x1xi32, #tpu.memory_space<vmem>>, vector<4096x1xi32>,
    } else {
    }
    %lt3A = arith.constant 16 : i32
    %lt3A_2 = arith.cmpi slt, %arg0, %lt3A : i32
    %convert_element_type3A_3 = arith.extui %lt3A_2 : i1 to i32
    %cond3A_4 = arith.constant 0 : i32
    %cond3A_5 = arith.cmpi ne, %convert_element_type3A_3, %cond3A_4 : i32
    scf.if %cond3A_5 {
      %get3A = arith.constant 0 : index
      %get3A_11 = arith.constant 0 : index
      %get3A_12 = vector.load %arg1[%get3A, %get3A_11] : memref<4096x256xf32, #tpu.memory_space<vmem>>, vector<4096x256xf32>
      %get3A_13 = arith.constant 0 : index
      %get3A_14 = arith.constant 0 : index
      %get3A_15 = vector.load %arg2[%get3A_13, %get3A_14] : memref<512x256xf32, #tpu.memory_space<vmem>>, vector<512x256xf32>
      %get3A_16 = arith.constant 0 : index
      %get3A_17 = arith.constant 0 : index
      %get3A_18 = vector.load %arg9[%get3A_16, %get3A_17] : memref<4096x1xf32, #tpu.memory_space<vmem>>, vector<4096x1xf32>
      %mul3A = arith.mulf %get3A_15, %get3A_15 : vector<512x256xf32>
      %reduce_sum3A = arith.constant dense<0.000000e+00> : vector<512xf32>
      %reduce_sum3A_19 = vector.multi_reduction <add>, %mul3A, %reduce_sum3A [1] : vector<512x256xf32> to vector<512xf32>
      %dot_general3A = arith.constant dense<0.000000e+00> : vector<4096x512xf32>
      %dot_general3A_20 = tpu.matmul %get3A_12, %get3A_15, %dot_general3A {dimension_numbers = #tpu.dot_dimension_numbers<[1], [1], [0], [0], [0, 0, 1, 0], [], []>, transpose_lhs_hint = false} : vector<4096x256xf32>, vector<512x256xf32>, vector<4096x512xf32> -> vector<4096x512xf32>
      %broadcast_in_dim3A = vector.shape_cast %reduce_sum3A_19 : vector<512xf32> to vector<1x512xf32>
      %add3A = vector.broadcast %get3A_18 : vector<4096x1xf32> to vector<4096x512xf32>
      %add3A_21 = vector.broadcast %broadcast_in_dim3A : vector<1x512xf32> to vector<4096x512xf32>
      %add3A_22 = arith.addf %add3A, %add3A_21 : vector<4096x512xf32>
      %mul3A_23 = arith.constant 2.000000e+00 : f32
      %mul3A_24 = vector.broadcast %mul3A_23 : f32 to vector<4096x512xf32>
      %mul3A_25 = arith.mulf %mul3A_24, %dot_general3A_20 : vector<4096x512xf32>
      %sub3A = arith.subf %add3A_22, %mul3A_25 : vector<4096x512xf32>
      %reduce_min3A = arith.constant dense<0x7F800000> : vector<4096xf32>
      %reduce_min3A_26 = vector.multi_reduction <minimumf>, %sub3A, %reduce_min3A [1] : vector<4096x512xf32> to vector<4096xf32>
      %broadcast_in_dim3A_27 = vector.shape_cast %reduce_min3A_26 : vector<4096xf32> to vector<4096x1xf32>
      %iota3A = tpu.iota {dimensions = array<i32: 1>} : vector<4096x512xi32>
      %eq3A_28 = vector.broadcast %broadcast_in_dim3A_27 : vector<4096x1xf32> to vector<4096x512xf32>
      %eq3A_29 = arith.cmpf oeq, %sub3A, %eq3A_28 : vector<4096x512xf32>
      %jit3A = arith.constant 1073741824 : i32
      %broadcast_in_dim3A_30 = vector.broadcast %jit3A : i32 to vector<4096x512xi32>
      %select_n3A = arith.select %eq3A_29, %iota3A, %broadcast_in_dim3A_30 : vector<4096x512xi1>, vector<4096x512xi32>
      %reduce_min3A_31 = arith.constant dense<2147483647> : vector<4096xi32>
      %reduce_min3A_32 = vector.multi_reduction <minsi>, %select_n3A, %reduce_min3A_31 [1] : vector<4096x512xi32> to vector<4096xi32>
      %broadcast_in_dim3A_33 = vector.shape_cast %reduce_min3A_32 : vector<4096xi32> to vector<4096x1xi32>
      %mul3A_34 = arith.constant 512 : i32
      %mul3A_35 = arith.muli %arg0, %mul3A_34 : i32
      %add3A_36 = vector.broadcast %mul3A_35 : i32 to vector<4096x1xi32>
      %add3A_37 = arith.addi %broadcast_in_dim3A_33, %add3A_36 : vector<4096x1xi32>
      %get3A_38 = arith.constant 0 : index
      %get3A_39 = arith.constant 0 : index
      %get3A_40 = vector.load %arg10[%get3A_38, %get3A_39] : memref<4096x1xf32, #tpu.memory_space<vmem>>, vector<4096x1xf32>
      %get3A_41 = arith.constant 0 : index
      %get3A_42 = arith.constant 0 : index
      %get3A_43 = vector.load %arg11[%get3A_41, %get3A_42] : memref<4096x1xi32, #tpu.memory_space<vmem>>, vector<4096x1xi32>
      %lt3A_44 = arith.cmpf olt, %broadcast_in_dim3A_27, %get3A_40 : vector<4096x1xf32>
      %eq3A_45 = arith.cmpf oeq, %broadcast_in_dim3A_27, %get3A_40 : vector<4096x1xf32>
      %lt3A_46 = arith.cmpi slt, %add3A_37, %get3A_43 : vector<4096x1xi32>
      %and3A = arith.andi %eq3A_45, %lt3A_46 : vector<4096x1xi1>
      %or3A = arith.ori %lt3A_44, %and3A : vector<4096x1xi1>
      %select_n3A_47 = arith.select %or3A, %broadcast_in_dim3A_27, %get3A_40 : vector<4096x1xi1>, vector<4096x1xf32>
      %swap3A = arith.constant 0 : index
      %swap3A_48 = arith.constant 0 : index
      %swap3A_49 = vector.load %arg10[%swap3A, %swap3A_48] : memref<4096x1xf32, #tpu.memory_space<vmem>>, vector<4096x1xf32>
      tpu.vector_store %arg10[%swap3A, %swap3A_48], %select_n3A_47 {strides = array<i32>} : memref<4096x1xf32, #tpu.memory_space<vmem>>, vector<4096x1xf32>,
      %select_n3A_50 = arith.select %or3A, %add3A_37, %get3A_43 : vector<4096x1xi1>, vector<4096x1xi32>
      %swap3A_51 = arith.constant 0 : index
      %swap3A_52 = arith.constant 0 : index
      %swap3A_53 = vector.load %arg11[%swap3A_51, %swap3A_52] : memref<4096x1xi32, #tpu.memory_space<vmem>>, vector<4096x1xi32>
      tpu.vector_store %arg11[%swap3A_51, %swap3A_52], %select_n3A_50 {strides = array<i32>} : memref<4096x1xi32, #tpu.memory_space<vmem>>, vector<4096x1xi32>,
    } else {
    }
    %eq3A_6 = arith.constant 16 : i32
    %eq3A_7 = arith.cmpi eq, %arg0, %eq3A_6 : i32
    %convert_element_type3A_8 = arith.extui %eq3A_7 : i1 to i32
    %cond3A_9 = arith.constant 0 : i32
    %cond3A_10 = arith.cmpi ne, %convert_element_type3A_8, %cond3A_9 : i32
    scf.if %cond3A_10 {
      %get3A = arith.constant 0 : index
      %get3A_11 = arith.constant 0 : index
      %get3A_12 = vector.load %arg11[%get3A, %get3A_11] : memref<4096x1xi32, #tpu.memory_space<vmem>>, vector<4096x1xi32>
      %swap3A = arith.constant 0 : index
      %swap3A_13 = arith.constant 0 : index
      %swap3A_14 = vector.load %arg6[%swap3A, %swap3A_13] : memref<4096x1xi32, #tpu.memory_space<vmem>>, vector<4096x1xi32>
      tpu.vector_store %arg6[%swap3A, %swap3A_13], %get3A_12 {strides = array<i32>} : memref<4096x1xi32, #tpu.memory_space<vmem>>, vector<4096x1xi32>,
      %iota3A = tpu.iota {dimensions = array<i32: 1>} : vector<16x512xi32>
      %iota3A_15 = tpu.iota {dimensions = array<i32: 1>} : vector<1x512xi32>
      %get3A_16 = arith.constant 0 : index
      %get3A_17 = arith.constant 0 : index
      %get3A_18 = vector.load %arg11[%get3A_16, %get3A_17] : memref<4096x1xi32, #tpu.memory_space<vmem>>, vector<1x1xi32>
      %get3A_19 = vector.extract %get3A_18[0, 0] : i32 from vector<1x1xi32>
      %jit3A = arith.constant 0 : i32
      %jit3A_20 = arith.constant 8191 : i32
      %max3A = arith.maxsi %jit3A, %get3A_19 : i32
      %min3A = arith.minsi %jit3A_20, %max3A : i32
      %jit3A_21 = arith.constant 256 : i32
      %div3A = arith.divsi %min3A, %jit3A_21 : i32
      %sign3A = arith.constant 0 : i32
      %sign3A_22 = arith.cmpi sgt, %min3A, %sign3A : i32
      %sign3A_23 = arith.extui %sign3A_22 : i1 to i32
      %sign3A_24 = arith.constant 0 : i32
      %sign3A_25 = arith.cmpi slt, %min3A, %sign3A_24 : i32
      %sign3A_26 = arith.extui %sign3A_25 : i1 to i32
      %sign3A_27 = arith.subi %sign3A_23, %sign3A_26 : i32
      %sign3A_28 = arith.constant 0 : i32
      %sign3A_29 = arith.cmpi sgt, %jit3A_21, %sign3A_28 : i32
      %sign3A_30 = arith.extui %sign3A_29 : i1 to i32
      %sign3A_31 = arith.constant 0 : i32
      %sign3A_32 = arith.cmpi slt, %jit3A_21, %sign3A_31 : i32
      %sign3A_33 = arith.extui %sign3A_32 : i1 to i32
      %sign3A_34 = arith.subi %sign3A_30, %sign3A_33 : i32
      %ne3A = arith.cmpi ne, %sign3A_27, %sign3A_34 : i32
      %rem3A = arith.remsi %min3A, %jit3A_21 : i32
      %ne3A_35 = arith.constant 0 : i32
      %ne3A_36 = arith.cmpi ne, %rem3A, %ne3A_35 : i32
      %and3A = arith.andi %ne3A, %ne3A_36 : i1
      %sub3A = arith.constant 1 : i32
      %sub3A_37 = arith.subi %div3A, %sub3A : i32
      %select_n3A = arith.select %and3A, %sub3A_37, %div3A : i32
      %mul3A = arith.constant 256 : i32
      %mul3A_38 = arith.muli %select_n3A, %mul3A : i32
      %min3A_39 = arith.constant 7680 : i32
      %min3A_40 = arith.minsi %mul3A_38, %min3A_39 : i32
      %multiple_of3A = tpu.assume_multiple %min3A_40, 256 : i32
      %sub3A_41 = arith.subi %min3A, %multiple_of3A : i32
      %get3A_42 = arith.index_cast %multiple_of3A : i32 to index
      %get3A_43 = arith.constant 0 : index
      %get3A_44 = vector.load %arg5[%get3A_42, %get3A_43] : memref<8193x256xf32, #tpu.memory_space<vmem>>, vector<512x256xf32>
      %get3A_45 = arith.constant 0 : index
      %get3A_46 = arith.constant 0 : index
      %get3A_47 = arith.constant 0 : index
      %get3A_48 = vector.load %arg4[%get3A_45, %get3A_46, %get3A_47] : memref<16x256x256xf32, #tpu.memory_space<vmem>>, vector<1x256x256xf32>
      %get3A_49 = vector.shape_cast %get3A_48 : vector<1x256x256xf32> to vector<256x256xf32>
      %mul3A_50 = arith.mulf %get3A_49, %get3A_49 : vector<256x256xf32>
      %reduce_sum3A = arith.constant dense<0.000000e+00> : vector<256xf32>
      %reduce_sum3A_51 = vector.multi_reduction <add>, %mul3A_50, %reduce_sum3A [1] : vector<256x256xf32> to vector<256xf32>
      %broadcast_in_dim3A = vector.shape_cast %reduce_sum3A_51 : vector<256xf32> to vector<256x1xf32>
      %mul3A_52 = arith.mulf %get3A_44, %get3A_44 : vector<512x256xf32>
      %reduce_sum3A_53 = arith.constant dense<0.000000e+00> : vector<512xf32>
      %reduce_sum3A_54 = vector.multi_reduction <add>, %mul3A_52, %reduce_sum3A_53 [1] : vector<512x256xf32> to vector<512xf32>
      %dot_general3A = arith.constant dense<0.000000e+00> : vector<256x512xf32>
      %dot_general3A_55 = tpu.matmul %get3A_49, %get3A_44, %dot_general3A {dimension_numbers = #tpu.dot_dimension_numbers<[1], [1], [0], [0], [0, 0, 1, 0], [], []>, transpose_lhs_hint = false} : vector<256x256xf32>, vector<512x256xf32>, vector<256x512xf32> -> vector<256x512xf32>
      %broadcast_in_dim3A_56 = vector.shape_cast %reduce_sum3A_54 : vector<512xf32> to vector<1x512xf32>
      %add3A = vector.broadcast %broadcast_in_dim3A : vector<256x1xf32> to vector<256x512xf32>
      %add3A_57 = vector.broadcast %broadcast_in_dim3A_56 : vector<1x512xf32> to vector<256x512xf32>
      %add3A_58 = arith.addf %add3A, %add3A_57 : vector<256x512xf32>
      %mul3A_59 = arith.constant 2.000000e+00 : f32
      %mul3A_60 = vector.broadcast %mul3A_59 : f32 to vector<256x512xf32>
      %mul3A_61 = arith.mulf %mul3A_60, %dot_general3A_55 : vector<256x512xf32>
      %sub3A_62 = arith.subf %add3A_58, %mul3A_61 : vector<256x512xf32>
      %slice3A = vector.extract_strided_slice %sub3A_62 {offsets = [0, 1], sizes = [256, 511], strides = [1, 1]} : vector<256x512xf32> to vector<256x511xf32>
      %slice3A_63 = vector.extract_strided_slice %sub3A_62 {offsets = [0, 0], sizes = [256, 1], strides = [1, 1]} : vector<256x512xf32> to vector<256x1xf32>
      %concatenate3A = tpu.concatenate %slice3A, %slice3A_63 in 1 : vector<256x511xf32>, vector<256x1xf32> -> vector<256x512xf32>
      %lt3A_64 = arith.cmpf olt, %concatenate3A, %sub3A_62 : vector<256x512xf32>
      %iota3A_65 = tpu.iota {dimensions = array<i32: 1>} : vector<256x512xi32>
      %sub3A_66 = arith.constant 8191 : i32
      %sub3A_67 = arith.subi %sub3A_66, %multiple_of3A : i32
      %lt3A_68 = vector.broadcast %sub3A_67 : i32 to vector<256x512xi32>
      %lt3A_69 = arith.cmpi slt, %iota3A_65, %lt3A_68 : vector<256x512xi32>
      %and3A_70 = arith.andi %lt3A_64, %lt3A_69 : vector<256x512xi1>
      %convert_element_type3A_71 = arith.extui %and3A_70 : vector<256x512xi1> to vector<256x512xi32>
      %convert_element_type3A_72 = arith.sitofp %convert_element_type3A_71 : vector<256x512xi32> to vector<256x512xf32>
      %swap3A_73 = arith.constant 0 : index
      %swap3A_74 = arith.constant 0 : index
      %swap3A_75 = arith.constant 0 : index
      %swap3A_76 = vector.load %arg12[%swap3A_73, %swap3A_74, %swap3A_75] : memref<256x16x512xf32, #tpu.memory_space<vmem>>, vector<256x1x512xf32>
      %swap3A_77 = vector.shape_cast %swap3A_76 : vector<256x1x512xf32> to vector<256x512xf32>
      %swap3A_78 = vector.shape_cast %convert_element_type3A_72 : vector<256x512xf32> to vector<256x1x512xf32>
      tpu.vector_store %arg12[%swap3A_73, %swap3A_74, %swap3A_75], %swap3A_78 {strides = array<i32>} : memref<256x16x512xf32, #tpu.memory_space<vmem>>, vector<256x1x512xf32>,
      %eq3A_79 = vector.broadcast %sub3A_41 : i32 to vector<1x512xi32>
      %eq3A_80 = arith.cmpi eq, %iota3A_15, %eq3A_79 : vector<1x512xi32>
      %convert_element_type3A_81 = arith.extui %eq3A_80 : vector<1x512xi1> to vector<1x512xi32>
      %convert_element_type3A_82 = arith.sitofp %convert_element_type3A_81 : vector<1x512xi32> to vector<1x512xf32>
      %broadcast_in_dim3A_83 = arith.constant 0 : i32
      %broadcast_in_dim3A_84 = vector.broadcast %broadcast_in_dim3A_83 : i32 to vector<1x1xi32>
      %add3A_85 = vector.broadcast %sub3A_41 : i32 to vector<1x1xi32>
      %add3A_86 = arith.addi %broadcast_in_dim3A_84, %add3A_85 : vector<1x1xi32>
      %broadcast_in_dim3A_87 = arith.constant 0 : i32
      %broadcast_in_dim3A_88 = vector.broadcast %broadcast_in_dim3A_87 : i32 to vector<1x1xi32>
      %add3A_89 = vector.broadcast %multiple_of3A : i32 to vector<1x1xi32>
      %add3A_90 = arith.addi %broadcast_in_dim3A_88, %add3A_89 : vector<1x1xi32>
      %get3A_91 = arith.constant 256 : index
      %get3A_92 = arith.constant 0 : index
      %get3A_93 = vector.load %arg11[%get3A_91, %get3A_92] : memref<4096x1xi32, #tpu.memory_space<vmem>>, vector<1x1xi32>
      %get3A_94 = vector.extract %get3A_93[0, 0] : i32 from vector<1x1xi32>
      %jit3A_95 = arith.constant 0 : i32
      %jit3A_96 = arith.constant 8191 : i32
      %max3A_97 = arith.maxsi %jit3A_95, %get3A_94 : i32
      %min3A_98 = arith.minsi %jit3A_96, %max3A_97 : i32
      %jit3A_99 = arith.constant 256 : i32
      %div3A_100 = arith.divsi %min3A_98, %jit3A_99 : i32
      %sign3A_101 = arith.constant 0 : i32
      %sign3A_102 = arith.cmpi sgt, %min3A_98, %sign3A_101 : i32
      %sign3A_103 = arith.extui %sign3A_102 : i1 to i32
      %sign3A_104 = arith.constant 0 : i32
      %sign3A_105 = arith.cmpi slt, %min3A_98, %sign3A_104 : i32
      %sign3A_106 = arith.extui %sign3A_105 : i1 to i32
      %sign3A_107 = arith.subi %sign3A_103, %sign3A_106 : i32
      %sign3A_108 = arith.constant 0 : i32
      %sign3A_109 = arith.cmpi sgt, %jit3A_99, %sign3A_108 : i32
      %sign3A_110 = arith.extui %sign3A_109 : i1 to i32
      %sign3A_111 = arith.constant 0 : i32
      %sign3A_112 = arith.cmpi slt, %jit3A_99, %sign3A_111 : i32
      %sign3A_113 = arith.extui %sign3A_112 : i1 to i32
      %sign3A_114 = arith.subi %sign3A_110, %sign3A_113 : i32
      %ne3A_115 = arith.cmpi ne, %sign3A_107, %sign3A_114 : i32
      %rem3A_116 = arith.remsi %min3A_98, %jit3A_99 : i32
      %ne3A_117 = arith.constant 0 : i32
      %ne3A_118 = arith.cmpi ne, %rem3A_116, %ne3A_117 : i32
      %and3A_119 = arith.andi %ne3A_115, %ne3A_118 : i1
      %sub3A_120 = arith.constant 1 : i32
      %sub3A_121 = arith.subi %div3A_100, %sub3A_120 : i32
      %select_n3A_122 = arith.select %and3A_119, %sub3A_121, %div3A_100 : i32
      %mul3A_123 = arith.constant 256 : i32
      %mul3A_124 = arith.muli %select_n3A_122, %mul3A_123 : i32
      %min3A_125 = arith.constant 7680 : i32
      %min3A_126 = arith.minsi %mul3A_124, %min3A_125 : i32
      %multiple_of3A_127 = tpu.assume_multiple %min3A_126, 256 : i32
      %sub3A_128 = arith.subi %min3A_98, %multiple_of3A_127 : i32
      %get3A_129 = arith.index_cast %multiple_of3A_127 : i32 to index
      %get3A_130 = arith.constant 0 : index
      %get3A_131 = vector.load %arg5[%get3A_129, %get3A_130] : memref<8193x256xf32, #tpu.memory_space<vmem>>, vector<512x256xf32>
      %get3A_132 = arith.constant 1 : index
      %get3A_133 = arith.constant 0 : index
      %get3A_134 = arith.constant 0 : index
      %get3A_135 = vector.load %arg4[%get3A_132, %get3A_133, %get3A_134] : memref<16x256x256xf32, #tpu.memory_space<vmem>>, vector<1x256x256xf32>
      %get3A_136 = vector.shape_cast %get3A_135 : vector<1x256x256xf32> to vector<256x256xf32>
      %mul3A_137 = arith.mulf %get3A_136, %get3A_136 : vector<256x256xf32>
      %reduce_sum3A_138 = arith.constant dense<0.000000e+00> : vector<256xf32>
      %reduce_sum3A_139 = vector.multi_reduction <add>, %mul3A_137, %reduce_sum3A_138 [1] : vector<256x256xf32> to vector<256xf32>
      %broadcast_in_dim3A_140 = vector.shape_cast %reduce_sum3A_139 : vector<256xf32> to vector<256x1xf32>
      %mul3A_141 = arith.mulf %get3A_131, %get3A_131 : vector<512x256xf32>
      %reduce_sum3A_142 = arith.constant dense<0.000000e+00> : vector<512xf32>
      %reduce_sum3A_143 = vector.multi_reduction <add>, %mul3A_141, %reduce_sum3A_142 [1] : vector<512x256xf32> to vector<512xf32>
      %dot_general3A_144 = arith.constant dense<0.000000e+00> : vector<256x512xf32>
      %dot_general3A_145 = tpu.matmul %get3A_136, %get3A_131, %dot_general3A_144 {dimension_numbers = #tpu.dot_dimension_numbers<[1], [1], [0], [0], [0, 0, 1, 0], [], []>, transpose_lhs_hint = false} : vector<256x256xf32>, vector<512x256xf32>, vector<256x512xf32> -> vector<256x512xf32>
      %broadcast_in_dim3A_146 = vector.shape_cast %reduce_sum3A_143 : vector<512xf32> to vector<1x512xf32>
      %add3A_147 = vector.broadcast %broadcast_in_dim3A_140 : vector<256x1xf32> to vector<256x512xf32>
      %add3A_148 = vector.broadcast %broadcast_in_dim3A_146 : vector<1x512xf32> to vector<256x512xf32>
      %add3A_149 = arith.addf %add3A_147, %add3A_148 : vector<256x512xf32>
      %mul3A_150 = arith.constant 2.000000e+00 : f32
      %mul3A_151 = vector.broadcast %mul3A_150 : f32 to vector<256x512xf32>
      %mul3A_152 = arith.mulf %mul3A_151, %dot_general3A_145 : vector<256x512xf32>
      %sub3A_153 = arith.subf %add3A_149, %mul3A_152 : vector<256x512xf32>
      %slice3A_154 = vector.extract_strided_slice %sub3A_153 {offsets = [0, 1], sizes = [256, 511], strides = [1, 1]} : vector<256x512xf32> to vector<256x511xf32>
      %slice3A_155 = vector.extract_strided_slice %sub3A_153 {offsets = [0, 0], sizes = [256, 1], strides = [1, 1]} : vector<256x512xf32> to vector<256x1xf32>
      %concatenate3A_156 = tpu.concatenate %slice3A_154, %slice3A_155 in 1 : vector<256x511xf32>, vector<256x1xf32> -> vector<256x512xf32>
      %lt3A_157 = arith.cmpf olt, %concatenate3A_156, %sub3A_153 : vector<256x512xf32>
      %iota3A_158 = tpu.iota {dimensions = array<i32: 1>} : vector<256x512xi32>
      %sub3A_159 = arith.constant 8191 : i32
      %sub3A_160 = arith.subi %sub3A_159, %multiple_of3A_127 : i32
      %lt3A_161 = vector.broadcast %sub3A_160 : i32 to vector<256x512xi32>
      %lt3A_162 = arith.cmpi slt, %iota3A_158, %lt3A_161 : vector<256x512xi32>
      %and3A_163 = arith.andi %lt3A_157, %lt3A_162 : vector<256x512xi1>
      %convert_element_type3A_164 = arith.extui %and3A_163 : vector<256x512xi1> to vector<256x512xi32>
      %convert_element_type3A_165 = arith.sitofp %convert_element_type3A_164 : vector<256x512xi32> to vector<256x512xf32>
      %swap3A_166 = arith.constant 0 : index
      %swap3A_167 = arith.constant 1 : index
      %swap3A_168 = arith.constant 0 : index
      %swap3A_169 = vector.load %arg12[%swap3A_166, %swap3A_167, %swap3A_168] : memref<256x16x512xf32, #tpu.memory_space<vmem>>, vector<256x1x512xf32>
      %swap3A_170 = vector.shape_cast %swap3A_169 : vector<256x1x512xf32> to vector<256x512xf32>
      %swap3A_171 = vector.shape_cast %convert_element_type3A_165 : vector<256x512xf32> to vector<256x1x512xf32>
      tpu.vector_store %arg12[%swap3A_166, %swap3A_167, %swap3A_168], %swap3A_171 {strides = array<i32>} : memref<256x16x512xf32, #tpu.memory_space<vmem>>, vector<256x1x512xf32>,
      %eq3A_172 = vector.broadcast %sub3A_128 : i32 to vector<1x512xi32>
      %eq3A_173 = arith.cmpi eq, %iota3A_15, %eq3A_172 : vector<1x512xi32>
      %convert_element_type3A_174 = arith.extui %eq3A_173 : vector<1x512xi1> to vector<1x512xi32>
      %convert_element_type3A_175 = arith.sitofp %convert_element_type3A_174 : vector<1x512xi32> to vector<1x512xf32>
      %broadcast_in_dim3A_176 = arith.constant 0 : i32
      %broadcast_in_dim3A_177 = vector.broadcast %broadcast_in_dim3A_176 : i32 to vector<1x1xi32>
      %add3A_178 = vector.broadcast %sub3A_128 : i32 to vector<1x1xi32>
      %add3A_179 = arith.addi %broadcast_in_dim3A_177, %add3A_178 : vector<1x1xi32>
      %broadcast_in_dim3A_180 = arith.constant 0 : i32
      %broadcast_in_dim3A_181 = vector.broadcast %broadcast_in_dim3A_180 : i32 to vector<1x1xi32>
      %add3A_182 = vector.broadcast %multiple_of3A_127 : i32 to vector<1x1xi32>
      %add3A_183 = arith.addi %broadcast_in_dim3A_181, %add3A_182 : vector<1x1xi32>
      %get3A_184 = arith.constant 512 : index
      %get3A_185 = arith.constant 0 : index
      %get3A_186 = vector.load %arg11[%get3A_184, %get3A_185] : memref<4096x1xi32, #tpu.memory_space<vmem>>, vector<1x1xi32>
      %get3A_187 = vector.extract %get3A_186[0, 0] : i32 from vector<1x1xi32>
      %jit3A_188 = arith.constant 0 : i32
      %jit3A_189 = arith.constant 8191 : i32
      %max3A_190 = arith.maxsi %jit3A_188, %get3A_187 : i32
      %min3A_191 = arith.minsi %jit3A_189, %max3A_190 : i32
      %jit3A_192 = arith.constant 256 : i32
      %div3A_193 = arith.divsi %min3A_191, %jit3A_192 : i32
      %sign3A_194 = arith.constant 0 : i32
      %sign3A_195 = arith.cmpi sgt, %min3A_191, %sign3A_194 : i32
      %sign3A_196 = arith.extui %sign3A_195 : i1 to i32
      %sign3A_197 = arith.constant 0 : i32
      %sign3A_198 = arith.cmpi slt, %min3A_191, %sign3A_197 : i32
      %sign3A_199 = arith.extui %sign3A_198 : i1 to i32
      %sign3A_200 = arith.subi %sign3A_196, %sign3A_199 : i32
      %sign3A_201 = arith.constant 0 : i32
      %sign3A_202 = arith.cmpi sgt, %jit3A_192, %sign3A_201 : i32
      %sign3A_203 = arith.extui %sign3A_202 : i1 to i32
      %sign3A_204 = arith.constant 0 : i32
      %sign3A_205 = arith.cmpi slt, %jit3A_192, %sign3A_204 : i32
      %sign3A_206 = arith.extui %sign3A_205 : i1 to i32
      %sign3A_207 = arith.subi %sign3A_203, %sign3A_206 : i32
      %ne3A_208 = arith.cmpi ne, %sign3A_200, %sign3A_207 : i32
      %rem3A_209 = arith.remsi %min3A_191, %jit3A_192 : i32
      %ne3A_210 = arith.constant 0 : i32
      %ne3A_211 = arith.cmpi ne, %rem3A_209, %ne3A_210 : i32
      %and3A_212 = arith.andi %ne3A_208, %ne3A_211 : i1
      %sub3A_213 = arith.constant 1 : i32
      %sub3A_214 = arith.subi %div3A_193, %sub3A_213 : i32
      %select_n3A_215 = arith.select %and3A_212, %sub3A_214, %div3A_193 : i32
      %mul3A_216 = arith.constant 256 : i32
      %mul3A_217 = arith.muli %select_n3A_215, %mul3A_216 : i32
      %min3A_218 = arith.constant 7680 : i32
      %min3A_219 = arith.minsi %mul3A_217, %min3A_218 : i32
      %multiple_of3A_220 = tpu.assume_multiple %min3A_219, 256 : i32
      %sub3A_221 = arith.subi %min3A_191, %multiple_of3A_220 : i32
      %get3A_222 = arith.index_cast %multiple_of3A_220 : i32 to index
      %get3A_223 = arith.constant 0 : index
      %get3A_224 = vector.load %arg5[%get3A_222, %get3A_223] : memref<8193x256xf32, #tpu.memory_space<vmem>>, vector<512x256xf32>
      %get3A_225 = arith.constant 2 : index
      %get3A_226 = arith.constant 0 : index
      %get3A_227 = arith.constant 0 : index
      %get3A_228 = vector.load %arg4[%get3A_225, %get3A_226, %get3A_227] : memref<16x256x256xf32, #tpu.memory_space<vmem>>, vector<1x256x256xf32>
      %get3A_229 = vector.shape_cast %get3A_228 : vector<1x256x256xf32> to vector<256x256xf32>
      %mul3A_230 = arith.mulf %get3A_229, %get3A_229 : vector<256x256xf32>
      %reduce_sum3A_231 = arith.constant dense<0.000000e+00> : vector<256xf32>
      %reduce_sum3A_232 = vector.multi_reduction <add>, %mul3A_230, %reduce_sum3A_231 [1] : vector<256x256xf32> to vector<256xf32>
      %broadcast_in_dim3A_233 = vector.shape_cast %reduce_sum3A_232 : vector<256xf32> to vector<256x1xf32>
      %mul3A_234 = arith.mulf %get3A_224, %get3A_224 : vector<512x256xf32>
      %reduce_sum3A_235 = arith.constant dense<0.000000e+00> : vector<512xf32>
      %reduce_sum3A_236 = vector.multi_reduction <add>, %mul3A_234, %reduce_sum3A_235 [1] : vector<512x256xf32> to vector<512xf32>
      %dot_general3A_237 = arith.constant dense<0.000000e+00> : vector<256x512xf32>
      %dot_general3A_238 = tpu.matmul %get3A_229, %get3A_224, %dot_general3A_237 {dimension_numbers = #tpu.dot_dimension_numbers<[1], [1], [0], [0], [0, 0, 1, 0], [], []>, transpose_lhs_hint = false} : vector<256x256xf32>, vector<512x256xf32>, vector<256x512xf32> -> vector<256x512xf32>
      %broadcast_in_dim3A_239 = vector.shape_cast %reduce_sum3A_236 : vector<512xf32> to vector<1x512xf32>
      %add3A_240 = vector.broadcast %broadcast_in_dim3A_233 : vector<256x1xf32> to vector<256x512xf32>
      %add3A_241 = vector.broadcast %broadcast_in_dim3A_239 : vector<1x512xf32> to vector<256x512xf32>
      %add3A_242 = arith.addf %add3A_240, %add3A_241 : vector<256x512xf32>
      %mul3A_243 = arith.constant 2.000000e+00 : f32
      %mul3A_244 = vector.broadcast %mul3A_243 : f32 to vector<256x512xf32>
      %mul3A_245 = arith.mulf %mul3A_244, %dot_general3A_238 : vector<256x512xf32>
      %sub3A_246 = arith.subf %add3A_242, %mul3A_245 : vector<256x512xf32>
      %slice3A_247 = vector.extract_strided_slice %sub3A_246 {offsets = [0, 1], sizes = [256, 511], strides = [1, 1]} : vector<256x512xf32> to vector<256x511xf32>
      %slice3A_248 = vector.extract_strided_slice %sub3A_246 {offsets = [0, 0], sizes = [256, 1], strides = [1, 1]} : vector<256x512xf32> to vector<256x1xf32>
      %concatenate3A_249 = tpu.concatenate %slice3A_247, %slice3A_248 in 1 : vector<256x511xf32>, vector<256x1xf32> -> vector<256x512xf32>
      %lt3A_250 = arith.cmpf olt, %concatenate3A_249, %sub3A_246 : vector<256x512xf32>
      %iota3A_251 = tpu.iota {dimensions = array<i32: 1>} : vector<256x512xi32>
      %sub3A_252 = arith.constant 8191 : i32
      %sub3A_253 = arith.subi %sub3A_252, %multiple_of3A_220 : i32
      %lt3A_254 = vector.broadcast %sub3A_253 : i32 to vector<256x512xi32>
      %lt3A_255 = arith.cmpi slt, %iota3A_251, %lt3A_254 : vector<256x512xi32>
      %and3A_256 = arith.andi %lt3A_250, %lt3A_255 : vector<256x512xi1>
      %convert_element_type3A_257 = arith.extui %and3A_256 : vector<256x512xi1> to vector<256x512xi32>
      %convert_element_type3A_258 = arith.sitofp %convert_element_type3A_257 : vector<256x512xi32> to vector<256x512xf32>
      %swap3A_259 = arith.constant 0 : index
      %swap3A_260 = arith.constant 2 : index
      %swap3A_261 = arith.constant 0 : index
      %swap3A_262 = vector.load %arg12[%swap3A_259, %swap3A_260, %swap3A_261] : memref<256x16x512xf32, #tpu.memory_space<vmem>>, vector<256x1x512xf32>
      %swap3A_263 = vector.shape_cast %swap3A_262 : vector<256x1x512xf32> to vector<256x512xf32>
      %swap3A_264 = vector.shape_cast %convert_element_type3A_258 : vector<256x512xf32> to vector<256x1x512xf32>
      tpu.vector_store %arg12[%swap3A_259, %swap3A_260, %swap3A_261], %swap3A_264 {strides = array<i32>} : memref<256x16x512xf32, #tpu.memory_space<vmem>>, vector<256x1x512xf32>,
      %eq3A_265 = vector.broadcast %sub3A_221 : i32 to vector<1x512xi32>
      %eq3A_266 = arith.cmpi eq, %iota3A_15, %eq3A_265 : vector<1x512xi32>
      %convert_element_type3A_267 = arith.extui %eq3A_266 : vector<1x512xi1> to vector<1x512xi32>
      %convert_element_type3A_268 = arith.sitofp %convert_element_type3A_267 : vector<1x512xi32> to vector<1x512xf32>
      %broadcast_in_dim3A_269 = arith.constant 0 : i32
      %broadcast_in_dim3A_270 = vector.broadcast %broadcast_in_dim3A_269 : i32 to vector<1x1xi32>
      %add3A_271 = vector.broadcast %sub3A_221 : i32 to vector<1x1xi32>
      %add3A_272 = arith.addi %broadcast_in_dim3A_270, %add3A_271 : vector<1x1xi32>
      %broadcast_in_dim3A_273 = arith.constant 0 : i32
      %broadcast_in_dim3A_274 = vector.broadcast %broadcast_in_dim3A_273 : i32 to vector<1x1xi32>
      %add3A_275 = vector.broadcast %multiple_of3A_220 : i32 to vector<1x1xi32>
      %add3A_276 = arith.addi %broadcast_in_dim3A_274, %add3A_275 : vector<1x1xi32>
      %get3A_277 = arith.constant 768 : index
      %get3A_278 = arith.constant 0 : index
      %get3A_279 = vector.load %arg11[%get3A_277, %get3A_278] : memref<4096x1xi32, #tpu.memory_space<vmem>>, vector<1x1xi32>
      %get3A_280 = vector.extract %get3A_279[0, 0] : i32 from vector<1x1xi32>
      %jit3A_281 = arith.constant 0 : i32
      %jit3A_282 = arith.constant 8191 : i32
      %max3A_283 = arith.maxsi %jit3A_281, %get3A_280 : i32
      %min3A_284 = arith.minsi %jit3A_282, %max3A_283 : i32
      %jit3A_285 = arith.constant 256 : i32
      %div3A_286 = arith.divsi %min3A_284, %jit3A_285 : i32
      %sign3A_287 = arith.constant 0 : i32
      %sign3A_288 = arith.cmpi sgt, %min3A_284, %sign3A_287 : i32
      %sign3A_289 = arith.extui %sign3A_288 : i1 to i32
      %sign3A_290 = arith.constant 0 : i32
      %sign3A_291 = arith.cmpi slt, %min3A_284, %sign3A_290 : i32
      %sign3A_292 = arith.extui %sign3A_291 : i1 to i32
      %sign3A_293 = arith.subi %sign3A_289, %sign3A_292 : i32
      %sign3A_294 = arith.constant 0 : i32
      %sign3A_295 = arith.cmpi sgt, %jit3A_285, %sign3A_294 : i32
      %sign3A_296 = arith.extui %sign3A_295 : i1 to i32
      %sign3A_297 = arith.constant 0 : i32
      %sign3A_298 = arith.cmpi slt, %jit3A_285, %sign3A_297 : i32
      %sign3A_299 = arith.extui %sign3A_298 : i1 to i32
      %sign3A_300 = arith.subi %sign3A_296, %sign3A_299 : i32
      %ne3A_301 = arith.cmpi ne, %sign3A_293, %sign3A_300 : i32
      %rem3A_302 = arith.remsi %min3A_284, %jit3A_285 : i32
      %ne3A_303 = arith.constant 0 : i32
      %ne3A_304 = arith.cmpi ne, %rem3A_302, %ne3A_303 : i32
      %and3A_305 = arith.andi %ne3A_301, %ne3A_304 : i1
      %sub3A_306 = arith.constant 1 : i32
      %sub3A_307 = arith.subi %div3A_286, %sub3A_306 : i32
      %select_n3A_308 = arith.select %and3A_305, %sub3A_307, %div3A_286 : i32
      %mul3A_309 = arith.constant 256 : i32
      %mul3A_310 = arith.muli %select_n3A_308, %mul3A_309 : i32
      %min3A_311 = arith.constant 7680 : i32
      %min3A_312 = arith.minsi %mul3A_310, %min3A_311 : i32
      %multiple_of3A_313 = tpu.assume_multiple %min3A_312, 256 : i32
      %sub3A_314 = arith.subi %min3A_284, %multiple_of3A_313 : i32
      %get3A_315 = arith.index_cast %multiple_of3A_313 : i32 to index
      %get3A_316 = arith.constant 0 : index
      %get3A_317 = vector.load %arg5[%get3A_315, %get3A_316] : memref<8193x256xf32, #tpu.memory_space<vmem>>, vector<512x256xf32>
      %get3A_318 = arith.constant 3 : index
      %get3A_319 = arith.constant 0 : index
      %get3A_320 = arith.constant 0 : index
      %get3A_321 = vector.load %arg4[%get3A_318, %get3A_319, %get3A_320] : memref<16x256x256xf32, #tpu.memory_space<vmem>>, vector<1x256x256xf32>
      %get3A_322 = vector.shape_cast %get3A_321 : vector<1x256x256xf32> to vector<256x256xf32>
      %mul3A_323 = arith.mulf %get3A_322, %get3A_322 : vector<256x256xf32>
      %reduce_sum3A_324 = arith.constant dense<0.000000e+00> : vector<256xf32>
      %reduce_sum3A_325 = vector.multi_reduction <add>, %mul3A_323, %reduce_sum3A_324 [1] : vector<256x256xf32> to vector<256xf32>
      %broadcast_in_dim3A_326 = vector.shape_cast %reduce_sum3A_325 : vector<256xf32> to vector<256x1xf32>
      %mul3A_327 = arith.mulf %get3A_317, %get3A_317 : vector<512x256xf32>
      %reduce_sum3A_328 = arith.constant dense<0.000000e+00> : vector<512xf32>
      %reduce_sum3A_329 = vector.multi_reduction <add>, %mul3A_327, %reduce_sum3A_328 [1] : vector<512x256xf32> to vector<512xf32>
      %dot_general3A_330 = arith.constant dense<0.000000e+00> : vector<256x512xf32>
      %dot_general3A_331 = tpu.matmul %get3A_322, %get3A_317, %dot_general3A_330 {dimension_numbers = #tpu.dot_dimension_numbers<[1], [1], [0], [0], [0, 0, 1, 0], [], []>, transpose_lhs_hint = false} : vector<256x256xf32>, vector<512x256xf32>, vector<256x512xf32> -> vector<256x512xf32>
      %broadcast_in_dim3A_332 = vector.shape_cast %reduce_sum3A_329 : vector<512xf32> to vector<1x512xf32>
      %add3A_333 = vector.broadcast %broadcast_in_dim3A_326 : vector<256x1xf32> to vector<256x512xf32>
      %add3A_334 = vector.broadcast %broadcast_in_dim3A_332 : vector<1x512xf32> to vector<256x512xf32>
      %add3A_335 = arith.addf %add3A_333, %add3A_334 : vector<256x512xf32>
      %mul3A_336 = arith.constant 2.000000e+00 : f32
      %mul3A_337 = vector.broadcast %mul3A_336 : f32 to vector<256x512xf32>
      %mul3A_338 = arith.mulf %mul3A_337, %dot_general3A_331 : vector<256x512xf32>
      %sub3A_339 = arith.subf %add3A_335, %mul3A_338 : vector<256x512xf32>
      %slice3A_340 = vector.extract_strided_slice %sub3A_339 {offsets = [0, 1], sizes = [256, 511], strides = [1, 1]} : vector<256x512xf32> to vector<256x511xf32>
      %slice3A_341 = vector.extract_strided_slice %sub3A_339 {offsets = [0, 0], sizes = [256, 1], strides = [1, 1]} : vector<256x512xf32> to vector<256x1xf32>
      %concatenate3A_342 = tpu.concatenate %slice3A_340, %slice3A_341 in 1 : vector<256x511xf32>, vector<256x1xf32> -> vector<256x512xf32>
      %lt3A_343 = arith.cmpf olt, %concatenate3A_342, %sub3A_339 : vector<256x512xf32>
      %iota3A_344 = tpu.iota {dimensions = array<i32: 1>} : vector<256x512xi32>
      %sub3A_345 = arith.constant 8191 : i32
      %sub3A_346 = arith.subi %sub3A_345, %multiple_of3A_313 : i32
      %lt3A_347 = vector.broadcast %sub3A_346 : i32 to vector<256x512xi32>
      %lt3A_348 = arith.cmpi slt, %iota3A_344, %lt3A_347 : vector<256x512xi32>
      %and3A_349 = arith.andi %lt3A_343, %lt3A_348 : vector<256x512xi1>
      %convert_element_type3A_350 = arith.extui %and3A_349 : vector<256x512xi1> to vector<256x512xi32>
      %convert_element_type3A_351 = arith.sitofp %convert_element_type3A_350 : vector<256x512xi32> to vector<256x512xf32>
      %swap3A_352 = arith.constant 0 : index
      %swap3A_353 = arith.constant 3 : index
      %swap3A_354 = arith.constant 0 : index
      %swap3A_355 = vector.load %arg12[%swap3A_352, %swap3A_353, %swap3A_354] : memref<256x16x512xf32, #tpu.memory_space<vmem>>, vector<256x1x512xf32>
      %swap3A_356 = vector.shape_cast %swap3A_355 : vector<256x1x512xf32> to vector<256x512xf32>
      %swap3A_357 = vector.shape_cast %convert_element_type3A_351 : vector<256x512xf32> to vector<256x1x512xf32>
      tpu.vector_store %arg12[%swap3A_352, %swap3A_353, %swap3A_354], %swap3A_357 {strides = array<i32>} : memref<256x16x512xf32, #tpu.memory_space<vmem>>, vector<256x1x512xf32>,
      %eq3A_358 = vector.broadcast %sub3A_314 : i32 to vector<1x512xi32>
      %eq3A_359 = arith.cmpi eq, %iota3A_15, %eq3A_358 : vector<1x512xi32>
      %convert_element_type3A_360 = arith.extui %eq3A_359 : vector<1x512xi1> to vector<1x512xi32>
      %convert_element_type3A_361 = arith.sitofp %convert_element_type3A_360 : vector<1x512xi32> to vector<1x512xf32>
      %broadcast_in_dim3A_362 = arith.constant 0 : i32
      %broadcast_in_dim3A_363 = vector.broadcast %broadcast_in_dim3A_362 : i32 to vector<1x1xi32>
      %add3A_364 = vector.broadcast %sub3A_314 : i32 to vector<1x1xi32>
      %add3A_365 = arith.addi %broadcast_in_dim3A_363, %add3A_364 : vector<1x1xi32>
      %broadcast_in_dim3A_366 = arith.constant 0 : i32
      %broadcast_in_dim3A_367 = vector.broadcast %broadcast_in_dim3A_366 : i32 to vector<1x1xi32>
      %add3A_368 = vector.broadcast %multiple_of3A_313 : i32 to vector<1x1xi32>
      %add3A_369 = arith.addi %broadcast_in_dim3A_367, %add3A_368 : vector<1x1xi32>
      %get3A_370 = arith.constant 1024 : index
      %get3A_371 = arith.constant 0 : index
      %get3A_372 = vector.load %arg11[%get3A_370, %get3A_371] : memref<4096x1xi32, #tpu.memory_space<vmem>>, vector<1x1xi32>
      %get3A_373 = vector.extract %get3A_372[0, 0] : i32 from vector<1x1xi32>
      %jit3A_374 = arith.constant 0 : i32
      %jit3A_375 = arith.constant 8191 : i32
      %max3A_376 = arith.maxsi %jit3A_374, %get3A_373 : i32
      %min3A_377 = arith.minsi %jit3A_375, %max3A_376 : i32
      %jit3A_378 = arith.constant 256 : i32
      %div3A_379 = arith.divsi %min3A_377, %jit3A_378 : i32
      %sign3A_380 = arith.constant 0 : i32
      %sign3A_381 = arith.cmpi sgt, %min3A_377, %sign3A_380 : i32
      %sign3A_382 = arith.extui %sign3A_381 : i1 to i32
      %sign3A_383 = arith.constant 0 : i32
      %sign3A_384 = arith.cmpi slt, %min3A_377, %sign3A_383 : i32
      %sign3A_385 = arith.extui %sign3A_384 : i1 to i32
      %sign3A_386 = arith.subi %sign3A_382, %sign3A_385 : i32
      %sign3A_387 = arith.constant 0 : i32
      %sign3A_388 = arith.cmpi sgt, %jit3A_378, %sign3A_387 : i32
      %sign3A_389 = arith.extui %sign3A_388 : i1 to i32
      %sign3A_390 = arith.constant 0 : i32
      %sign3A_391 = arith.cmpi slt, %jit3A_378, %sign3A_390 : i32
      %sign3A_392 = arith.extui %sign3A_391 : i1 to i32
      %sign3A_393 = arith.subi %sign3A_389, %sign3A_392 : i32
      %ne3A_394 = arith.cmpi ne, %sign3A_386, %sign3A_393 : i32
      %rem3A_395 = arith.remsi %min3A_377, %jit3A_378 : i32
      %ne3A_396 = arith.constant 0 : i32
      %ne3A_397 = arith.cmpi ne, %rem3A_395, %ne3A_396 : i32
      %and3A_398 = arith.andi %ne3A_394, %ne3A_397 : i1
      %sub3A_399 = arith.constant 1 : i32
      %sub3A_400 = arith.subi %div3A_379, %sub3A_399 : i32
      %select_n3A_401 = arith.select %and3A_398, %sub3A_400, %div3A_379 : i32
      %mul3A_402 = arith.constant 256 : i32
      %mul3A_403 = arith.muli %select_n3A_401, %mul3A_402 : i32
      %min3A_404 = arith.constant 7680 : i32
      %min3A_405 = arith.minsi %mul3A_403, %min3A_404 : i32
      %multiple_of3A_406 = tpu.assume_multiple %min3A_405, 256 : i32
      %sub3A_407 = arith.subi %min3A_377, %multiple_of3A_406 : i32
      %get3A_408 = arith.index_cast %multiple_of3A_406 : i32 to index
      %get3A_409 = arith.constant 0 : index
      %get3A_410 = vector.load %arg5[%get3A_408, %get3A_409] : memref<8193x256xf32, #tpu.memory_space<vmem>>, vector<512x256xf32>
      %get3A_411 = arith.constant 4 : index
      %get3A_412 = arith.constant 0 : index
      %get3A_413 = arith.constant 0 : index
      %get3A_414 = vector.load %arg4[%get3A_411, %get3A_412, %get3A_413] : memref<16x256x256xf32, #tpu.memory_space<vmem>>, vector<1x256x256xf32>
      %get3A_415 = vector.shape_cast %get3A_414 : vector<1x256x256xf32> to vector<256x256xf32>
      %mul3A_416 = arith.mulf %get3A_415, %get3A_415 : vector<256x256xf32>
      %reduce_sum3A_417 = arith.constant dense<0.000000e+00> : vector<256xf32>
      %reduce_sum3A_418 = vector.multi_reduction <add>, %mul3A_416, %reduce_sum3A_417 [1] : vector<256x256xf32> to vector<256xf32>
      %broadcast_in_dim3A_419 = vector.shape_cast %reduce_sum3A_418 : vector<256xf32> to vector<256x1xf32>
      %mul3A_420 = arith.mulf %get3A_410, %get3A_410 : vector<512x256xf32>
      %reduce_sum3A_421 = arith.constant dense<0.000000e+00> : vector<512xf32>
      %reduce_sum3A_422 = vector.multi_reduction <add>, %mul3A_420, %reduce_sum3A_421 [1] : vector<512x256xf32> to vector<512xf32>
      %dot_general3A_423 = arith.constant dense<0.000000e+00> : vector<256x512xf32>
      %dot_general3A_424 = tpu.matmul %get3A_415, %get3A_410, %dot_general3A_423 {dimension_numbers = #tpu.dot_dimension_numbers<[1], [1], [0], [0], [0, 0, 1, 0], [], []>, transpose_lhs_hint = false} : vector<256x256xf32>, vector<512x256xf32>, vector<256x512xf32> -> vector<256x512xf32>
      %broadcast_in_dim3A_425 = vector.shape_cast %reduce_sum3A_422 : vector<512xf32> to vector<1x512xf32>
      %add3A_426 = vector.broadcast %broadcast_in_dim3A_419 : vector<256x1xf32> to vector<256x512xf32>
      %add3A_427 = vector.broadcast %broadcast_in_dim3A_425 : vector<1x512xf32> to vector<256x512xf32>
      %add3A_428 = arith.addf %add3A_426, %add3A_427 : vector<256x512xf32>
      %mul3A_429 = arith.constant 2.000000e+00 : f32
      %mul3A_430 = vector.broadcast %mul3A_429 : f32 to vector<256x512xf32>
      %mul3A_431 = arith.mulf %mul3A_430, %dot_general3A_424 : vector<256x512xf32>
      %sub3A_432 = arith.subf %add3A_428, %mul3A_431 : vector<256x512xf32>
      %slice3A_433 = vector.extract_strided_slice %sub3A_432 {offsets = [0, 1], sizes = [256, 511], strides = [1, 1]} : vector<256x512xf32> to vector<256x511xf32>
      %slice3A_434 = vector.extract_strided_slice %sub3A_432 {offsets = [0, 0], sizes = [256, 1], strides = [1, 1]} : vector<256x512xf32> to vector<256x1xf32>
      %concatenate3A_435 = tpu.concatenate %slice3A_433, %slice3A_434 in 1 : vector<256x511xf32>, vector<256x1xf32> -> vector<256x512xf32>
      %lt3A_436 = arith.cmpf olt, %concatenate3A_435, %sub3A_432 : vector<256x512xf32>
      %iota3A_437 = tpu.iota {dimensions = array<i32: 1>} : vector<256x512xi32>
      %sub3A_438 = arith.constant 8191 : i32
      %sub3A_439 = arith.subi %sub3A_438, %multiple_of3A_406 : i32
      %lt3A_440 = vector.broadcast %sub3A_439 : i32 to vector<256x512xi32>
      %lt3A_441 = arith.cmpi slt, %iota3A_437, %lt3A_440 : vector<256x512xi32>
      %and3A_442 = arith.andi %lt3A_436, %lt3A_441 : vector<256x512xi1>
      %convert_element_type3A_443 = arith.extui %and3A_442 : vector<256x512xi1> to vector<256x512xi32>
      %convert_element_type3A_444 = arith.sitofp %convert_element_type3A_443 : vector<256x512xi32> to vector<256x512xf32>
      %swap3A_445 = arith.constant 0 : index
      %swap3A_446 = arith.constant 4 : index
      %swap3A_447 = arith.constant 0 : index
      %swap3A_448 = vector.load %arg12[%swap3A_445, %swap3A_446, %swap3A_447] : memref<256x16x512xf32, #tpu.memory_space<vmem>>, vector<256x1x512xf32>
      %swap3A_449 = vector.shape_cast %swap3A_448 : vector<256x1x512xf32> to vector<256x512xf32>
      %swap3A_450 = vector.shape_cast %convert_element_type3A_444 : vector<256x512xf32> to vector<256x1x512xf32>
      tpu.vector_store %arg12[%swap3A_445, %swap3A_446, %swap3A_447], %swap3A_450 {strides = array<i32>} : memref<256x16x512xf32, #tpu.memory_space<vmem>>, vector<256x1x512xf32>,
      %eq3A_451 = vector.broadcast %sub3A_407 : i32 to vector<1x512xi32>
      %eq3A_452 = arith.cmpi eq, %iota3A_15, %eq3A_451 : vector<1x512xi32>
      %convert_element_type3A_453 = arith.extui %eq3A_452 : vector<1x512xi1> to vector<1x512xi32>
      %convert_element_type3A_454 = arith.sitofp %convert_element_type3A_453 : vector<1x512xi32> to vector<1x512xf32>
      %broadcast_in_dim3A_455 = arith.constant 0 : i32
      %broadcast_in_dim3A_456 = vector.broadcast %broadcast_in_dim3A_455 : i32 to vector<1x1xi32>
      %add3A_457 = vector.broadcast %sub3A_407 : i32 to vector<1x1xi32>
      %add3A_458 = arith.addi %broadcast_in_dim3A_456, %add3A_457 : vector<1x1xi32>
      %broadcast_in_dim3A_459 = arith.constant 0 : i32
      %broadcast_in_dim3A_460 = vector.broadcast %broadcast_in_dim3A_459 : i32 to vector<1x1xi32>
      %add3A_461 = vector.broadcast %multiple_of3A_406 : i32 to vector<1x1xi32>
      %add3A_462 = arith.addi %broadcast_in_dim3A_460, %add3A_461 : vector<1x1xi32>
      %get3A_463 = arith.constant 1280 : index
      %get3A_464 = arith.constant 0 : index
      %get3A_465 = vector.load %arg11[%get3A_463, %get3A_464] : memref<4096x1xi32, #tpu.memory_space<vmem>>, vector<1x1xi32>
      %get3A_466 = vector.extract %get3A_465[0, 0] : i32 from vector<1x1xi32>
      %jit3A_467 = arith.constant 0 : i32
      %jit3A_468 = arith.constant 8191 : i32
      %max3A_469 = arith.maxsi %jit3A_467, %get3A_466 : i32
      %min3A_470 = arith.minsi %jit3A_468, %max3A_469 : i32
      %jit3A_471 = arith.constant 256 : i32
      %div3A_472 = arith.divsi %min3A_470, %jit3A_471 : i32
      %sign3A_473 = arith.constant 0 : i32
      %sign3A_474 = arith.cmpi sgt, %min3A_470, %sign3A_473 : i32
      %sign3A_475 = arith.extui %sign3A_474 : i1 to i32
      %sign3A_476 = arith.constant 0 : i32
      %sign3A_477 = arith.cmpi slt, %min3A_470, %sign3A_476 : i32
      %sign3A_478 = arith.extui %sign3A_477 : i1 to i32
      %sign3A_479 = arith.subi %sign3A_475, %sign3A_478 : i32
      %sign3A_480 = arith.constant 0 : i32
      %sign3A_481 = arith.cmpi sgt, %jit3A_471, %sign3A_480 : i32
      %sign3A_482 = arith.extui %sign3A_481 : i1 to i32
      %sign3A_483 = arith.constant 0 : i32
      %sign3A_484 = arith.cmpi slt, %jit3A_471, %sign3A_483 : i32
      %sign3A_485 = arith.extui %sign3A_484 : i1 to i32
      %sign3A_486 = arith.subi %sign3A_482, %sign3A_485 : i32
      %ne3A_487 = arith.cmpi ne, %sign3A_479, %sign3A_486 : i32
      %rem3A_488 = arith.remsi %min3A_470, %jit3A_471 : i32
      %ne3A_489 = arith.constant 0 : i32
      %ne3A_490 = arith.cmpi ne, %rem3A_488, %ne3A_489 : i32
      %and3A_491 = arith.andi %ne3A_487, %ne3A_490 : i1
      %sub3A_492 = arith.constant 1 : i32
      %sub3A_493 = arith.subi %div3A_472, %sub3A_492 : i32
      %select_n3A_494 = arith.select %and3A_491, %sub3A_493, %div3A_472 : i32
      %mul3A_495 = arith.constant 256 : i32
      %mul3A_496 = arith.muli %select_n3A_494, %mul3A_495 : i32
      %min3A_497 = arith.constant 7680 : i32
      %min3A_498 = arith.minsi %mul3A_496, %min3A_497 : i32
      %multiple_of3A_499 = tpu.assume_multiple %min3A_498, 256 : i32
      %sub3A_500 = arith.subi %min3A_470, %multiple_of3A_499 : i32
      %get3A_501 = arith.index_cast %multiple_of3A_499 : i32 to index
      %get3A_502 = arith.constant 0 : index
      %get3A_503 = vector.load %arg5[%get3A_501, %get3A_502] : memref<8193x256xf32, #tpu.memory_space<vmem>>, vector<512x256xf32>
      %get3A_504 = arith.constant 5 : index
      %get3A_505 = arith.constant 0 : index
      %get3A_506 = arith.constant 0 : index
      %get3A_507 = vector.load %arg4[%get3A_504, %get3A_505, %get3A_506] : memref<16x256x256xf32, #tpu.memory_space<vmem>>, vector<1x256x256xf32>
      %get3A_508 = vector.shape_cast %get3A_507 : vector<1x256x256xf32> to vector<256x256xf32>
      %mul3A_509 = arith.mulf %get3A_508, %get3A_508 : vector<256x256xf32>
      %reduce_sum3A_510 = arith.constant dense<0.000000e+00> : vector<256xf32>
      %reduce_sum3A_511 = vector.multi_reduction <add>, %mul3A_509, %reduce_sum3A_510 [1] : vector<256x256xf32> to vector<256xf32>
      %broadcast_in_dim3A_512 = vector.shape_cast %reduce_sum3A_511 : vector<256xf32> to vector<256x1xf32>
      %mul3A_513 = arith.mulf %get3A_503, %get3A_503 : vector<512x256xf32>
      %reduce_sum3A_514 = arith.constant dense<0.000000e+00> : vector<512xf32>
      %reduce_sum3A_515 = vector.multi_reduction <add>, %mul3A_513, %reduce_sum3A_514 [1] : vector<512x256xf32> to vector<512xf32>
      %dot_general3A_516 = arith.constant dense<0.000000e+00> : vector<256x512xf32>
      %dot_general3A_517 = tpu.matmul %get3A_508, %get3A_503, %dot_general3A_516 {dimension_numbers = #tpu.dot_dimension_numbers<[1], [1], [0], [0], [0, 0, 1, 0], [], []>, transpose_lhs_hint = false} : vector<256x256xf32>, vector<512x256xf32>, vector<256x512xf32> -> vector<256x512xf32>
      %broadcast_in_dim3A_518 = vector.shape_cast %reduce_sum3A_515 : vector<512xf32> to vector<1x512xf32>
      %add3A_519 = vector.broadcast %broadcast_in_dim3A_512 : vector<256x1xf32> to vector<256x512xf32>
      %add3A_520 = vector.broadcast %broadcast_in_dim3A_518 : vector<1x512xf32> to vector<256x512xf32>
      %add3A_521 = arith.addf %add3A_519, %add3A_520 : vector<256x512xf32>
      %mul3A_522 = arith.constant 2.000000e+00 : f32
      %mul3A_523 = vector.broadcast %mul3A_522 : f32 to vector<256x512xf32>
      %mul3A_524 = arith.mulf %mul3A_523, %dot_general3A_517 : vector<256x512xf32>
      %sub3A_525 = arith.subf %add3A_521, %mul3A_524 : vector<256x512xf32>
      %slice3A_526 = vector.extract_strided_slice %sub3A_525 {offsets = [0, 1], sizes = [256, 511], strides = [1, 1]} : vector<256x512xf32> to vector<256x511xf32>
      %slice3A_527 = vector.extract_strided_slice %sub3A_525 {offsets = [0, 0], sizes = [256, 1], strides = [1, 1]} : vector<256x512xf32> to vector<256x1xf32>
      %concatenate3A_528 = tpu.concatenate %slice3A_526, %slice3A_527 in 1 : vector<256x511xf32>, vector<256x1xf32> -> vector<256x512xf32>
      %lt3A_529 = arith.cmpf olt, %concatenate3A_528, %sub3A_525 : vector<256x512xf32>
      %iota3A_530 = tpu.iota {dimensions = array<i32: 1>} : vector<256x512xi32>
      %sub3A_531 = arith.constant 8191 : i32
      %sub3A_532 = arith.subi %sub3A_531, %multiple_of3A_499 : i32
      %lt3A_533 = vector.broadcast %sub3A_532 : i32 to vector<256x512xi32>
      %lt3A_534 = arith.cmpi slt, %iota3A_530, %lt3A_533 : vector<256x512xi32>
      %and3A_535 = arith.andi %lt3A_529, %lt3A_534 : vector<256x512xi1>
      %convert_element_type3A_536 = arith.extui %and3A_535 : vector<256x512xi1> to vector<256x512xi32>
      %convert_element_type3A_537 = arith.sitofp %convert_element_type3A_536 : vector<256x512xi32> to vector<256x512xf32>
      %swap3A_538 = arith.constant 0 : index
      %swap3A_539 = arith.constant 5 : index
      %swap3A_540 = arith.constant 0 : index
      %swap3A_541 = vector.load %arg12[%swap3A_538, %swap3A_539, %swap3A_540] : memref<256x16x512xf32, #tpu.memory_space<vmem>>, vector<256x1x512xf32>
      %swap3A_542 = vector.shape_cast %swap3A_541 : vector<256x1x512xf32> to vector<256x512xf32>
      %swap3A_543 = vector.shape_cast %convert_element_type3A_537 : vector<256x512xf32> to vector<256x1x512xf32>
      tpu.vector_store %arg12[%swap3A_538, %swap3A_539, %swap3A_540], %swap3A_543 {strides = array<i32>} : memref<256x16x512xf32, #tpu.memory_space<vmem>>, vector<256x1x512xf32>,
      %eq3A_544 = vector.broadcast %sub3A_500 : i32 to vector<1x512xi32>
      %eq3A_545 = arith.cmpi eq, %iota3A_15, %eq3A_544 : vector<1x512xi32>
      %convert_element_type3A_546 = arith.extui %eq3A_545 : vector<1x512xi1> to vector<1x512xi32>
      %convert_element_type3A_547 = arith.sitofp %convert_element_type3A_546 : vector<1x512xi32> to vector<1x512xf32>
      %broadcast_in_dim3A_548 = arith.constant 0 : i32
      %broadcast_in_dim3A_549 = vector.broadcast %broadcast_in_dim3A_548 : i32 to vector<1x1xi32>
      %add3A_550 = vector.broadcast %sub3A_500 : i32 to vector<1x1xi32>
      %add3A_551 = arith.addi %broadcast_in_dim3A_549, %add3A_550 : vector<1x1xi32>
      %broadcast_in_dim3A_552 = arith.constant 0 : i32
      %broadcast_in_dim3A_553 = vector.broadcast %broadcast_in_dim3A_552 : i32 to vector<1x1xi32>
      %add3A_554 = vector.broadcast %multiple_of3A_499 : i32 to vector<1x1xi32>
      %add3A_555 = arith.addi %broadcast_in_dim3A_553, %add3A_554 : vector<1x1xi32>
      %get3A_556 = arith.constant 1536 : index
      %get3A_557 = arith.constant 0 : index
      %get3A_558 = vector.load %arg11[%get3A_556, %get3A_557] : memref<4096x1xi32, #tpu.memory_space<vmem>>, vector<1x1xi32>
      %get3A_559 = vector.extract %get3A_558[0, 0] : i32 from vector<1x1xi32>
      %jit3A_560 = arith.constant 0 : i32
      %jit3A_561 = arith.constant 8191 : i32
      %max3A_562 = arith.maxsi %jit3A_560, %get3A_559 : i32
      %min3A_563 = arith.minsi %jit3A_561, %max3A_562 : i32
      %jit3A_564 = arith.constant 256 : i32
      %div3A_565 = arith.divsi %min3A_563, %jit3A_564 : i32
      %sign3A_566 = arith.constant 0 : i32
      %sign3A_567 = arith.cmpi sgt, %min3A_563, %sign3A_566 : i32
      %sign3A_568 = arith.extui %sign3A_567 : i1 to i32
      %sign3A_569 = arith.constant 0 : i32
      %sign3A_570 = arith.cmpi slt, %min3A_563, %sign3A_569 : i32
      %sign3A_571 = arith.extui %sign3A_570 : i1 to i32
      %sign3A_572 = arith.subi %sign3A_568, %sign3A_571 : i32
      %sign3A_573 = arith.constant 0 : i32
      %sign3A_574 = arith.cmpi sgt, %jit3A_564, %sign3A_573 : i32
      %sign3A_575 = arith.extui %sign3A_574 : i1 to i32
      %sign3A_576 = arith.constant 0 : i32
      %sign3A_577 = arith.cmpi slt, %jit3A_564, %sign3A_576 : i32
      %sign3A_578 = arith.extui %sign3A_577 : i1 to i32
      %sign3A_579 = arith.subi %sign3A_575, %sign3A_578 : i32
      %ne3A_580 = arith.cmpi ne, %sign3A_572, %sign3A_579 : i32
      %rem3A_581 = arith.remsi %min3A_563, %jit3A_564 : i32
      %ne3A_582 = arith.constant 0 : i32
      %ne3A_583 = arith.cmpi ne, %rem3A_581, %ne3A_582 : i32
      %and3A_584 = arith.andi %ne3A_580, %ne3A_583 : i1
      %sub3A_585 = arith.constant 1 : i32
      %sub3A_586 = arith.subi %div3A_565, %sub3A_585 : i32
      %select_n3A_587 = arith.select %and3A_584, %sub3A_586, %div3A_565 : i32
      %mul3A_588 = arith.constant 256 : i32
      %mul3A_589 = arith.muli %select_n3A_587, %mul3A_588 : i32
      %min3A_590 = arith.constant 7680 : i32
      %min3A_591 = arith.minsi %mul3A_589, %min3A_590 : i32
      %multiple_of3A_592 = tpu.assume_multiple %min3A_591, 256 : i32
      %sub3A_593 = arith.subi %min3A_563, %multiple_of3A_592 : i32
      %get3A_594 = arith.index_cast %multiple_of3A_592 : i32 to index
      %get3A_595 = arith.constant 0 : index
      %get3A_596 = vector.load %arg5[%get3A_594, %get3A_595] : memref<8193x256xf32, #tpu.memory_space<vmem>>, vector<512x256xf32>
      %get3A_597 = arith.constant 6 : index
      %get3A_598 = arith.constant 0 : index
      %get3A_599 = arith.constant 0 : index
      %get3A_600 = vector.load %arg4[%get3A_597, %get3A_598, %get3A_599] : memref<16x256x256xf32, #tpu.memory_space<vmem>>, vector<1x256x256xf32>
      %get3A_601 = vector.shape_cast %get3A_600 : vector<1x256x256xf32> to vector<256x256xf32>
      %mul3A_602 = arith.mulf %get3A_601, %get3A_601 : vector<256x256xf32>
      %reduce_sum3A_603 = arith.constant dense<0.000000e+00> : vector<256xf32>
      %reduce_sum3A_604 = vector.multi_reduction <add>, %mul3A_602, %reduce_sum3A_603 [1] : vector<256x256xf32> to vector<256xf32>
      %broadcast_in_dim3A_605 = vector.shape_cast %reduce_sum3A_604 : vector<256xf32> to vector<256x1xf32>
      %mul3A_606 = arith.mulf %get3A_596, %get3A_596 : vector<512x256xf32>
      %reduce_sum3A_607 = arith.constant dense<0.000000e+00> : vector<512xf32>
      %reduce_sum3A_608 = vector.multi_reduction <add>, %mul3A_606, %reduce_sum3A_607 [1] : vector<512x256xf32> to vector<512xf32>
      %dot_general3A_609 = arith.constant dense<0.000000e+00> : vector<256x512xf32>
      %dot_general3A_610 = tpu.matmul %get3A_601, %get3A_596, %dot_general3A_609 {dimension_numbers = #tpu.dot_dimension_numbers<[1], [1], [0], [0], [0, 0, 1, 0], [], []>, transpose_lhs_hint = false} : vector<256x256xf32>, vector<512x256xf32>, vector<256x512xf32> -> vector<256x512xf32>
      %broadcast_in_dim3A_611 = vector.shape_cast %reduce_sum3A_608 : vector<512xf32> to vector<1x512xf32>
      %add3A_612 = vector.broadcast %broadcast_in_dim3A_605 : vector<256x1xf32> to vector<256x512xf32>
      %add3A_613 = vector.broadcast %broadcast_in_dim3A_611 : vector<1x512xf32> to vector<256x512xf32>
      %add3A_614 = arith.addf %add3A_612, %add3A_613 : vector<256x512xf32>
      %mul3A_615 = arith.constant 2.000000e+00 : f32
      %mul3A_616 = vector.broadcast %mul3A_615 : f32 to vector<256x512xf32>
      %mul3A_617 = arith.mulf %mul3A_616, %dot_general3A_610 : vector<256x512xf32>
      %sub3A_618 = arith.subf %add3A_614, %mul3A_617 : vector<256x512xf32>
      %slice3A_619 = vector.extract_strided_slice %sub3A_618 {offsets = [0, 1], sizes = [256, 511], strides = [1, 1]} : vector<256x512xf32> to vector<256x511xf32>
      %slice3A_620 = vector.extract_strided_slice %sub3A_618 {offsets = [0, 0], sizes = [256, 1], strides = [1, 1]} : vector<256x512xf32> to vector<256x1xf32>
      %concatenate3A_621 = tpu.concatenate %slice3A_619, %slice3A_620 in 1 : vector<256x511xf32>, vector<256x1xf32> -> vector<256x512xf32>
      %lt3A_622 = arith.cmpf olt, %concatenate3A_621, %sub3A_618 : vector<256x512xf32>
      %iota3A_623 = tpu.iota {dimensions = array<i32: 1>} : vector<256x512xi32>
      %sub3A_624 = arith.constant 8191 : i32
      %sub3A_625 = arith.subi %sub3A_624, %multiple_of3A_592 : i32
      %lt3A_626 = vector.broadcast %sub3A_625 : i32 to vector<256x512xi32>
      %lt3A_627 = arith.cmpi slt, %iota3A_623, %lt3A_626 : vector<256x512xi32>
      %and3A_628 = arith.andi %lt3A_622, %lt3A_627 : vector<256x512xi1>
      %convert_element_type3A_629 = arith.extui %and3A_628 : vector<256x512xi1> to vector<256x512xi32>
      %convert_element_type3A_630 = arith.sitofp %convert_element_type3A_629 : vector<256x512xi32> to vector<256x512xf32>
      %swap3A_631 = arith.constant 0 : index
      %swap3A_632 = arith.constant 6 : index
      %swap3A_633 = arith.constant 0 : index
      %swap3A_634 = vector.load %arg12[%swap3A_631, %swap3A_632, %swap3A_633] : memref<256x16x512xf32, #tpu.memory_space<vmem>>, vector<256x1x512xf32>
      %swap3A_635 = vector.shape_cast %swap3A_634 : vector<256x1x512xf32> to vector<256x512xf32>
      %swap3A_636 = vector.shape_cast %convert_element_type3A_630 : vector<256x512xf32> to vector<256x1x512xf32>
      tpu.vector_store %arg12[%swap3A_631, %swap3A_632, %swap3A_633], %swap3A_636 {strides = array<i32>} : memref<256x16x512xf32, #tpu.memory_space<vmem>>, vector<256x1x512xf32>,
      %eq3A_637 = vector.broadcast %sub3A_593 : i32 to vector<1x512xi32>
      %eq3A_638 = arith.cmpi eq, %iota3A_15, %eq3A_637 : vector<1x512xi32>
      %convert_element_type3A_639 = arith.extui %eq3A_638 : vector<1x512xi1> to vector<1x512xi32>
      %convert_element_type3A_640 = arith.sitofp %convert_element_type3A_639 : vector<1x512xi32> to vector<1x512xf32>
      %broadcast_in_dim3A_641 = arith.constant 0 : i32
      %broadcast_in_dim3A_642 = vector.broadcast %broadcast_in_dim3A_641 : i32 to vector<1x1xi32>
      %add3A_643 = vector.broadcast %sub3A_593 : i32 to vector<1x1xi32>
      %add3A_644 = arith.addi %broadcast_in_dim3A_642, %add3A_643 : vector<1x1xi32>
      %broadcast_in_dim3A_645 = arith.constant 0 : i32
      %broadcast_in_dim3A_646 = vector.broadcast %broadcast_in_dim3A_645 : i32 to vector<1x1xi32>
      %add3A_647 = vector.broadcast %multiple_of3A_592 : i32 to vector<1x1xi32>
      %add3A_648 = arith.addi %broadcast_in_dim3A_646, %add3A_647 : vector<1x1xi32>
      %get3A_649 = arith.constant 1792 : index
      %get3A_650 = arith.constant 0 : index
      %get3A_651 = vector.load %arg11[%get3A_649, %get3A_650] : memref<4096x1xi32, #tpu.memory_space<vmem>>, vector<1x1xi32>
      %get3A_652 = vector.extract %get3A_651[0, 0] : i32 from vector<1x1xi32>
      %jit3A_653 = arith.constant 0 : i32
      %jit3A_654 = arith.constant 8191 : i32
      %max3A_655 = arith.maxsi %jit3A_653, %get3A_652 : i32
      %min3A_656 = arith.minsi %jit3A_654, %max3A_655 : i32
      %jit3A_657 = arith.constant 256 : i32
      %div3A_658 = arith.divsi %min3A_656, %jit3A_657 : i32
      %sign3A_659 = arith.constant 0 : i32
      %sign3A_660 = arith.cmpi sgt, %min3A_656, %sign3A_659 : i32
      %sign3A_661 = arith.extui %sign3A_660 : i1 to i32
      %sign3A_662 = arith.constant 0 : i32
      %sign3A_663 = arith.cmpi slt, %min3A_656, %sign3A_662 : i32
      %sign3A_664 = arith.extui %sign3A_663 : i1 to i32
      %sign3A_665 = arith.subi %sign3A_661, %sign3A_664 : i32
      %sign3A_666 = arith.constant 0 : i32
      %sign3A_667 = arith.cmpi sgt, %jit3A_657, %sign3A_666 : i32
      %sign3A_668 = arith.extui %sign3A_667 : i1 to i32
      %sign3A_669 = arith.constant 0 : i32
      %sign3A_670 = arith.cmpi slt, %jit3A_657, %sign3A_669 : i32
      %sign3A_671 = arith.extui %sign3A_670 : i1 to i32
      %sign3A_672 = arith.subi %sign3A_668, %sign3A_671 : i32
      %ne3A_673 = arith.cmpi ne, %sign3A_665, %sign3A_672 : i32
      %rem3A_674 = arith.remsi %min3A_656, %jit3A_657 : i32
      %ne3A_675 = arith.constant 0 : i32
      %ne3A_676 = arith.cmpi ne, %rem3A_674, %ne3A_675 : i32
      %and3A_677 = arith.andi %ne3A_673, %ne3A_676 : i1
      %sub3A_678 = arith.constant 1 : i32
      %sub3A_679 = arith.subi %div3A_658, %sub3A_678 : i32
      %select_n3A_680 = arith.select %and3A_677, %sub3A_679, %div3A_658 : i32
      %mul3A_681 = arith.constant 256 : i32
      %mul3A_682 = arith.muli %select_n3A_680, %mul3A_681 : i32
      %min3A_683 = arith.constant 7680 : i32
      %min3A_684 = arith.minsi %mul3A_682, %min3A_683 : i32
      %multiple_of3A_685 = tpu.assume_multiple %min3A_684, 256 : i32
      %sub3A_686 = arith.subi %min3A_656, %multiple_of3A_685 : i32
      %get3A_687 = arith.index_cast %multiple_of3A_685 : i32 to index
      %get3A_688 = arith.constant 0 : index
      %get3A_689 = vector.load %arg5[%get3A_687, %get3A_688] : memref<8193x256xf32, #tpu.memory_space<vmem>>, vector<512x256xf32>
      %get3A_690 = arith.constant 7 : index
      %get3A_691 = arith.constant 0 : index
      %get3A_692 = arith.constant 0 : index
      %get3A_693 = vector.load %arg4[%get3A_690, %get3A_691, %get3A_692] : memref<16x256x256xf32, #tpu.memory_space<vmem>>, vector<1x256x256xf32>
      %get3A_694 = vector.shape_cast %get3A_693 : vector<1x256x256xf32> to vector<256x256xf32>
      %mul3A_695 = arith.mulf %get3A_694, %get3A_694 : vector<256x256xf32>
      %reduce_sum3A_696 = arith.constant dense<0.000000e+00> : vector<256xf32>
      %reduce_sum3A_697 = vector.multi_reduction <add>, %mul3A_695, %reduce_sum3A_696 [1] : vector<256x256xf32> to vector<256xf32>
      %broadcast_in_dim3A_698 = vector.shape_cast %reduce_sum3A_697 : vector<256xf32> to vector<256x1xf32>
      %mul3A_699 = arith.mulf %get3A_689, %get3A_689 : vector<512x256xf32>
      %reduce_sum3A_700 = arith.constant dense<0.000000e+00> : vector<512xf32>
      %reduce_sum3A_701 = vector.multi_reduction <add>, %mul3A_699, %reduce_sum3A_700 [1] : vector<512x256xf32> to vector<512xf32>
      %dot_general3A_702 = arith.constant dense<0.000000e+00> : vector<256x512xf32>
      %dot_general3A_703 = tpu.matmul %get3A_694, %get3A_689, %dot_general3A_702 {dimension_numbers = #tpu.dot_dimension_numbers<[1], [1], [0], [0], [0, 0, 1, 0], [], []>, transpose_lhs_hint = false} : vector<256x256xf32>, vector<512x256xf32>, vector<256x512xf32> -> vector<256x512xf32>
      %broadcast_in_dim3A_704 = vector.shape_cast %reduce_sum3A_701 : vector<512xf32> to vector<1x512xf32>
      %add3A_705 = vector.broadcast %broadcast_in_dim3A_698 : vector<256x1xf32> to vector<256x512xf32>
      %add3A_706 = vector.broadcast %broadcast_in_dim3A_704 : vector<1x512xf32> to vector<256x512xf32>
      %add3A_707 = arith.addf %add3A_705, %add3A_706 : vector<256x512xf32>
      %mul3A_708 = arith.constant 2.000000e+00 : f32
      %mul3A_709 = vector.broadcast %mul3A_708 : f32 to vector<256x512xf32>
      %mul3A_710 = arith.mulf %mul3A_709, %dot_general3A_703 : vector<256x512xf32>
      %sub3A_711 = arith.subf %add3A_707, %mul3A_710 : vector<256x512xf32>
      %slice3A_712 = vector.extract_strided_slice %sub3A_711 {offsets = [0, 1], sizes = [256, 511], strides = [1, 1]} : vector<256x512xf32> to vector<256x511xf32>
      %slice3A_713 = vector.extract_strided_slice %sub3A_711 {offsets = [0, 0], sizes = [256, 1], strides = [1, 1]} : vector<256x512xf32> to vector<256x1xf32>
      %concatenate3A_714 = tpu.concatenate %slice3A_712, %slice3A_713 in 1 : vector<256x511xf32>, vector<256x1xf32> -> vector<256x512xf32>
      %lt3A_715 = arith.cmpf olt, %concatenate3A_714, %sub3A_711 : vector<256x512xf32>
      %iota3A_716 = tpu.iota {dimensions = array<i32: 1>} : vector<256x512xi32>
      %sub3A_717 = arith.constant 8191 : i32
      %sub3A_718 = arith.subi %sub3A_717, %multiple_of3A_685 : i32
      %lt3A_719 = vector.broadcast %sub3A_718 : i32 to vector<256x512xi32>
      %lt3A_720 = arith.cmpi slt, %iota3A_716, %lt3A_719 : vector<256x512xi32>
      %and3A_721 = arith.andi %lt3A_715, %lt3A_720 : vector<256x512xi1>
      %convert_element_type3A_722 = arith.extui %and3A_721 : vector<256x512xi1> to vector<256x512xi32>
      %convert_element_type3A_723 = arith.sitofp %convert_element_type3A_722 : vector<256x512xi32> to vector<256x512xf32>
      %swap3A_724 = arith.constant 0 : index
      %swap3A_725 = arith.constant 7 : index
      %swap3A_726 = arith.constant 0 : index
      %swap3A_727 = vector.load %arg12[%swap3A_724, %swap3A_725, %swap3A_726] : memref<256x16x512xf32, #tpu.memory_space<vmem>>, vector<256x1x512xf32>
      %swap3A_728 = vector.shape_cast %swap3A_727 : vector<256x1x512xf32> to vector<256x512xf32>
      %swap3A_729 = vector.shape_cast %convert_element_type3A_723 : vector<256x512xf32> to vector<256x1x512xf32>
      tpu.vector_store %arg12[%swap3A_724, %swap3A_725, %swap3A_726], %swap3A_729 {strides = array<i32>} : memref<256x16x512xf32, #tpu.memory_space<vmem>>, vector<256x1x512xf32>,
      %eq3A_730 = vector.broadcast %sub3A_686 : i32 to vector<1x512xi32>
      %eq3A_731 = arith.cmpi eq, %iota3A_15, %eq3A_730 : vector<1x512xi32>
      %convert_element_type3A_732 = arith.extui %eq3A_731 : vector<1x512xi1> to vector<1x512xi32>
      %convert_element_type3A_733 = arith.sitofp %convert_element_type3A_732 : vector<1x512xi32> to vector<1x512xf32>
      %broadcast_in_dim3A_734 = arith.constant 0 : i32
      %broadcast_in_dim3A_735 = vector.broadcast %broadcast_in_dim3A_734 : i32 to vector<1x1xi32>
      %add3A_736 = vector.broadcast %sub3A_686 : i32 to vector<1x1xi32>
      %add3A_737 = arith.addi %broadcast_in_dim3A_735, %add3A_736 : vector<1x1xi32>
      %broadcast_in_dim3A_738 = arith.constant 0 : i32
      %broadcast_in_dim3A_739 = vector.broadcast %broadcast_in_dim3A_738 : i32 to vector<1x1xi32>
      %add3A_740 = vector.broadcast %multiple_of3A_685 : i32 to vector<1x1xi32>
      %add3A_741 = arith.addi %broadcast_in_dim3A_739, %add3A_740 : vector<1x1xi32>
      %get3A_742 = arith.constant 2048 : index
      %get3A_743 = arith.constant 0 : index
      %get3A_744 = vector.load %arg11[%get3A_742, %get3A_743] : memref<4096x1xi32, #tpu.memory_space<vmem>>, vector<1x1xi32>
      %get3A_745 = vector.extract %get3A_744[0, 0] : i32 from vector<1x1xi32>
      %jit3A_746 = arith.constant 0 : i32
      %jit3A_747 = arith.constant 8191 : i32
      %max3A_748 = arith.maxsi %jit3A_746, %get3A_745 : i32
      %min3A_749 = arith.minsi %jit3A_747, %max3A_748 : i32
      %jit3A_750 = arith.constant 256 : i32
      %div3A_751 = arith.divsi %min3A_749, %jit3A_750 : i32
      %sign3A_752 = arith.constant 0 : i32
      %sign3A_753 = arith.cmpi sgt, %min3A_749, %sign3A_752 : i32
      %sign3A_754 = arith.extui %sign3A_753 : i1 to i32
      %sign3A_755 = arith.constant 0 : i32
      %sign3A_756 = arith.cmpi slt, %min3A_749, %sign3A_755 : i32
      %sign3A_757 = arith.extui %sign3A_756 : i1 to i32
      %sign3A_758 = arith.subi %sign3A_754, %sign3A_757 : i32
      %sign3A_759 = arith.constant 0 : i32
      %sign3A_760 = arith.cmpi sgt, %jit3A_750, %sign3A_759 : i32
      %sign3A_761 = arith.extui %sign3A_760 : i1 to i32
      %sign3A_762 = arith.constant 0 : i32
      %sign3A_763 = arith.cmpi slt, %jit3A_750, %sign3A_762 : i32
      %sign3A_764 = arith.extui %sign3A_763 : i1 to i32
      %sign3A_765 = arith.subi %sign3A_761, %sign3A_764 : i32
      %ne3A_766 = arith.cmpi ne, %sign3A_758, %sign3A_765 : i32
      %rem3A_767 = arith.remsi %min3A_749, %jit3A_750 : i32
      %ne3A_768 = arith.constant 0 : i32
      %ne3A_769 = arith.cmpi ne, %rem3A_767, %ne3A_768 : i32
      %and3A_770 = arith.andi %ne3A_766, %ne3A_769 : i1
      %sub3A_771 = arith.constant 1 : i32
      %sub3A_772 = arith.subi %div3A_751, %sub3A_771 : i32
      %select_n3A_773 = arith.select %and3A_770, %sub3A_772, %div3A_751 : i32
      %mul3A_774 = arith.constant 256 : i32
      %mul3A_775 = arith.muli %select_n3A_773, %mul3A_774 : i32
      %min3A_776 = arith.constant 7680 : i32
      %min3A_777 = arith.minsi %mul3A_775, %min3A_776 : i32
      %multiple_of3A_778 = tpu.assume_multiple %min3A_777, 256 : i32
      %sub3A_779 = arith.subi %min3A_749, %multiple_of3A_778 : i32
      %get3A_780 = arith.index_cast %multiple_of3A_778 : i32 to index
      %get3A_781 = arith.constant 0 : index
      %get3A_782 = vector.load %arg5[%get3A_780, %get3A_781] : memref<8193x256xf32, #tpu.memory_space<vmem>>, vector<512x256xf32>
      %get3A_783 = arith.constant 8 : index
      %get3A_784 = arith.constant 0 : index
      %get3A_785 = arith.constant 0 : index
      %get3A_786 = vector.load %arg4[%get3A_783, %get3A_784, %get3A_785] : memref<16x256x256xf32, #tpu.memory_space<vmem>>, vector<1x256x256xf32>
      %get3A_787 = vector.shape_cast %get3A_786 : vector<1x256x256xf32> to vector<256x256xf32>
      %mul3A_788 = arith.mulf %get3A_787, %get3A_787 : vector<256x256xf32>
      %reduce_sum3A_789 = arith.constant dense<0.000000e+00> : vector<256xf32>
      %reduce_sum3A_790 = vector.multi_reduction <add>, %mul3A_788, %reduce_sum3A_789 [1] : vector<256x256xf32> to vector<256xf32>
      %broadcast_in_dim3A_791 = vector.shape_cast %reduce_sum3A_790 : vector<256xf32> to vector<256x1xf32>
      %mul3A_792 = arith.mulf %get3A_782, %get3A_782 : vector<512x256xf32>
      %reduce_sum3A_793 = arith.constant dense<0.000000e+00> : vector<512xf32>
      %reduce_sum3A_794 = vector.multi_reduction <add>, %mul3A_792, %reduce_sum3A_793 [1] : vector<512x256xf32> to vector<512xf32>
      %dot_general3A_795 = arith.constant dense<0.000000e+00> : vector<256x512xf32>
      %dot_general3A_796 = tpu.matmul %get3A_787, %get3A_782, %dot_general3A_795 {dimension_numbers = #tpu.dot_dimension_numbers<[1], [1], [0], [0], [0, 0, 1, 0], [], []>, transpose_lhs_hint = false} : vector<256x256xf32>, vector<512x256xf32>, vector<256x512xf32> -> vector<256x512xf32>
      %broadcast_in_dim3A_797 = vector.shape_cast %reduce_sum3A_794 : vector<512xf32> to vector<1x512xf32>
      %add3A_798 = vector.broadcast %broadcast_in_dim3A_791 : vector<256x1xf32> to vector<256x512xf32>
      %add3A_799 = vector.broadcast %broadcast_in_dim3A_797 : vector<1x512xf32> to vector<256x512xf32>
      %add3A_800 = arith.addf %add3A_798, %add3A_799 : vector<256x512xf32>
      %mul3A_801 = arith.constant 2.000000e+00 : f32
      %mul3A_802 = vector.broadcast %mul3A_801 : f32 to vector<256x512xf32>
      %mul3A_803 = arith.mulf %mul3A_802, %dot_general3A_796 : vector<256x512xf32>
      %sub3A_804 = arith.subf %add3A_800, %mul3A_803 : vector<256x512xf32>
      %slice3A_805 = vector.extract_strided_slice %sub3A_804 {offsets = [0, 1], sizes = [256, 511], strides = [1, 1]} : vector<256x512xf32> to vector<256x511xf32>
      %slice3A_806 = vector.extract_strided_slice %sub3A_804 {offsets = [0, 0], sizes = [256, 1], strides = [1, 1]} : vector<256x512xf32> to vector<256x1xf32>
      %concatenate3A_807 = tpu.concatenate %slice3A_805, %slice3A_806 in 1 : vector<256x511xf32>, vector<256x1xf32> -> vector<256x512xf32>
      %lt3A_808 = arith.cmpf olt, %concatenate3A_807, %sub3A_804 : vector<256x512xf32>
      %iota3A_809 = tpu.iota {dimensions = array<i32: 1>} : vector<256x512xi32>
      %sub3A_810 = arith.constant 8191 : i32
      %sub3A_811 = arith.subi %sub3A_810, %multiple_of3A_778 : i32
      %lt3A_812 = vector.broadcast %sub3A_811 : i32 to vector<256x512xi32>
      %lt3A_813 = arith.cmpi slt, %iota3A_809, %lt3A_812 : vector<256x512xi32>
      %and3A_814 = arith.andi %lt3A_808, %lt3A_813 : vector<256x512xi1>
      %convert_element_type3A_815 = arith.extui %and3A_814 : vector<256x512xi1> to vector<256x512xi32>
      %convert_element_type3A_816 = arith.sitofp %convert_element_type3A_815 : vector<256x512xi32> to vector<256x512xf32>
      %swap3A_817 = arith.constant 0 : index
      %swap3A_818 = arith.constant 8 : index
      %swap3A_819 = arith.constant 0 : index
      %swap3A_820 = vector.load %arg12[%swap3A_817, %swap3A_818, %swap3A_819] : memref<256x16x512xf32, #tpu.memory_space<vmem>>, vector<256x1x512xf32>
      %swap3A_821 = vector.shape_cast %swap3A_820 : vector<256x1x512xf32> to vector<256x512xf32>
      %swap3A_822 = vector.shape_cast %convert_element_type3A_816 : vector<256x512xf32> to vector<256x1x512xf32>
      tpu.vector_store %arg12[%swap3A_817, %swap3A_818, %swap3A_819], %swap3A_822 {strides = array<i32>} : memref<256x16x512xf32, #tpu.memory_space<vmem>>, vector<256x1x512xf32>,
      %eq3A_823 = vector.broadcast %sub3A_779 : i32 to vector<1x512xi32>
      %eq3A_824 = arith.cmpi eq, %iota3A_15, %eq3A_823 : vector<1x512xi32>
      %convert_element_type3A_825 = arith.extui %eq3A_824 : vector<1x512xi1> to vector<1x512xi32>
      %convert_element_type3A_826 = arith.sitofp %convert_element_type3A_825 : vector<1x512xi32> to vector<1x512xf32>
      %broadcast_in_dim3A_827 = arith.constant 0 : i32
      %broadcast_in_dim3A_828 = vector.broadcast %broadcast_in_dim3A_827 : i32 to vector<1x1xi32>
      %add3A_829 = vector.broadcast %sub3A_779 : i32 to vector<1x1xi32>
      %add3A_830 = arith.addi %broadcast_in_dim3A_828, %add3A_829 : vector<1x1xi32>
      %broadcast_in_dim3A_831 = arith.constant 0 : i32
      %broadcast_in_dim3A_832 = vector.broadcast %broadcast_in_dim3A_831 : i32 to vector<1x1xi32>
      %add3A_833 = vector.broadcast %multiple_of3A_778 : i32 to vector<1x1xi32>
      %add3A_834 = arith.addi %broadcast_in_dim3A_832, %add3A_833 : vector<1x1xi32>
      %get3A_835 = arith.constant 2304 : index
      %get3A_836 = arith.constant 0 : index
      %get3A_837 = vector.load %arg11[%get3A_835, %get3A_836] : memref<4096x1xi32, #tpu.memory_space<vmem>>, vector<1x1xi32>
      %get3A_838 = vector.extract %get3A_837[0, 0] : i32 from vector<1x1xi32>
      %jit3A_839 = arith.constant 0 : i32
      %jit3A_840 = arith.constant 8191 : i32
      %max3A_841 = arith.maxsi %jit3A_839, %get3A_838 : i32
      %min3A_842 = arith.minsi %jit3A_840, %max3A_841 : i32
      %jit3A_843 = arith.constant 256 : i32
      %div3A_844 = arith.divsi %min3A_842, %jit3A_843 : i32
      %sign3A_845 = arith.constant 0 : i32
      %sign3A_846 = arith.cmpi sgt, %min3A_842, %sign3A_845 : i32
      %sign3A_847 = arith.extui %sign3A_846 : i1 to i32
      %sign3A_848 = arith.constant 0 : i32
      %sign3A_849 = arith.cmpi slt, %min3A_842, %sign3A_848 : i32
      %sign3A_850 = arith.extui %sign3A_849 : i1 to i32
      %sign3A_851 = arith.subi %sign3A_847, %sign3A_850 : i32
      %sign3A_852 = arith.constant 0 : i32
      %sign3A_853 = arith.cmpi sgt, %jit3A_843, %sign3A_852 : i32
      %sign3A_854 = arith.extui %sign3A_853 : i1 to i32
      %sign3A_855 = arith.constant 0 : i32
      %sign3A_856 = arith.cmpi slt, %jit3A_843, %sign3A_855 : i32
      %sign3A_857 = arith.extui %sign3A_856 : i1 to i32
      %sign3A_858 = arith.subi %sign3A_854, %sign3A_857 : i32
      %ne3A_859 = arith.cmpi ne, %sign3A_851, %sign3A_858 : i32
      %rem3A_860 = arith.remsi %min3A_842, %jit3A_843 : i32
      %ne3A_861 = arith.constant 0 : i32
      %ne3A_862 = arith.cmpi ne, %rem3A_860, %ne3A_861 : i32
      %and3A_863 = arith.andi %ne3A_859, %ne3A_862 : i1
      %sub3A_864 = arith.constant 1 : i32
      %sub3A_865 = arith.subi %div3A_844, %sub3A_864 : i32
      %select_n3A_866 = arith.select %and3A_863, %sub3A_865, %div3A_844 : i32
      %mul3A_867 = arith.constant 256 : i32
      %mul3A_868 = arith.muli %select_n3A_866, %mul3A_867 : i32
      %min3A_869 = arith.constant 7680 : i32
      %min3A_870 = arith.minsi %mul3A_868, %min3A_869 : i32
      %multiple_of3A_871 = tpu.assume_multiple %min3A_870, 256 : i32
      %sub3A_872 = arith.subi %min3A_842, %multiple_of3A_871 : i32
      %get3A_873 = arith.index_cast %multiple_of3A_871 : i32 to index
      %get3A_874 = arith.constant 0 : index
      %get3A_875 = vector.load %arg5[%get3A_873, %get3A_874] : memref<8193x256xf32, #tpu.memory_space<vmem>>, vector<512x256xf32>
      %get3A_876 = arith.constant 9 : index
      %get3A_877 = arith.constant 0 : index
      %get3A_878 = arith.constant 0 : index
      %get3A_879 = vector.load %arg4[%get3A_876, %get3A_877, %get3A_878] : memref<16x256x256xf32, #tpu.memory_space<vmem>>, vector<1x256x256xf32>
      %get3A_880 = vector.shape_cast %get3A_879 : vector<1x256x256xf32> to vector<256x256xf32>
      %mul3A_881 = arith.mulf %get3A_880, %get3A_880 : vector<256x256xf32>
      %reduce_sum3A_882 = arith.constant dense<0.000000e+00> : vector<256xf32>
      %reduce_sum3A_883 = vector.multi_reduction <add>, %mul3A_881, %reduce_sum3A_882 [1] : vector<256x256xf32> to vector<256xf32>
      %broadcast_in_dim3A_884 = vector.shape_cast %reduce_sum3A_883 : vector<256xf32> to vector<256x1xf32>
      %mul3A_885 = arith.mulf %get3A_875, %get3A_875 : vector<512x256xf32>
      %reduce_sum3A_886 = arith.constant dense<0.000000e+00> : vector<512xf32>
      %reduce_sum3A_887 = vector.multi_reduction <add>, %mul3A_885, %reduce_sum3A_886 [1] : vector<512x256xf32> to vector<512xf32>
      %dot_general3A_888 = arith.constant dense<0.000000e+00> : vector<256x512xf32>
      %dot_general3A_889 = tpu.matmul %get3A_880, %get3A_875, %dot_general3A_888 {dimension_numbers = #tpu.dot_dimension_numbers<[1], [1], [0], [0], [0, 0, 1, 0], [], []>, transpose_lhs_hint = false} : vector<256x256xf32>, vector<512x256xf32>, vector<256x512xf32> -> vector<256x512xf32>
      %broadcast_in_dim3A_890 = vector.shape_cast %reduce_sum3A_887 : vector<512xf32> to vector<1x512xf32>
      %add3A_891 = vector.broadcast %broadcast_in_dim3A_884 : vector<256x1xf32> to vector<256x512xf32>
      %add3A_892 = vector.broadcast %broadcast_in_dim3A_890 : vector<1x512xf32> to vector<256x512xf32>
      %add3A_893 = arith.addf %add3A_891, %add3A_892 : vector<256x512xf32>
      %mul3A_894 = arith.constant 2.000000e+00 : f32
      %mul3A_895 = vector.broadcast %mul3A_894 : f32 to vector<256x512xf32>
      %mul3A_896 = arith.mulf %mul3A_895, %dot_general3A_889 : vector<256x512xf32>
      %sub3A_897 = arith.subf %add3A_893, %mul3A_896 : vector<256x512xf32>
      %slice3A_898 = vector.extract_strided_slice %sub3A_897 {offsets = [0, 1], sizes = [256, 511], strides = [1, 1]} : vector<256x512xf32> to vector<256x511xf32>
      %slice3A_899 = vector.extract_strided_slice %sub3A_897 {offsets = [0, 0], sizes = [256, 1], strides = [1, 1]} : vector<256x512xf32> to vector<256x1xf32>
      %concatenate3A_900 = tpu.concatenate %slice3A_898, %slice3A_899 in 1 : vector<256x511xf32>, vector<256x1xf32> -> vector<256x512xf32>
      %lt3A_901 = arith.cmpf olt, %concatenate3A_900, %sub3A_897 : vector<256x512xf32>
      %iota3A_902 = tpu.iota {dimensions = array<i32: 1>} : vector<256x512xi32>
      %sub3A_903 = arith.constant 8191 : i32
      %sub3A_904 = arith.subi %sub3A_903, %multiple_of3A_871 : i32
      %lt3A_905 = vector.broadcast %sub3A_904 : i32 to vector<256x512xi32>
      %lt3A_906 = arith.cmpi slt, %iota3A_902, %lt3A_905 : vector<256x512xi32>
      %and3A_907 = arith.andi %lt3A_901, %lt3A_906 : vector<256x512xi1>
      %convert_element_type3A_908 = arith.extui %and3A_907 : vector<256x512xi1> to vector<256x512xi32>
      %convert_element_type3A_909 = arith.sitofp %convert_element_type3A_908 : vector<256x512xi32> to vector<256x512xf32>
      %swap3A_910 = arith.constant 0 : index
      %swap3A_911 = arith.constant 9 : index
      %swap3A_912 = arith.constant 0 : index
      %swap3A_913 = vector.load %arg12[%swap3A_910, %swap3A_911, %swap3A_912] : memref<256x16x512xf32, #tpu.memory_space<vmem>>, vector<256x1x512xf32>
      %swap3A_914 = vector.shape_cast %swap3A_913 : vector<256x1x512xf32> to vector<256x512xf32>
      %swap3A_915 = vector.shape_cast %convert_element_type3A_909 : vector<256x512xf32> to vector<256x1x512xf32>
      tpu.vector_store %arg12[%swap3A_910, %swap3A_911, %swap3A_912], %swap3A_915 {strides = array<i32>} : memref<256x16x512xf32, #tpu.memory_space<vmem>>, vector<256x1x512xf32>,
      %eq3A_916 = vector.broadcast %sub3A_872 : i32 to vector<1x512xi32>
      %eq3A_917 = arith.cmpi eq, %iota3A_15, %eq3A_916 : vector<1x512xi32>
      %convert_element_type3A_918 = arith.extui %eq3A_917 : vector<1x512xi1> to vector<1x512xi32>
      %convert_element_type3A_919 = arith.sitofp %convert_element_type3A_918 : vector<1x512xi32> to vector<1x512xf32>
      %broadcast_in_dim3A_920 = arith.constant 0 : i32
      %broadcast_in_dim3A_921 = vector.broadcast %broadcast_in_dim3A_920 : i32 to vector<1x1xi32>
      %add3A_922 = vector.broadcast %sub3A_872 : i32 to vector<1x1xi32>
      %add3A_923 = arith.addi %broadcast_in_dim3A_921, %add3A_922 : vector<1x1xi32>
      %broadcast_in_dim3A_924 = arith.constant 0 : i32
      %broadcast_in_dim3A_925 = vector.broadcast %broadcast_in_dim3A_924 : i32 to vector<1x1xi32>
      %add3A_926 = vector.broadcast %multiple_of3A_871 : i32 to vector<1x1xi32>
      %add3A_927 = arith.addi %broadcast_in_dim3A_925, %add3A_926 : vector<1x1xi32>
      %get3A_928 = arith.constant 2560 : index
      %get3A_929 = arith.constant 0 : index
      %get3A_930 = vector.load %arg11[%get3A_928, %get3A_929] : memref<4096x1xi32, #tpu.memory_space<vmem>>, vector<1x1xi32>
      %get3A_931 = vector.extract %get3A_930[0, 0] : i32 from vector<1x1xi32>
      %jit3A_932 = arith.constant 0 : i32
      %jit3A_933 = arith.constant 8191 : i32
      %max3A_934 = arith.maxsi %jit3A_932, %get3A_931 : i32
      %min3A_935 = arith.minsi %jit3A_933, %max3A_934 : i32
      %jit3A_936 = arith.constant 256 : i32
      %div3A_937 = arith.divsi %min3A_935, %jit3A_936 : i32
      %sign3A_938 = arith.constant 0 : i32
      %sign3A_939 = arith.cmpi sgt, %min3A_935, %sign3A_938 : i32
      %sign3A_940 = arith.extui %sign3A_939 : i1 to i32
      %sign3A_941 = arith.constant 0 : i32
      %sign3A_942 = arith.cmpi slt, %min3A_935, %sign3A_941 : i32
      %sign3A_943 = arith.extui %sign3A_942 : i1 to i32
      %sign3A_944 = arith.subi %sign3A_940, %sign3A_943 : i32
      %sign3A_945 = arith.constant 0 : i32
      %sign3A_946 = arith.cmpi sgt, %jit3A_936, %sign3A_945 : i32
      %sign3A_947 = arith.extui %sign3A_946 : i1 to i32
      %sign3A_948 = arith.constant 0 : i32
      %sign3A_949 = arith.cmpi slt, %jit3A_936, %sign3A_948 : i32
      %sign3A_950 = arith.extui %sign3A_949 : i1 to i32
      %sign3A_951 = arith.subi %sign3A_947, %sign3A_950 : i32
      %ne3A_952 = arith.cmpi ne, %sign3A_944, %sign3A_951 : i32
      %rem3A_953 = arith.remsi %min3A_935, %jit3A_936 : i32
      %ne3A_954 = arith.constant 0 : i32
      %ne3A_955 = arith.cmpi ne, %rem3A_953, %ne3A_954 : i32
      %and3A_956 = arith.andi %ne3A_952, %ne3A_955 : i1
      %sub3A_957 = arith.constant 1 : i32
      %sub3A_958 = arith.subi %div3A_937, %sub3A_957 : i32
      %select_n3A_959 = arith.select %and3A_956, %sub3A_958, %div3A_937 : i32
      %mul3A_960 = arith.constant 256 : i32
      %mul3A_961 = arith.muli %select_n3A_959, %mul3A_960 : i32
      %min3A_962 = arith.constant 7680 : i32
      %min3A_963 = arith.minsi %mul3A_961, %min3A_962 : i32
      %multiple_of3A_964 = tpu.assume_multiple %min3A_963, 256 : i32
      %sub3A_965 = arith.subi %min3A_935, %multiple_of3A_964 : i32
      %get3A_966 = arith.index_cast %multiple_of3A_964 : i32 to index
      %get3A_967 = arith.constant 0 : index
      %get3A_968 = vector.load %arg5[%get3A_966, %get3A_967] : memref<8193x256xf32, #tpu.memory_space<vmem>>, vector<512x256xf32>
      %get3A_969 = arith.constant 10 : index
      %get3A_970 = arith.constant 0 : index
      %get3A_971 = arith.constant 0 : index
      %get3A_972 = vector.load %arg4[%get3A_969, %get3A_970, %get3A_971] : memref<16x256x256xf32, #tpu.memory_space<vmem>>, vector<1x256x256xf32>
      %get3A_973 = vector.shape_cast %get3A_972 : vector<1x256x256xf32> to vector<256x256xf32>
      %mul3A_974 = arith.mulf %get3A_973, %get3A_973 : vector<256x256xf32>
      %reduce_sum3A_975 = arith.constant dense<0.000000e+00> : vector<256xf32>
      %reduce_sum3A_976 = vector.multi_reduction <add>, %mul3A_974, %reduce_sum3A_975 [1] : vector<256x256xf32> to vector<256xf32>
      %broadcast_in_dim3A_977 = vector.shape_cast %reduce_sum3A_976 : vector<256xf32> to vector<256x1xf32>
      %mul3A_978 = arith.mulf %get3A_968, %get3A_968 : vector<512x256xf32>
      %reduce_sum3A_979 = arith.constant dense<0.000000e+00> : vector<512xf32>
      %reduce_sum3A_980 = vector.multi_reduction <add>, %mul3A_978, %reduce_sum3A_979 [1] : vector<512x256xf32> to vector<512xf32>
      %dot_general3A_981 = arith.constant dense<0.000000e+00> : vector<256x512xf32>
      %dot_general3A_982 = tpu.matmul %get3A_973, %get3A_968, %dot_general3A_981 {dimension_numbers = #tpu.dot_dimension_numbers<[1], [1], [0], [0], [0, 0, 1, 0], [], []>, transpose_lhs_hint = false} : vector<256x256xf32>, vector<512x256xf32>, vector<256x512xf32> -> vector<256x512xf32>
      %broadcast_in_dim3A_983 = vector.shape_cast %reduce_sum3A_980 : vector<512xf32> to vector<1x512xf32>
      %add3A_984 = vector.broadcast %broadcast_in_dim3A_977 : vector<256x1xf32> to vector<256x512xf32>
      %add3A_985 = vector.broadcast %broadcast_in_dim3A_983 : vector<1x512xf32> to vector<256x512xf32>
      %add3A_986 = arith.addf %add3A_984, %add3A_985 : vector<256x512xf32>
      %mul3A_987 = arith.constant 2.000000e+00 : f32
      %mul3A_988 = vector.broadcast %mul3A_987 : f32 to vector<256x512xf32>
      %mul3A_989 = arith.mulf %mul3A_988, %dot_general3A_982 : vector<256x512xf32>
      %sub3A_990 = arith.subf %add3A_986, %mul3A_989 : vector<256x512xf32>
      %slice3A_991 = vector.extract_strided_slice %sub3A_990 {offsets = [0, 1], sizes = [256, 511], strides = [1, 1]} : vector<256x512xf32> to vector<256x511xf32>
      %slice3A_992 = vector.extract_strided_slice %sub3A_990 {offsets = [0, 0], sizes = [256, 1], strides = [1, 1]} : vector<256x512xf32> to vector<256x1xf32>
      %concatenate3A_993 = tpu.concatenate %slice3A_991, %slice3A_992 in 1 : vector<256x511xf32>, vector<256x1xf32> -> vector<256x512xf32>
      %lt3A_994 = arith.cmpf olt, %concatenate3A_993, %sub3A_990 : vector<256x512xf32>
      %iota3A_995 = tpu.iota {dimensions = array<i32: 1>} : vector<256x512xi32>
      %sub3A_996 = arith.constant 8191 : i32
      %sub3A_997 = arith.subi %sub3A_996, %multiple_of3A_964 : i32
      %lt3A_998 = vector.broadcast %sub3A_997 : i32 to vector<256x512xi32>
      %lt3A_999 = arith.cmpi slt, %iota3A_995, %lt3A_998 : vector<256x512xi32>
      %and3A_1000 = arith.andi %lt3A_994, %lt3A_999 : vector<256x512xi1>
      %convert_element_type3A_1001 = arith.extui %and3A_1000 : vector<256x512xi1> to vector<256x512xi32>
      %convert_element_type3A_1002 = arith.sitofp %convert_element_type3A_1001 : vector<256x512xi32> to vector<256x512xf32>
      %swap3A_1003 = arith.constant 0 : index
      %swap3A_1004 = arith.constant 10 : index
      %swap3A_1005 = arith.constant 0 : index
      %swap3A_1006 = vector.load %arg12[%swap3A_1003, %swap3A_1004, %swap3A_1005] : memref<256x16x512xf32, #tpu.memory_space<vmem>>, vector<256x1x512xf32>
      %swap3A_1007 = vector.shape_cast %swap3A_1006 : vector<256x1x512xf32> to vector<256x512xf32>
      %swap3A_1008 = vector.shape_cast %convert_element_type3A_1002 : vector<256x512xf32> to vector<256x1x512xf32>
      tpu.vector_store %arg12[%swap3A_1003, %swap3A_1004, %swap3A_1005], %swap3A_1008 {strides = array<i32>} : memref<256x16x512xf32, #tpu.memory_space<vmem>>, vector<256x1x512xf32>,
      %eq3A_1009 = vector.broadcast %sub3A_965 : i32 to vector<1x512xi32>
      %eq3A_1010 = arith.cmpi eq, %iota3A_15, %eq3A_1009 : vector<1x512xi32>
      %convert_element_type3A_1011 = arith.extui %eq3A_1010 : vector<1x512xi1> to vector<1x512xi32>
      %convert_element_type3A_1012 = arith.sitofp %convert_element_type3A_1011 : vector<1x512xi32> to vector<1x512xf32>
      %broadcast_in_dim3A_1013 = arith.constant 0 : i32
      %broadcast_in_dim3A_1014 = vector.broadcast %broadcast_in_dim3A_1013 : i32 to vector<1x1xi32>
      %add3A_1015 = vector.broadcast %sub3A_965 : i32 to vector<1x1xi32>
      %add3A_1016 = arith.addi %broadcast_in_dim3A_1014, %add3A_1015 : vector<1x1xi32>
      %broadcast_in_dim3A_1017 = arith.constant 0 : i32
      %broadcast_in_dim3A_1018 = vector.broadcast %broadcast_in_dim3A_1017 : i32 to vector<1x1xi32>
      %add3A_1019 = vector.broadcast %multiple_of3A_964 : i32 to vector<1x1xi32>
      %add3A_1020 = arith.addi %broadcast_in_dim3A_1018, %add3A_1019 : vector<1x1xi32>
      %get3A_1021 = arith.constant 2816 : index
      %get3A_1022 = arith.constant 0 : index
      %get3A_1023 = vector.load %arg11[%get3A_1021, %get3A_1022] : memref<4096x1xi32, #tpu.memory_space<vmem>>, vector<1x1xi32>
      %get3A_1024 = vector.extract %get3A_1023[0, 0] : i32 from vector<1x1xi32>
      %jit3A_1025 = arith.constant 0 : i32
      %jit3A_1026 = arith.constant 8191 : i32
      %max3A_1027 = arith.maxsi %jit3A_1025, %get3A_1024 : i32
      %min3A_1028 = arith.minsi %jit3A_1026, %max3A_1027 : i32
      %jit3A_1029 = arith.constant 256 : i32
      %div3A_1030 = arith.divsi %min3A_1028, %jit3A_1029 : i32
      %sign3A_1031 = arith.constant 0 : i32
      %sign3A_1032 = arith.cmpi sgt, %min3A_1028, %sign3A_1031 : i32
      %sign3A_1033 = arith.extui %sign3A_1032 : i1 to i32
      %sign3A_1034 = arith.constant 0 : i32
      %sign3A_1035 = arith.cmpi slt, %min3A_1028, %sign3A_1034 : i32
      %sign3A_1036 = arith.extui %sign3A_1035 : i1 to i32
      %sign3A_1037 = arith.subi %sign3A_1033, %sign3A_1036 : i32
      %sign3A_1038 = arith.constant 0 : i32
      %sign3A_1039 = arith.cmpi sgt, %jit3A_1029, %sign3A_1038 : i32
      %sign3A_1040 = arith.extui %sign3A_1039 : i1 to i32
      %sign3A_1041 = arith.constant 0 : i32
      %sign3A_1042 = arith.cmpi slt, %jit3A_1029, %sign3A_1041 : i32
      %sign3A_1043 = arith.extui %sign3A_1042 : i1 to i32
      %sign3A_1044 = arith.subi %sign3A_1040, %sign3A_1043 : i32
      %ne3A_1045 = arith.cmpi ne, %sign3A_1037, %sign3A_1044 : i32
      %rem3A_1046 = arith.remsi %min3A_1028, %jit3A_1029 : i32
      %ne3A_1047 = arith.constant 0 : i32
      %ne3A_1048 = arith.cmpi ne, %rem3A_1046, %ne3A_1047 : i32
      %and3A_1049 = arith.andi %ne3A_1045, %ne3A_1048 : i1
      %sub3A_1050 = arith.constant 1 : i32
      %sub3A_1051 = arith.subi %div3A_1030, %sub3A_1050 : i32
      %select_n3A_1052 = arith.select %and3A_1049, %sub3A_1051, %div3A_1030 : i32
      %mul3A_1053 = arith.constant 256 : i32
      %mul3A_1054 = arith.muli %select_n3A_1052, %mul3A_1053 : i32
      %min3A_1055 = arith.constant 7680 : i32
      %min3A_1056 = arith.minsi %mul3A_1054, %min3A_1055 : i32
      %multiple_of3A_1057 = tpu.assume_multiple %min3A_1056, 256 : i32
      %sub3A_1058 = arith.subi %min3A_1028, %multiple_of3A_1057 : i32
      %get3A_1059 = arith.index_cast %multiple_of3A_1057 : i32 to index
      %get3A_1060 = arith.constant 0 : index
      %get3A_1061 = vector.load %arg5[%get3A_1059, %get3A_1060] : memref<8193x256xf32, #tpu.memory_space<vmem>>, vector<512x256xf32>
      %get3A_1062 = arith.constant 11 : index
      %get3A_1063 = arith.constant 0 : index
      %get3A_1064 = arith.constant 0 : index
      %get3A_1065 = vector.load %arg4[%get3A_1062, %get3A_1063, %get3A_1064] : memref<16x256x256xf32, #tpu.memory_space<vmem>>, vector<1x256x256xf32>
      %get3A_1066 = vector.shape_cast %get3A_1065 : vector<1x256x256xf32> to vector<256x256xf32>
      %mul3A_1067 = arith.mulf %get3A_1066, %get3A_1066 : vector<256x256xf32>
      %reduce_sum3A_1068 = arith.constant dense<0.000000e+00> : vector<256xf32>
      %reduce_sum3A_1069 = vector.multi_reduction <add>, %mul3A_1067, %reduce_sum3A_1068 [1] : vector<256x256xf32> to vector<256xf32>
      %broadcast_in_dim3A_1070 = vector.shape_cast %reduce_sum3A_1069 : vector<256xf32> to vector<256x1xf32>
      %mul3A_1071 = arith.mulf %get3A_1061, %get3A_1061 : vector<512x256xf32>
      %reduce_sum3A_1072 = arith.constant dense<0.000000e+00> : vector<512xf32>
      %reduce_sum3A_1073 = vector.multi_reduction <add>, %mul3A_1071, %reduce_sum3A_1072 [1] : vector<512x256xf32> to vector<512xf32>
      %dot_general3A_1074 = arith.constant dense<0.000000e+00> : vector<256x512xf32>
      %dot_general3A_1075 = tpu.matmul %get3A_1066, %get3A_1061, %dot_general3A_1074 {dimension_numbers = #tpu.dot_dimension_numbers<[1], [1], [0], [0], [0, 0, 1, 0], [], []>, transpose_lhs_hint = false} : vector<256x256xf32>, vector<512x256xf32>, vector<256x512xf32> -> vector<256x512xf32>
      %broadcast_in_dim3A_1076 = vector.shape_cast %reduce_sum3A_1073 : vector<512xf32> to vector<1x512xf32>
      %add3A_1077 = vector.broadcast %broadcast_in_dim3A_1070 : vector<256x1xf32> to vector<256x512xf32>
      %add3A_1078 = vector.broadcast %broadcast_in_dim3A_1076 : vector<1x512xf32> to vector<256x512xf32>
      %add3A_1079 = arith.addf %add3A_1077, %add3A_1078 : vector<256x512xf32>
      %mul3A_1080 = arith.constant 2.000000e+00 : f32
      %mul3A_1081 = vector.broadcast %mul3A_1080 : f32 to vector<256x512xf32>
      %mul3A_1082 = arith.mulf %mul3A_1081, %dot_general3A_1075 : vector<256x512xf32>
      %sub3A_1083 = arith.subf %add3A_1079, %mul3A_1082 : vector<256x512xf32>
      %slice3A_1084 = vector.extract_strided_slice %sub3A_1083 {offsets = [0, 1], sizes = [256, 511], strides = [1, 1]} : vector<256x512xf32> to vector<256x511xf32>
      %slice3A_1085 = vector.extract_strided_slice %sub3A_1083 {offsets = [0, 0], sizes = [256, 1], strides = [1, 1]} : vector<256x512xf32> to vector<256x1xf32>
      %concatenate3A_1086 = tpu.concatenate %slice3A_1084, %slice3A_1085 in 1 : vector<256x511xf32>, vector<256x1xf32> -> vector<256x512xf32>
      %lt3A_1087 = arith.cmpf olt, %concatenate3A_1086, %sub3A_1083 : vector<256x512xf32>
      %iota3A_1088 = tpu.iota {dimensions = array<i32: 1>} : vector<256x512xi32>
      %sub3A_1089 = arith.constant 8191 : i32
      %sub3A_1090 = arith.subi %sub3A_1089, %multiple_of3A_1057 : i32
      %lt3A_1091 = vector.broadcast %sub3A_1090 : i32 to vector<256x512xi32>
      %lt3A_1092 = arith.cmpi slt, %iota3A_1088, %lt3A_1091 : vector<256x512xi32>
      %and3A_1093 = arith.andi %lt3A_1087, %lt3A_1092 : vector<256x512xi1>
      %convert_element_type3A_1094 = arith.extui %and3A_1093 : vector<256x512xi1> to vector<256x512xi32>
      %convert_element_type3A_1095 = arith.sitofp %convert_element_type3A_1094 : vector<256x512xi32> to vector<256x512xf32>
      %swap3A_1096 = arith.constant 0 : index
      %swap3A_1097 = arith.constant 11 : index
      %swap3A_1098 = arith.constant 0 : index
      %swap3A_1099 = vector.load %arg12[%swap3A_1096, %swap3A_1097, %swap3A_1098] : memref<256x16x512xf32, #tpu.memory_space<vmem>>, vector<256x1x512xf32>
      %swap3A_1100 = vector.shape_cast %swap3A_1099 : vector<256x1x512xf32> to vector<256x512xf32>
      %swap3A_1101 = vector.shape_cast %convert_element_type3A_1095 : vector<256x512xf32> to vector<256x1x512xf32>
      tpu.vector_store %arg12[%swap3A_1096, %swap3A_1097, %swap3A_1098], %swap3A_1101 {strides = array<i32>} : memref<256x16x512xf32, #tpu.memory_space<vmem>>, vector<256x1x512xf32>,
      %eq3A_1102 = vector.broadcast %sub3A_1058 : i32 to vector<1x512xi32>
      %eq3A_1103 = arith.cmpi eq, %iota3A_15, %eq3A_1102 : vector<1x512xi32>
      %convert_element_type3A_1104 = arith.extui %eq3A_1103 : vector<1x512xi1> to vector<1x512xi32>
      %convert_element_type3A_1105 = arith.sitofp %convert_element_type3A_1104 : vector<1x512xi32> to vector<1x512xf32>
      %broadcast_in_dim3A_1106 = arith.constant 0 : i32
      %broadcast_in_dim3A_1107 = vector.broadcast %broadcast_in_dim3A_1106 : i32 to vector<1x1xi32>
      %add3A_1108 = vector.broadcast %sub3A_1058 : i32 to vector<1x1xi32>
      %add3A_1109 = arith.addi %broadcast_in_dim3A_1107, %add3A_1108 : vector<1x1xi32>
      %broadcast_in_dim3A_1110 = arith.constant 0 : i32
      %broadcast_in_dim3A_1111 = vector.broadcast %broadcast_in_dim3A_1110 : i32 to vector<1x1xi32>
      %add3A_1112 = vector.broadcast %multiple_of3A_1057 : i32 to vector<1x1xi32>
      %add3A_1113 = arith.addi %broadcast_in_dim3A_1111, %add3A_1112 : vector<1x1xi32>
      %get3A_1114 = arith.constant 3072 : index
      %get3A_1115 = arith.constant 0 : index
      %get3A_1116 = vector.load %arg11[%get3A_1114, %get3A_1115] : memref<4096x1xi32, #tpu.memory_space<vmem>>, vector<1x1xi32>
      %get3A_1117 = vector.extract %get3A_1116[0, 0] : i32 from vector<1x1xi32>
      %jit3A_1118 = arith.constant 0 : i32
      %jit3A_1119 = arith.constant 8191 : i32
      %max3A_1120 = arith.maxsi %jit3A_1118, %get3A_1117 : i32
      %min3A_1121 = arith.minsi %jit3A_1119, %max3A_1120 : i32
      %jit3A_1122 = arith.constant 256 : i32
      %div3A_1123 = arith.divsi %min3A_1121, %jit3A_1122 : i32
      %sign3A_1124 = arith.constant 0 : i32
      %sign3A_1125 = arith.cmpi sgt, %min3A_1121, %sign3A_1124 : i32
      %sign3A_1126 = arith.extui %sign3A_1125 : i1 to i32
      %sign3A_1127 = arith.constant 0 : i32
      %sign3A_1128 = arith.cmpi slt, %min3A_1121, %sign3A_1127 : i32
      %sign3A_1129 = arith.extui %sign3A_1128 : i1 to i32
      %sign3A_1130 = arith.subi %sign3A_1126, %sign3A_1129 : i32
      %sign3A_1131 = arith.constant 0 : i32
      %sign3A_1132 = arith.cmpi sgt, %jit3A_1122, %sign3A_1131 : i32
      %sign3A_1133 = arith.extui %sign3A_1132 : i1 to i32
      %sign3A_1134 = arith.constant 0 : i32
      %sign3A_1135 = arith.cmpi slt, %jit3A_1122, %sign3A_1134 : i32
      %sign3A_1136 = arith.extui %sign3A_1135 : i1 to i32
      %sign3A_1137 = arith.subi %sign3A_1133, %sign3A_1136 : i32
      %ne3A_1138 = arith.cmpi ne, %sign3A_1130, %sign3A_1137 : i32
      %rem3A_1139 = arith.remsi %min3A_1121, %jit3A_1122 : i32
      %ne3A_1140 = arith.constant 0 : i32
      %ne3A_1141 = arith.cmpi ne, %rem3A_1139, %ne3A_1140 : i32
      %and3A_1142 = arith.andi %ne3A_1138, %ne3A_1141 : i1
      %sub3A_1143 = arith.constant 1 : i32
      %sub3A_1144 = arith.subi %div3A_1123, %sub3A_1143 : i32
      %select_n3A_1145 = arith.select %and3A_1142, %sub3A_1144, %div3A_1123 : i32
      %mul3A_1146 = arith.constant 256 : i32
      %mul3A_1147 = arith.muli %select_n3A_1145, %mul3A_1146 : i32
      %min3A_1148 = arith.constant 7680 : i32
      %min3A_1149 = arith.minsi %mul3A_1147, %min3A_1148 : i32
      %multiple_of3A_1150 = tpu.assume_multiple %min3A_1149, 256 : i32
      %sub3A_1151 = arith.subi %min3A_1121, %multiple_of3A_1150 : i32
      %get3A_1152 = arith.index_cast %multiple_of3A_1150 : i32 to index
      %get3A_1153 = arith.constant 0 : index
      %get3A_1154 = vector.load %arg5[%get3A_1152, %get3A_1153] : memref<8193x256xf32, #tpu.memory_space<vmem>>, vector<512x256xf32>
      %get3A_1155 = arith.constant 12 : index
      %get3A_1156 = arith.constant 0 : index
      %get3A_1157 = arith.constant 0 : index
      %get3A_1158 = vector.load %arg4[%get3A_1155, %get3A_1156, %get3A_1157] : memref<16x256x256xf32, #tpu.memory_space<vmem>>, vector<1x256x256xf32>
      %get3A_1159 = vector.shape_cast %get3A_1158 : vector<1x256x256xf32> to vector<256x256xf32>
      %mul3A_1160 = arith.mulf %get3A_1159, %get3A_1159 : vector<256x256xf32>
      %reduce_sum3A_1161 = arith.constant dense<0.000000e+00> : vector<256xf32>
      %reduce_sum3A_1162 = vector.multi_reduction <add>, %mul3A_1160, %reduce_sum3A_1161 [1] : vector<256x256xf32> to vector<256xf32>
      %broadcast_in_dim3A_1163 = vector.shape_cast %reduce_sum3A_1162 : vector<256xf32> to vector<256x1xf32>
      %mul3A_1164 = arith.mulf %get3A_1154, %get3A_1154 : vector<512x256xf32>
      %reduce_sum3A_1165 = arith.constant dense<0.000000e+00> : vector<512xf32>
      %reduce_sum3A_1166 = vector.multi_reduction <add>, %mul3A_1164, %reduce_sum3A_1165 [1] : vector<512x256xf32> to vector<512xf32>
      %dot_general3A_1167 = arith.constant dense<0.000000e+00> : vector<256x512xf32>
      %dot_general3A_1168 = tpu.matmul %get3A_1159, %get3A_1154, %dot_general3A_1167 {dimension_numbers = #tpu.dot_dimension_numbers<[1], [1], [0], [0], [0, 0, 1, 0], [], []>, transpose_lhs_hint = false} : vector<256x256xf32>, vector<512x256xf32>, vector<256x512xf32> -> vector<256x512xf32>
      %broadcast_in_dim3A_1169 = vector.shape_cast %reduce_sum3A_1166 : vector<512xf32> to vector<1x512xf32>
      %add3A_1170 = vector.broadcast %broadcast_in_dim3A_1163 : vector<256x1xf32> to vector<256x512xf32>
      %add3A_1171 = vector.broadcast %broadcast_in_dim3A_1169 : vector<1x512xf32> to vector<256x512xf32>
      %add3A_1172 = arith.addf %add3A_1170, %add3A_1171 : vector<256x512xf32>
      %mul3A_1173 = arith.constant 2.000000e+00 : f32
      %mul3A_1174 = vector.broadcast %mul3A_1173 : f32 to vector<256x512xf32>
      %mul3A_1175 = arith.mulf %mul3A_1174, %dot_general3A_1168 : vector<256x512xf32>
      %sub3A_1176 = arith.subf %add3A_1172, %mul3A_1175 : vector<256x512xf32>
      %slice3A_1177 = vector.extract_strided_slice %sub3A_1176 {offsets = [0, 1], sizes = [256, 511], strides = [1, 1]} : vector<256x512xf32> to vector<256x511xf32>
      %slice3A_1178 = vector.extract_strided_slice %sub3A_1176 {offsets = [0, 0], sizes = [256, 1], strides = [1, 1]} : vector<256x512xf32> to vector<256x1xf32>
      %concatenate3A_1179 = tpu.concatenate %slice3A_1177, %slice3A_1178 in 1 : vector<256x511xf32>, vector<256x1xf32> -> vector<256x512xf32>
      %lt3A_1180 = arith.cmpf olt, %concatenate3A_1179, %sub3A_1176 : vector<256x512xf32>
      %iota3A_1181 = tpu.iota {dimensions = array<i32: 1>} : vector<256x512xi32>
      %sub3A_1182 = arith.constant 8191 : i32
      %sub3A_1183 = arith.subi %sub3A_1182, %multiple_of3A_1150 : i32
      %lt3A_1184 = vector.broadcast %sub3A_1183 : i32 to vector<256x512xi32>
      %lt3A_1185 = arith.cmpi slt, %iota3A_1181, %lt3A_1184 : vector<256x512xi32>
      %and3A_1186 = arith.andi %lt3A_1180, %lt3A_1185 : vector<256x512xi1>
      %convert_element_type3A_1187 = arith.extui %and3A_1186 : vector<256x512xi1> to vector<256x512xi32>
      %convert_element_type3A_1188 = arith.sitofp %convert_element_type3A_1187 : vector<256x512xi32> to vector<256x512xf32>
      %swap3A_1189 = arith.constant 0 : index
      %swap3A_1190 = arith.constant 12 : index
      %swap3A_1191 = arith.constant 0 : index
      %swap3A_1192 = vector.load %arg12[%swap3A_1189, %swap3A_1190, %swap3A_1191] : memref<256x16x512xf32, #tpu.memory_space<vmem>>, vector<256x1x512xf32>
      %swap3A_1193 = vector.shape_cast %swap3A_1192 : vector<256x1x512xf32> to vector<256x512xf32>
      %swap3A_1194 = vector.shape_cast %convert_element_type3A_1188 : vector<256x512xf32> to vector<256x1x512xf32>
      tpu.vector_store %arg12[%swap3A_1189, %swap3A_1190, %swap3A_1191], %swap3A_1194 {strides = array<i32>} : memref<256x16x512xf32, #tpu.memory_space<vmem>>, vector<256x1x512xf32>,
      %eq3A_1195 = vector.broadcast %sub3A_1151 : i32 to vector<1x512xi32>
      %eq3A_1196 = arith.cmpi eq, %iota3A_15, %eq3A_1195 : vector<1x512xi32>
      %convert_element_type3A_1197 = arith.extui %eq3A_1196 : vector<1x512xi1> to vector<1x512xi32>
      %convert_element_type3A_1198 = arith.sitofp %convert_element_type3A_1197 : vector<1x512xi32> to vector<1x512xf32>
      %broadcast_in_dim3A_1199 = arith.constant 0 : i32
      %broadcast_in_dim3A_1200 = vector.broadcast %broadcast_in_dim3A_1199 : i32 to vector<1x1xi32>
      %add3A_1201 = vector.broadcast %sub3A_1151 : i32 to vector<1x1xi32>
      %add3A_1202 = arith.addi %broadcast_in_dim3A_1200, %add3A_1201 : vector<1x1xi32>
      %broadcast_in_dim3A_1203 = arith.constant 0 : i32
      %broadcast_in_dim3A_1204 = vector.broadcast %broadcast_in_dim3A_1203 : i32 to vector<1x1xi32>
      %add3A_1205 = vector.broadcast %multiple_of3A_1150 : i32 to vector<1x1xi32>
      %add3A_1206 = arith.addi %broadcast_in_dim3A_1204, %add3A_1205 : vector<1x1xi32>
      %get3A_1207 = arith.constant 3328 : index
      %get3A_1208 = arith.constant 0 : index
      %get3A_1209 = vector.load %arg11[%get3A_1207, %get3A_1208] : memref<4096x1xi32, #tpu.memory_space<vmem>>, vector<1x1xi32>
      %get3A_1210 = vector.extract %get3A_1209[0, 0] : i32 from vector<1x1xi32>
      %jit3A_1211 = arith.constant 0 : i32
      %jit3A_1212 = arith.constant 8191 : i32
      %max3A_1213 = arith.maxsi %jit3A_1211, %get3A_1210 : i32
      %min3A_1214 = arith.minsi %jit3A_1212, %max3A_1213 : i32
      %jit3A_1215 = arith.constant 256 : i32
      %div3A_1216 = arith.divsi %min3A_1214, %jit3A_1215 : i32
      %sign3A_1217 = arith.constant 0 : i32
      %sign3A_1218 = arith.cmpi sgt, %min3A_1214, %sign3A_1217 : i32
      %sign3A_1219 = arith.extui %sign3A_1218 : i1 to i32
      %sign3A_1220 = arith.constant 0 : i32
      %sign3A_1221 = arith.cmpi slt, %min3A_1214, %sign3A_1220 : i32
      %sign3A_1222 = arith.extui %sign3A_1221 : i1 to i32
      %sign3A_1223 = arith.subi %sign3A_1219, %sign3A_1222 : i32
      %sign3A_1224 = arith.constant 0 : i32
      %sign3A_1225 = arith.cmpi sgt, %jit3A_1215, %sign3A_1224 : i32
      %sign3A_1226 = arith.extui %sign3A_1225 : i1 to i32
      %sign3A_1227 = arith.constant 0 : i32
      %sign3A_1228 = arith.cmpi slt, %jit3A_1215, %sign3A_1227 : i32
      %sign3A_1229 = arith.extui %sign3A_1228 : i1 to i32
      %sign3A_1230 = arith.subi %sign3A_1226, %sign3A_1229 : i32
      %ne3A_1231 = arith.cmpi ne, %sign3A_1223, %sign3A_1230 : i32
      %rem3A_1232 = arith.remsi %min3A_1214, %jit3A_1215 : i32
      %ne3A_1233 = arith.constant 0 : i32
      %ne3A_1234 = arith.cmpi ne, %rem3A_1232, %ne3A_1233 : i32
      %and3A_1235 = arith.andi %ne3A_1231, %ne3A_1234 : i1
      %sub3A_1236 = arith.constant 1 : i32
      %sub3A_1237 = arith.subi %div3A_1216, %sub3A_1236 : i32
      %select_n3A_1238 = arith.select %and3A_1235, %sub3A_1237, %div3A_1216 : i32
      %mul3A_1239 = arith.constant 256 : i32
      %mul3A_1240 = arith.muli %select_n3A_1238, %mul3A_1239 : i32
      %min3A_1241 = arith.constant 7680 : i32
      %min3A_1242 = arith.minsi %mul3A_1240, %min3A_1241 : i32
      %multiple_of3A_1243 = tpu.assume_multiple %min3A_1242, 256 : i32
      %sub3A_1244 = arith.subi %min3A_1214, %multiple_of3A_1243 : i32
      %get3A_1245 = arith.index_cast %multiple_of3A_1243 : i32 to index
      %get3A_1246 = arith.constant 0 : index
      %get3A_1247 = vector.load %arg5[%get3A_1245, %get3A_1246] : memref<8193x256xf32, #tpu.memory_space<vmem>>, vector<512x256xf32>
      %get3A_1248 = arith.constant 13 : index
      %get3A_1249 = arith.constant 0 : index
      %get3A_1250 = arith.constant 0 : index
      %get3A_1251 = vector.load %arg4[%get3A_1248, %get3A_1249, %get3A_1250] : memref<16x256x256xf32, #tpu.memory_space<vmem>>, vector<1x256x256xf32>
      %get3A_1252 = vector.shape_cast %get3A_1251 : vector<1x256x256xf32> to vector<256x256xf32>
      %mul3A_1253 = arith.mulf %get3A_1252, %get3A_1252 : vector<256x256xf32>
      %reduce_sum3A_1254 = arith.constant dense<0.000000e+00> : vector<256xf32>
      %reduce_sum3A_1255 = vector.multi_reduction <add>, %mul3A_1253, %reduce_sum3A_1254 [1] : vector<256x256xf32> to vector<256xf32>
      %broadcast_in_dim3A_1256 = vector.shape_cast %reduce_sum3A_1255 : vector<256xf32> to vector<256x1xf32>
      %mul3A_1257 = arith.mulf %get3A_1247, %get3A_1247 : vector<512x256xf32>
      %reduce_sum3A_1258 = arith.constant dense<0.000000e+00> : vector<512xf32>
      %reduce_sum3A_1259 = vector.multi_reduction <add>, %mul3A_1257, %reduce_sum3A_1258 [1] : vector<512x256xf32> to vector<512xf32>
      %dot_general3A_1260 = arith.constant dense<0.000000e+00> : vector<256x512xf32>
      %dot_general3A_1261 = tpu.matmul %get3A_1252, %get3A_1247, %dot_general3A_1260 {dimension_numbers = #tpu.dot_dimension_numbers<[1], [1], [0], [0], [0, 0, 1, 0], [], []>, transpose_lhs_hint = false} : vector<256x256xf32>, vector<512x256xf32>, vector<256x512xf32> -> vector<256x512xf32>
      %broadcast_in_dim3A_1262 = vector.shape_cast %reduce_sum3A_1259 : vector<512xf32> to vector<1x512xf32>
      %add3A_1263 = vector.broadcast %broadcast_in_dim3A_1256 : vector<256x1xf32> to vector<256x512xf32>
      %add3A_1264 = vector.broadcast %broadcast_in_dim3A_1262 : vector<1x512xf32> to vector<256x512xf32>
      %add3A_1265 = arith.addf %add3A_1263, %add3A_1264 : vector<256x512xf32>
      %mul3A_1266 = arith.constant 2.000000e+00 : f32
      %mul3A_1267 = vector.broadcast %mul3A_1266 : f32 to vector<256x512xf32>
      %mul3A_1268 = arith.mulf %mul3A_1267, %dot_general3A_1261 : vector<256x512xf32>
      %sub3A_1269 = arith.subf %add3A_1265, %mul3A_1268 : vector<256x512xf32>
      %slice3A_1270 = vector.extract_strided_slice %sub3A_1269 {offsets = [0, 1], sizes = [256, 511], strides = [1, 1]} : vector<256x512xf32> to vector<256x511xf32>
      %slice3A_1271 = vector.extract_strided_slice %sub3A_1269 {offsets = [0, 0], sizes = [256, 1], strides = [1, 1]} : vector<256x512xf32> to vector<256x1xf32>
      %concatenate3A_1272 = tpu.concatenate %slice3A_1270, %slice3A_1271 in 1 : vector<256x511xf32>, vector<256x1xf32> -> vector<256x512xf32>
      %lt3A_1273 = arith.cmpf olt, %concatenate3A_1272, %sub3A_1269 : vector<256x512xf32>
      %iota3A_1274 = tpu.iota {dimensions = array<i32: 1>} : vector<256x512xi32>
      %sub3A_1275 = arith.constant 8191 : i32
      %sub3A_1276 = arith.subi %sub3A_1275, %multiple_of3A_1243 : i32
      %lt3A_1277 = vector.broadcast %sub3A_1276 : i32 to vector<256x512xi32>
      %lt3A_1278 = arith.cmpi slt, %iota3A_1274, %lt3A_1277 : vector<256x512xi32>
      %and3A_1279 = arith.andi %lt3A_1273, %lt3A_1278 : vector<256x512xi1>
      %convert_element_type3A_1280 = arith.extui %and3A_1279 : vector<256x512xi1> to vector<256x512xi32>
      %convert_element_type3A_1281 = arith.sitofp %convert_element_type3A_1280 : vector<256x512xi32> to vector<256x512xf32>
      %swap3A_1282 = arith.constant 0 : index
      %swap3A_1283 = arith.constant 13 : index
      %swap3A_1284 = arith.constant 0 : index
      %swap3A_1285 = vector.load %arg12[%swap3A_1282, %swap3A_1283, %swap3A_1284] : memref<256x16x512xf32, #tpu.memory_space<vmem>>, vector<256x1x512xf32>
      %swap3A_1286 = vector.shape_cast %swap3A_1285 : vector<256x1x512xf32> to vector<256x512xf32>
      %swap3A_1287 = vector.shape_cast %convert_element_type3A_1281 : vector<256x512xf32> to vector<256x1x512xf32>
      tpu.vector_store %arg12[%swap3A_1282, %swap3A_1283, %swap3A_1284], %swap3A_1287 {strides = array<i32>} : memref<256x16x512xf32, #tpu.memory_space<vmem>>, vector<256x1x512xf32>,
      %eq3A_1288 = vector.broadcast %sub3A_1244 : i32 to vector<1x512xi32>
      %eq3A_1289 = arith.cmpi eq, %iota3A_15, %eq3A_1288 : vector<1x512xi32>
      %convert_element_type3A_1290 = arith.extui %eq3A_1289 : vector<1x512xi1> to vector<1x512xi32>
      %convert_element_type3A_1291 = arith.sitofp %convert_element_type3A_1290 : vector<1x512xi32> to vector<1x512xf32>
      %broadcast_in_dim3A_1292 = arith.constant 0 : i32
      %broadcast_in_dim3A_1293 = vector.broadcast %broadcast_in_dim3A_1292 : i32 to vector<1x1xi32>
      %add3A_1294 = vector.broadcast %sub3A_1244 : i32 to vector<1x1xi32>
      %add3A_1295 = arith.addi %broadcast_in_dim3A_1293, %add3A_1294 : vector<1x1xi32>
      %broadcast_in_dim3A_1296 = arith.constant 0 : i32
      %broadcast_in_dim3A_1297 = vector.broadcast %broadcast_in_dim3A_1296 : i32 to vector<1x1xi32>
      %add3A_1298 = vector.broadcast %multiple_of3A_1243 : i32 to vector<1x1xi32>
      %add3A_1299 = arith.addi %broadcast_in_dim3A_1297, %add3A_1298 : vector<1x1xi32>
      %get3A_1300 = arith.constant 3584 : index
      %get3A_1301 = arith.constant 0 : index
      %get3A_1302 = vector.load %arg11[%get3A_1300, %get3A_1301] : memref<4096x1xi32, #tpu.memory_space<vmem>>, vector<1x1xi32>
      %get3A_1303 = vector.extract %get3A_1302[0, 0] : i32 from vector<1x1xi32>
      %jit3A_1304 = arith.constant 0 : i32
      %jit3A_1305 = arith.constant 8191 : i32
      %max3A_1306 = arith.maxsi %jit3A_1304, %get3A_1303 : i32
      %min3A_1307 = arith.minsi %jit3A_1305, %max3A_1306 : i32
      %jit3A_1308 = arith.constant 256 : i32
      %div3A_1309 = arith.divsi %min3A_1307, %jit3A_1308 : i32
      %sign3A_1310 = arith.constant 0 : i32
      %sign3A_1311 = arith.cmpi sgt, %min3A_1307, %sign3A_1310 : i32
      %sign3A_1312 = arith.extui %sign3A_1311 : i1 to i32
      %sign3A_1313 = arith.constant 0 : i32
      %sign3A_1314 = arith.cmpi slt, %min3A_1307, %sign3A_1313 : i32
      %sign3A_1315 = arith.extui %sign3A_1314 : i1 to i32
      %sign3A_1316 = arith.subi %sign3A_1312, %sign3A_1315 : i32
      %sign3A_1317 = arith.constant 0 : i32
      %sign3A_1318 = arith.cmpi sgt, %jit3A_1308, %sign3A_1317 : i32
      %sign3A_1319 = arith.extui %sign3A_1318 : i1 to i32
      %sign3A_1320 = arith.constant 0 : i32
      %sign3A_1321 = arith.cmpi slt, %jit3A_1308, %sign3A_1320 : i32
      %sign3A_1322 = arith.extui %sign3A_1321 : i1 to i32
      %sign3A_1323 = arith.subi %sign3A_1319, %sign3A_1322 : i32
      %ne3A_1324 = arith.cmpi ne, %sign3A_1316, %sign3A_1323 : i32
      %rem3A_1325 = arith.remsi %min3A_1307, %jit3A_1308 : i32
      %ne3A_1326 = arith.constant 0 : i32
      %ne3A_1327 = arith.cmpi ne, %rem3A_1325, %ne3A_1326 : i32
      %and3A_1328 = arith.andi %ne3A_1324, %ne3A_1327 : i1
      %sub3A_1329 = arith.constant 1 : i32
      %sub3A_1330 = arith.subi %div3A_1309, %sub3A_1329 : i32
      %select_n3A_1331 = arith.select %and3A_1328, %sub3A_1330, %div3A_1309 : i32
      %mul3A_1332 = arith.constant 256 : i32
      %mul3A_1333 = arith.muli %select_n3A_1331, %mul3A_1332 : i32
      %min3A_1334 = arith.constant 7680 : i32
      %min3A_1335 = arith.minsi %mul3A_1333, %min3A_1334 : i32
      %multiple_of3A_1336 = tpu.assume_multiple %min3A_1335, 256 : i32
      %sub3A_1337 = arith.subi %min3A_1307, %multiple_of3A_1336 : i32
      %get3A_1338 = arith.index_cast %multiple_of3A_1336 : i32 to index
      %get3A_1339 = arith.constant 0 : index
      %get3A_1340 = vector.load %arg5[%get3A_1338, %get3A_1339] : memref<8193x256xf32, #tpu.memory_space<vmem>>, vector<512x256xf32>
      %get3A_1341 = arith.constant 14 : index
      %get3A_1342 = arith.constant 0 : index
      %get3A_1343 = arith.constant 0 : index
      %get3A_1344 = vector.load %arg4[%get3A_1341, %get3A_1342, %get3A_1343] : memref<16x256x256xf32, #tpu.memory_space<vmem>>, vector<1x256x256xf32>
      %get3A_1345 = vector.shape_cast %get3A_1344 : vector<1x256x256xf32> to vector<256x256xf32>
      %mul3A_1346 = arith.mulf %get3A_1345, %get3A_1345 : vector<256x256xf32>
      %reduce_sum3A_1347 = arith.constant dense<0.000000e+00> : vector<256xf32>
      %reduce_sum3A_1348 = vector.multi_reduction <add>, %mul3A_1346, %reduce_sum3A_1347 [1] : vector<256x256xf32> to vector<256xf32>
      %broadcast_in_dim3A_1349 = vector.shape_cast %reduce_sum3A_1348 : vector<256xf32> to vector<256x1xf32>
      %mul3A_1350 = arith.mulf %get3A_1340, %get3A_1340 : vector<512x256xf32>
      %reduce_sum3A_1351 = arith.constant dense<0.000000e+00> : vector<512xf32>
      %reduce_sum3A_1352 = vector.multi_reduction <add>, %mul3A_1350, %reduce_sum3A_1351 [1] : vector<512x256xf32> to vector<512xf32>
      %dot_general3A_1353 = arith.constant dense<0.000000e+00> : vector<256x512xf32>
      %dot_general3A_1354 = tpu.matmul %get3A_1345, %get3A_1340, %dot_general3A_1353 {dimension_numbers = #tpu.dot_dimension_numbers<[1], [1], [0], [0], [0, 0, 1, 0], [], []>, transpose_lhs_hint = false} : vector<256x256xf32>, vector<512x256xf32>, vector<256x512xf32> -> vector<256x512xf32>
      %broadcast_in_dim3A_1355 = vector.shape_cast %reduce_sum3A_1352 : vector<512xf32> to vector<1x512xf32>
      %add3A_1356 = vector.broadcast %broadcast_in_dim3A_1349 : vector<256x1xf32> to vector<256x512xf32>
      %add3A_1357 = vector.broadcast %broadcast_in_dim3A_1355 : vector<1x512xf32> to vector<256x512xf32>
      %add3A_1358 = arith.addf %add3A_1356, %add3A_1357 : vector<256x512xf32>
      %mul3A_1359 = arith.constant 2.000000e+00 : f32
      %mul3A_1360 = vector.broadcast %mul3A_1359 : f32 to vector<256x512xf32>
      %mul3A_1361 = arith.mulf %mul3A_1360, %dot_general3A_1354 : vector<256x512xf32>
      %sub3A_1362 = arith.subf %add3A_1358, %mul3A_1361 : vector<256x512xf32>
      %slice3A_1363 = vector.extract_strided_slice %sub3A_1362 {offsets = [0, 1], sizes = [256, 511], strides = [1, 1]} : vector<256x512xf32> to vector<256x511xf32>
      %slice3A_1364 = vector.extract_strided_slice %sub3A_1362 {offsets = [0, 0], sizes = [256, 1], strides = [1, 1]} : vector<256x512xf32> to vector<256x1xf32>
      %concatenate3A_1365 = tpu.concatenate %slice3A_1363, %slice3A_1364 in 1 : vector<256x511xf32>, vector<256x1xf32> -> vector<256x512xf32>
      %lt3A_1366 = arith.cmpf olt, %concatenate3A_1365, %sub3A_1362 : vector<256x512xf32>
      %iota3A_1367 = tpu.iota {dimensions = array<i32: 1>} : vector<256x512xi32>
      %sub3A_1368 = arith.constant 8191 : i32
      %sub3A_1369 = arith.subi %sub3A_1368, %multiple_of3A_1336 : i32
      %lt3A_1370 = vector.broadcast %sub3A_1369 : i32 to vector<256x512xi32>
      %lt3A_1371 = arith.cmpi slt, %iota3A_1367, %lt3A_1370 : vector<256x512xi32>
      %and3A_1372 = arith.andi %lt3A_1366, %lt3A_1371 : vector<256x512xi1>
      %convert_element_type3A_1373 = arith.extui %and3A_1372 : vector<256x512xi1> to vector<256x512xi32>
      %convert_element_type3A_1374 = arith.sitofp %convert_element_type3A_1373 : vector<256x512xi32> to vector<256x512xf32>
      %swap3A_1375 = arith.constant 0 : index
      %swap3A_1376 = arith.constant 14 : index
      %swap3A_1377 = arith.constant 0 : index
      %swap3A_1378 = vector.load %arg12[%swap3A_1375, %swap3A_1376, %swap3A_1377] : memref<256x16x512xf32, #tpu.memory_space<vmem>>, vector<256x1x512xf32>
      %swap3A_1379 = vector.shape_cast %swap3A_1378 : vector<256x1x512xf32> to vector<256x512xf32>
      %swap3A_1380 = vector.shape_cast %convert_element_type3A_1374 : vector<256x512xf32> to vector<256x1x512xf32>
      tpu.vector_store %arg12[%swap3A_1375, %swap3A_1376, %swap3A_1377], %swap3A_1380 {strides = array<i32>} : memref<256x16x512xf32, #tpu.memory_space<vmem>>, vector<256x1x512xf32>,
      %eq3A_1381 = vector.broadcast %sub3A_1337 : i32 to vector<1x512xi32>
      %eq3A_1382 = arith.cmpi eq, %iota3A_15, %eq3A_1381 : vector<1x512xi32>
      %convert_element_type3A_1383 = arith.extui %eq3A_1382 : vector<1x512xi1> to vector<1x512xi32>
      %convert_element_type3A_1384 = arith.sitofp %convert_element_type3A_1383 : vector<1x512xi32> to vector<1x512xf32>
      %broadcast_in_dim3A_1385 = arith.constant 0 : i32
      %broadcast_in_dim3A_1386 = vector.broadcast %broadcast_in_dim3A_1385 : i32 to vector<1x1xi32>
      %add3A_1387 = vector.broadcast %sub3A_1337 : i32 to vector<1x1xi32>
      %add3A_1388 = arith.addi %broadcast_in_dim3A_1386, %add3A_1387 : vector<1x1xi32>
      %broadcast_in_dim3A_1389 = arith.constant 0 : i32
      %broadcast_in_dim3A_1390 = vector.broadcast %broadcast_in_dim3A_1389 : i32 to vector<1x1xi32>
      %add3A_1391 = vector.broadcast %multiple_of3A_1336 : i32 to vector<1x1xi32>
      %add3A_1392 = arith.addi %broadcast_in_dim3A_1390, %add3A_1391 : vector<1x1xi32>
      %get3A_1393 = arith.constant 3840 : index
      %get3A_1394 = arith.constant 0 : index
      %get3A_1395 = vector.load %arg11[%get3A_1393, %get3A_1394] : memref<4096x1xi32, #tpu.memory_space<vmem>>, vector<1x1xi32>
      %get3A_1396 = vector.extract %get3A_1395[0, 0] : i32 from vector<1x1xi32>
      %jit3A_1397 = arith.constant 0 : i32
      %jit3A_1398 = arith.constant 8191 : i32
      %max3A_1399 = arith.maxsi %jit3A_1397, %get3A_1396 : i32
      %min3A_1400 = arith.minsi %jit3A_1398, %max3A_1399 : i32
      %jit3A_1401 = arith.constant 256 : i32
      %div3A_1402 = arith.divsi %min3A_1400, %jit3A_1401 : i32
      %sign3A_1403 = arith.constant 0 : i32
      %sign3A_1404 = arith.cmpi sgt, %min3A_1400, %sign3A_1403 : i32
      %sign3A_1405 = arith.extui %sign3A_1404 : i1 to i32
      %sign3A_1406 = arith.constant 0 : i32
      %sign3A_1407 = arith.cmpi slt, %min3A_1400, %sign3A_1406 : i32
      %sign3A_1408 = arith.extui %sign3A_1407 : i1 to i32
      %sign3A_1409 = arith.subi %sign3A_1405, %sign3A_1408 : i32
      %sign3A_1410 = arith.constant 0 : i32
      %sign3A_1411 = arith.cmpi sgt, %jit3A_1401, %sign3A_1410 : i32
      %sign3A_1412 = arith.extui %sign3A_1411 : i1 to i32
      %sign3A_1413 = arith.constant 0 : i32
      %sign3A_1414 = arith.cmpi slt, %jit3A_1401, %sign3A_1413 : i32
      %sign3A_1415 = arith.extui %sign3A_1414 : i1 to i32
      %sign3A_1416 = arith.subi %sign3A_1412, %sign3A_1415 : i32
      %ne3A_1417 = arith.cmpi ne, %sign3A_1409, %sign3A_1416 : i32
      %rem3A_1418 = arith.remsi %min3A_1400, %jit3A_1401 : i32
      %ne3A_1419 = arith.constant 0 : i32
      %ne3A_1420 = arith.cmpi ne, %rem3A_1418, %ne3A_1419 : i32
      %and3A_1421 = arith.andi %ne3A_1417, %ne3A_1420 : i1
      %sub3A_1422 = arith.constant 1 : i32
      %sub3A_1423 = arith.subi %div3A_1402, %sub3A_1422 : i32
      %select_n3A_1424 = arith.select %and3A_1421, %sub3A_1423, %div3A_1402 : i32
      %mul3A_1425 = arith.constant 256 : i32
      %mul3A_1426 = arith.muli %select_n3A_1424, %mul3A_1425 : i32
      %min3A_1427 = arith.constant 7680 : i32
      %min3A_1428 = arith.minsi %mul3A_1426, %min3A_1427 : i32
      %multiple_of3A_1429 = tpu.assume_multiple %min3A_1428, 256 : i32
      %sub3A_1430 = arith.subi %min3A_1400, %multiple_of3A_1429 : i32
      %get3A_1431 = arith.index_cast %multiple_of3A_1429 : i32 to index
      %get3A_1432 = arith.constant 0 : index
      %get3A_1433 = vector.load %arg5[%get3A_1431, %get3A_1432] : memref<8193x256xf32, #tpu.memory_space<vmem>>, vector<512x256xf32>
      %get3A_1434 = arith.constant 15 : index
      %get3A_1435 = arith.constant 0 : index
      %get3A_1436 = arith.constant 0 : index
      %get3A_1437 = vector.load %arg4[%get3A_1434, %get3A_1435, %get3A_1436] : memref<16x256x256xf32, #tpu.memory_space<vmem>>, vector<1x256x256xf32>
      %get3A_1438 = vector.shape_cast %get3A_1437 : vector<1x256x256xf32> to vector<256x256xf32>
      %mul3A_1439 = arith.mulf %get3A_1438, %get3A_1438 : vector<256x256xf32>
      %reduce_sum3A_1440 = arith.constant dense<0.000000e+00> : vector<256xf32>
      %reduce_sum3A_1441 = vector.multi_reduction <add>, %mul3A_1439, %reduce_sum3A_1440 [1] : vector<256x256xf32> to vector<256xf32>
      %broadcast_in_dim3A_1442 = vector.shape_cast %reduce_sum3A_1441 : vector<256xf32> to vector<256x1xf32>
      %mul3A_1443 = arith.mulf %get3A_1433, %get3A_1433 : vector<512x256xf32>
      %reduce_sum3A_1444 = arith.constant dense<0.000000e+00> : vector<512xf32>
      %reduce_sum3A_1445 = vector.multi_reduction <add>, %mul3A_1443, %reduce_sum3A_1444 [1] : vector<512x256xf32> to vector<512xf32>
      %dot_general3A_1446 = arith.constant dense<0.000000e+00> : vector<256x512xf32>
      %dot_general3A_1447 = tpu.matmul %get3A_1438, %get3A_1433, %dot_general3A_1446 {dimension_numbers = #tpu.dot_dimension_numbers<[1], [1], [0], [0], [0, 0, 1, 0], [], []>, transpose_lhs_hint = false} : vector<256x256xf32>, vector<512x256xf32>, vector<256x512xf32> -> vector<256x512xf32>
      %broadcast_in_dim3A_1448 = vector.shape_cast %reduce_sum3A_1445 : vector<512xf32> to vector<1x512xf32>
      %add3A_1449 = vector.broadcast %broadcast_in_dim3A_1442 : vector<256x1xf32> to vector<256x512xf32>
      %add3A_1450 = vector.broadcast %broadcast_in_dim3A_1448 : vector<1x512xf32> to vector<256x512xf32>
      %add3A_1451 = arith.addf %add3A_1449, %add3A_1450 : vector<256x512xf32>
      %mul3A_1452 = arith.constant 2.000000e+00 : f32
      %mul3A_1453 = vector.broadcast %mul3A_1452 : f32 to vector<256x512xf32>
      %mul3A_1454 = arith.mulf %mul3A_1453, %dot_general3A_1447 : vector<256x512xf32>
      %sub3A_1455 = arith.subf %add3A_1451, %mul3A_1454 : vector<256x512xf32>
      %slice3A_1456 = vector.extract_strided_slice %sub3A_1455 {offsets = [0, 1], sizes = [256, 511], strides = [1, 1]} : vector<256x512xf32> to vector<256x511xf32>
      %slice3A_1457 = vector.extract_strided_slice %sub3A_1455 {offsets = [0, 0], sizes = [256, 1], strides = [1, 1]} : vector<256x512xf32> to vector<256x1xf32>
      %concatenate3A_1458 = tpu.concatenate %slice3A_1456, %slice3A_1457 in 1 : vector<256x511xf32>, vector<256x1xf32> -> vector<256x512xf32>
      %lt3A_1459 = arith.cmpf olt, %concatenate3A_1458, %sub3A_1455 : vector<256x512xf32>
      %iota3A_1460 = tpu.iota {dimensions = array<i32: 1>} : vector<256x512xi32>
      %sub3A_1461 = arith.constant 8191 : i32
      %sub3A_1462 = arith.subi %sub3A_1461, %multiple_of3A_1429 : i32
      %lt3A_1463 = vector.broadcast %sub3A_1462 : i32 to vector<256x512xi32>
      %lt3A_1464 = arith.cmpi slt, %iota3A_1460, %lt3A_1463 : vector<256x512xi32>
      %and3A_1465 = arith.andi %lt3A_1459, %lt3A_1464 : vector<256x512xi1>
      %convert_element_type3A_1466 = arith.extui %and3A_1465 : vector<256x512xi1> to vector<256x512xi32>
      %convert_element_type3A_1467 = arith.sitofp %convert_element_type3A_1466 : vector<256x512xi32> to vector<256x512xf32>
      %swap3A_1468 = arith.constant 0 : index
      %swap3A_1469 = arith.constant 15 : index
      %swap3A_1470 = arith.constant 0 : index
      %swap3A_1471 = vector.load %arg12[%swap3A_1468, %swap3A_1469, %swap3A_1470] : memref<256x16x512xf32, #tpu.memory_space<vmem>>, vector<256x1x512xf32>
      %swap3A_1472 = vector.shape_cast %swap3A_1471 : vector<256x1x512xf32> to vector<256x512xf32>
      %swap3A_1473 = vector.shape_cast %convert_element_type3A_1467 : vector<256x512xf32> to vector<256x1x512xf32>
      tpu.vector_store %arg12[%swap3A_1468, %swap3A_1469, %swap3A_1470], %swap3A_1473 {strides = array<i32>} : memref<256x16x512xf32, #tpu.memory_space<vmem>>, vector<256x1x512xf32>,
      %eq3A_1474 = vector.broadcast %sub3A_1430 : i32 to vector<1x512xi32>
      %eq3A_1475 = arith.cmpi eq, %iota3A_15, %eq3A_1474 : vector<1x512xi32>
      %convert_element_type3A_1476 = arith.extui %eq3A_1475 : vector<1x512xi1> to vector<1x512xi32>
      %convert_element_type3A_1477 = arith.sitofp %convert_element_type3A_1476 : vector<1x512xi32> to vector<1x512xf32>
      %broadcast_in_dim3A_1478 = arith.constant 0 : i32
      %broadcast_in_dim3A_1479 = vector.broadcast %broadcast_in_dim3A_1478 : i32 to vector<1x1xi32>
      %add3A_1480 = vector.broadcast %sub3A_1430 : i32 to vector<1x1xi32>
      %add3A_1481 = arith.addi %broadcast_in_dim3A_1479, %add3A_1480 : vector<1x1xi32>
      %broadcast_in_dim3A_1482 = arith.constant 0 : i32
      %broadcast_in_dim3A_1483 = vector.broadcast %broadcast_in_dim3A_1482 : i32 to vector<1x1xi32>
      %add3A_1484 = vector.broadcast %multiple_of3A_1429 : i32 to vector<1x1xi32>
      %add3A_1485 = arith.addi %broadcast_in_dim3A_1483, %add3A_1484 : vector<1x1xi32>
      %concatenate3A_1486 = tpu.concatenate %convert_element_type3A_82, %convert_element_type3A_175, %convert_element_type3A_268, %convert_element_type3A_361, %convert_element_type3A_454, %convert_element_type3A_547, %convert_element_type3A_640, %convert_element_type3A_733, %convert_element_type3A_826, %convert_element_type3A_919, %convert_element_type3A_1012, %convert_element_type3A_1105, %convert_element_type3A_1198, %convert_element_type3A_1291, %convert_element_type3A_1384, %convert_element_type3A_1477 in 0 : vector<1x512xf32>, vector<1x512xf32>, vector<1x512xf32>, vector<1x512xf32>, vector<1x512xf32>, vector<1x512xf32>, vector<1x512xf32>, vector<1x512xf32>, vector<1x512xf32>, vector<1x512xf32>, vector<1x512xf32>, vector<1x512xf32>, vector<1x512xf32>, vector<1x512xf32>, vector<1x512xf32>, vector<1x512xf32> -> vector<16x512xf32>
      %concatenate3A_1487 = tpu.concatenate %add3A_86, %add3A_179, %add3A_272, %add3A_365, %add3A_458, %add3A_551, %add3A_644, %add3A_737, %add3A_830, %add3A_923, %add3A_1016, %add3A_1109, %add3A_1202, %add3A_1295, %add3A_1388, %add3A_1481 in 0 : vector<1x1xi32>, vector<1x1xi32>, vector<1x1xi32>, vector<1x1xi32>, vector<1x1xi32>, vector<1x1xi32>, vector<1x1xi32>, vector<1x1xi32>, vector<1x1xi32>, vector<1x1xi32>, vector<1x1xi32>, vector<1x1xi32>, vector<1x1xi32>, vector<1x1xi32>, vector<1x1xi32>, vector<1x1xi32> -> vector<16x1xi32>
      %concatenate3A_1488 = tpu.concatenate %add3A_90, %add3A_183, %add3A_276, %add3A_369, %add3A_462, %add3A_555, %add3A_648, %add3A_741, %add3A_834, %add3A_927, %add3A_1020, %add3A_1113, %add3A_1206, %add3A_1299, %add3A_1392, %add3A_1485 in 0 : vector<1x1xi32>, vector<1x1xi32>, vector<1x1xi32>, vector<1x1xi32>, vector<1x1xi32>, vector<1x1xi32>, vector<1x1xi32>, vector<1x1xi32>, vector<1x1xi32>, vector<1x1xi32>, vector<1x1xi32>, vector<1x1xi32>, vector<1x1xi32>, vector<1x1xi32>, vector<1x1xi32>, vector<1x1xi32> -> vector<16x1xi32>
      %swap3A_1489 = arith.constant 0 : index
      %swap3A_1490 = arith.constant 0 : index
      %swap3A_1491 = arith.constant 0 : index
      %swap3A_1492 = vector.load %arg13[%swap3A_1489, %swap3A_1490, %swap3A_1491] : memref<256x16x512xf32, #tpu.memory_space<vmem>>, vector<1x16x512xf32>
      %swap3A_1493 = vector.shape_cast %swap3A_1492 : vector<1x16x512xf32> to vector<16x512xf32>
      %swap3A_1494 = vector.shape_cast %concatenate3A_1486 : vector<16x512xf32> to vector<1x16x512xf32>
      tpu.vector_store %arg13[%swap3A_1489, %swap3A_1490, %swap3A_1491], %swap3A_1494 {strides = array<i32>} : memref<256x16x512xf32, #tpu.memory_space<vmem>>, vector<1x16x512xf32>,
      %scan3A = arith.constant 1 : i32
      %scan3A_1495 = arith.constant 255 : i32
      %scan3A_1496 = arith.addi %scan3A, %scan3A_1495 : i32
      %scan3A_1497 = arith.constant 1 : i32
      %scan3A_1498:2 = scf.for %scan3A_1525 = %scan3A to %scan3A_1496 step %scan3A_1497 iter_args(%scan3A_1526 = %concatenate3A_1486, %scan3A_1527 = %concatenate3A_1487) -> (vector<16x512xf32>, vector<16x1xi32>)  : i32 {
        %get3A_1528 = arith.index_cast %scan3A_1525 : i32 to index
        %get3A_1529 = arith.constant 0 : index
        %get3A_1530 = arith.constant 0 : index
        %get3A_1531 = vector.load %arg12[%get3A_1528, %get3A_1529, %get3A_1530] : memref<256x16x512xf32, #tpu.memory_space<vmem>>, vector<1x16x512xf32>
        %reshape3A = vector.shape_cast %get3A_1531 : vector<1x16x512xf32> to vector<16x512xf32>
        %mul3A_1532 = arith.mulf %scan3A_1526, %reshape3A : vector<16x512xf32>
        %reduce_sum3A_1533 = arith.constant dense<0.000000e+00> : vector<16xf32>
        %reduce_sum3A_1534 = vector.multi_reduction <add>, %mul3A_1532, %reduce_sum3A_1533 [1] : vector<16x512xf32> to vector<16xf32>
        %broadcast_in_dim3A_1535 = vector.shape_cast %reduce_sum3A_1534 : vector<16xf32> to vector<16x1xf32>
        %slice3A_1536 = vector.extract_strided_slice %scan3A_1526 {offsets = [0, 0], sizes = [16, 1], strides = [1, 1]} : vector<16x512xf32> to vector<16x1xf32>
        %mul3A_1537 = arith.constant 0.000000e+00 : f32
        %mul3A_1538 = vector.broadcast %mul3A_1537 : f32 to vector<16x1xf32>
        %mul3A_1539 = arith.mulf %slice3A_1536, %mul3A_1538 : vector<16x1xf32>
        %slice3A_1540 = vector.extract_strided_slice %scan3A_1526 {offsets = [0, 0], sizes = [16, 511], strides = [1, 1]} : vector<16x512xf32> to vector<16x511xf32>
        %concatenate3A_1541 = tpu.concatenate %mul3A_1539, %slice3A_1540 in 1 : vector<16x1xf32>, vector<16x511xf32> -> vector<16x512xf32>
        %gt3A = arith.constant 0.000000e+00 : f32
        %gt3A_1542 = vector.broadcast %gt3A : f32 to vector<16x1xf32>
        %gt3A_1543 = arith.cmpf ogt, %broadcast_in_dim3A_1535, %gt3A_1542 : vector<16x1xf32>
        %broadcast_in_dim3A_1544 = vector.shape_cast %gt3A_1543 : vector<16x1xi1> to vector<16x1xi1>
        %broadcast_in_dim3A_1545 = vector.broadcast %broadcast_in_dim3A_1544 : vector<16x1xi1> to vector<16x512xi1>
        %select_n3A_1546 = arith.select %broadcast_in_dim3A_1545, %concatenate3A_1541, %scan3A_1526 : vector<16x512xi1>, vector<16x512xf32>
        %convert_element_type3A_1547 = arith.fptosi %broadcast_in_dim3A_1535 : vector<16x1xf32> to vector<16x1xi32>
        %add3A_1548 = arith.addi %scan3A_1527, %convert_element_type3A_1547 : vector<16x1xi32>
        %reshape3A_1549 = vector.shape_cast %select_n3A_1546 : vector<16x512xf32> to vector<1x16x512xf32>
        %swap3A_1550 = arith.index_cast %scan3A_1525 : i32 to index
        %swap3A_1551 = arith.constant 0 : index
        %swap3A_1552 = arith.constant 0 : index
        %swap3A_1553 = vector.load %arg13[%swap3A_1550, %swap3A_1551, %swap3A_1552] : memref<256x16x512xf32, #tpu.memory_space<vmem>>, vector<1x16x512xf32>
        tpu.vector_store %arg13[%swap3A_1550, %swap3A_1551, %swap3A_1552], %reshape3A_1549 {strides = array<i32>} : memref<256x16x512xf32, #tpu.memory_space<vmem>>, vector<1x16x512xf32>,
        scf.yield %select_n3A_1546, %add3A_1548 : vector<16x512xf32>, vector<16x1xi32>
      }
      %scan3A_1499 = arith.constant 255 : i32
      %get3A_1500 = arith.constant 0 : index
      %get3A_1501 = arith.constant 0 : index
      %get3A_1502 = arith.constant 0 : index
      %get3A_1503 = vector.load %arg13[%get3A_1500, %get3A_1501, %get3A_1502] : memref<256x16x512xf32, #tpu.memory_space<vmem>>, vector<256x16x512xf32>
      %broadcast_in_dim3A_1504 = vector.shape_cast %iota3A : vector<16x512xi32> to vector<1x16x512xi32>
      %convert_element_type3A_1505 = arith.sitofp %broadcast_in_dim3A_1504 : vector<1x16x512xi32> to vector<1x16x512xf32>
      %mul3A_1506 = vector.broadcast %convert_element_type3A_1505 : vector<1x16x512xf32> to vector<256x16x512xf32>
      %mul3A_1507 = arith.mulf %get3A_1503, %mul3A_1506 : vector<256x16x512xf32>
      %reduce_sum3A_1508 = arith.constant dense<0.000000e+00> : vector<256x16xf32>
      %reduce_sum3A_1509 = vector.multi_reduction <add>, %mul3A_1507, %reduce_sum3A_1508 [2] : vector<256x16x512xf32> to vector<256x16xf32>
      %convert_element_type3A_1510 = arith.fptosi %reduce_sum3A_1509 : vector<256x16xf32> to vector<256x16xi32>
      %transpose3A = tpu.transpose %convert_element_type3A_1510, [1, 0] : vector<256x16xi32> -> vector<16x256xi32>
      %add3A_1511 = vector.broadcast %concatenate3A_1488 : vector<16x1xi32> to vector<16x256xi32>
      %add3A_1512 = arith.addi %transpose3A, %add3A_1511 : vector<16x256xi32>
      %swap3A_1513 = arith.constant 0 : index
      %swap3A_1514 = arith.constant 0 : index
      %swap3A_1515 = vector.load %arg7[%swap3A_1513, %swap3A_1514] : memref<16x256xi32, #tpu.memory_space<vmem>>, vector<16x256xi32>
      tpu.vector_store %arg7[%swap3A_1513, %swap3A_1514], %add3A_1512 {strides = array<i32>} : memref<16x256xi32, #tpu.memory_space<vmem>>, vector<16x256xi32>,
      %sub3A_1516 = arith.subi %scan3A_1498#1, %concatenate3A_1487 : vector<16x1xi32>
      %reduce_max3A = vector.shape_cast %sub3A_1516 : vector<16x1xi32> to vector<1x16x1xi32>
      %reduce_max3A_1517 = arith.constant dense<-2147483648> : vector<1xi32>
      %reduce_max3A_1518 = vector.multi_reduction <maxsi>, %reduce_max3A, %reduce_max3A_1517 [1, 2] : vector<1x16x1xi32> to vector<1xi32>
      %reduce_max3A_1519 = vector.shape_cast %reduce_max3A_1518 : vector<1xi32> to vector<1x1x1xi32>
      %reduce_max3A_1520 = vector.extract %reduce_max3A_1519[0, 0, 0] : i32 from vector<1x1x1xi32>
      %broadcast_in_dim3A_1521 = vector.broadcast %reduce_max3A_1520 : i32 to vector<1x1xi32>
      %swap3A_1522 = arith.constant 0 : index
      %swap3A_1523 = arith.constant 0 : index
      %swap3A_1524 = vector.load %arg8[%swap3A_1522, %swap3A_1523] : memref<1x1xi32, #tpu.memory_space<vmem>>, vector<1x1xi32>
      tpu.vector_store %arg8[%swap3A_1522, %swap3A_1523], %broadcast_in_dim3A_1521 {strides = array<i32>} : memref<1x1xi32, #tpu.memory_space<vmem>>, vector<1x1xi32>,
    } else {
    }
    return
  }
  func.func @transform_0(%arg0: i32) -> (i32, i32) {
    %c0_i32 = arith.constant 0 : i32
    %c0_i32_0 = arith.constant 0 : i32
    %c0_i32_1 = arith.constant 0 : i32
    return %c0_i32, %c0_i32_0 : i32, i32
  }
  func.func @transform_1(%arg0: i32) -> (i32, i32) {
    %min3A = arith.constant 15 : i32
    %min3A_0 = arith.minsi %arg0, %min3A : i32
    %c0_i32 = arith.constant 0 : i32
    %c0_i32_1 = arith.constant 0 : i32
    return %min3A_0, %c0_i32 : i32, i32
  }
  func.func @transform_2(%arg0: i32) -> (i32, i32) {
    %c0_i32 = arith.constant 0 : i32
    %c0_i32_0 = arith.constant 0 : i32
    %c0_i32_1 = arith.constant 0 : i32
    return %c0_i32, %c0_i32_0 : i32, i32
  }
  func.func @transform_3(%arg0: i32) -> (i32, i32, i32) {
    %c0_i32 = arith.constant 0 : i32
    %c0_i32_0 = arith.constant 0 : i32
    %c0_i32_1 = arith.constant 0 : i32
    %c0_i32_2 = arith.constant 0 : i32
    return %c0_i32, %c0_i32_0, %c0_i32_1 : i32, i32, i32
  }
  func.func @transform_4(%arg0: i32) -> (i32, i32) {
    %c0_i32 = arith.constant 0 : i32
    %c0_i32_0 = arith.constant 0 : i32
    %c0_i32_1 = arith.constant 0 : i32
    return %c0_i32, %c0_i32_0 : i32, i32
  }
  func.func @transform_5(%arg0: i32) -> (i32, i32) {
    %c0_i32 = arith.constant 0 : i32
    %c0_i32_0 = arith.constant 0 : i32
    %c0_i32_1 = arith.constant 0 : i32
    return %c0_i32, %c0_i32_0 : i32, i32
  }
  func.func @transform_6(%arg0: i32) -> (i32, i32) {
    %c0_i32 = arith.constant 0 : i32
    %c0_i32_0 = arith.constant 0 : i32
    %c0_i32_1 = arith.constant 0 : i32
    return %c0_i32, %c0_i32_0 : i32, i32
  }
  func.func @transform_7(%arg0: i32) -> (i32, i32) {
    %c0_i32 = arith.constant 0 : i32
    %c0_i32_0 = arith.constant 0 : i32
    %c0_i32_1 = arith.constant 0 : i32
    return %c0_i32, %c0_i32_0 : i32, i32
  }
}

</mosaic_0001>

<sc_bundles>
// kernel: kernel.5.cloned.1.call-start
scs
__scs_entry_jumppad:
0x0: {  	(pc) =	sbr.rel $0x88, $3  }
0x1: {  	(tag) =	ssettag $0x0;
	lr =	simm.s32 $0x1  }
0x2: {  	[smem:$0x3F9F] =	sst lr;
	_ =	strace $0xD0000000  }
0x3: {  	_ = 	snop  }
0x4: {  	_ = 	snop  }
0x5: {  	_ = 	snop  }
0x6: {  	_ = 	snop  }
0x7: {  	_ = 	snop  }
__scs_overlays_trampoline_lowered:
0x8: {  	[smem:$0x3FAE] =	sst s0  }
0x9: {  	[smem:$0x3FAF] =	sst s1  }
0xa: {  	[smem:$0x3FB0] =	sst s2  }
0xb: {  	[smem:$0x3FB1] =	sst s3  }
0xc: {  	[smem:$0x3FB2] =	sst s4  }
0xd: {  	[smem:$0x3FB3] =	sst s5  }
0xe: {  	[smem:$0x3FB4] =	sst s6  }
0xf: {  	[smem:$0x3FB5] =	sst s7  }
0x10: {  	[smem:$0x3FB6] =	sst s8  }
0x11: {  	[smem:$0x3FB7] =	sst s9;
	s0 =	simm.s32 @!p0 $0x0  }
0x12: {  	s1 =	sld [smem:$0x3F9D];
	s0 =	simm.s32 @p0 $0x1  }
0x13: {  	[smem:$0x3FB8] =	sst s0;
	s0 =	simm.s32 @!p1 $0x0  }
0x14: {  	s2 =	sld [smem:$0x3F9C];
	s0 =	simm.s32 @p1 $0x1  }
0x15: {  	[smem:$0x3FB9] =	sst s0;
	s0 =	simm.s32 @!p2 $0x0  }
0x16: {  	s3 =	sld [smem:$0x3FDB];
	s0 =	simm.s32 @p2 $0x1  }
0x17: {  	s4 =	simm.s32 $0x1BF5;
	[smem:$0x3FBB] =	sst s0  }
0x18: {  	s0 =	sld [smem:$0x3F9E];
	_ =	swait.ge [sflag:s4], $0x0  }
0x19: {  	s7 =	sld [smem:$0x3F9F]  }
0x1a: {  	s8 =	sadd.s32 $0xFFFFE003, lr  }
0x1b: {  	s9 =	sadd.s32 $0xFFFFFEF7, lr;
	s5 =	simm.s32 $0xFFFFFFFF;
	p2 =	slt.u32 s8, $0xFFFFF086  }
0x1c: {  	p1 =	slt.u32 s9, $0xF7A;
	s5 =	simm.s32 @!p2 $0x0  }
0x1d: {  	s5 =	simm.s32 @p1 $0x1;
	p0 =	seq.s32 s7, s2  }
0x1e: {  	s7 =	smul.u32 @!p0 $0xF7A, s2;
	p2 =	seq.s32 @!p0 s5, $0x0  }
0x1f: {  	s9 =	smul.u32 $0xF7A, s1;
	s8 =	simm.s32 @!p0 $0x1BF5;
	p2 =	por !p2, p0  }
0x20: {  	[sflag:s8] =	ssyncset.s32 @!p0 $0xFFFFF086;
	s6 =	sadd.s32 @!p0 s3, s7;
	s7 =	simm.s32 @!p0 $0x108  }
0x21: {  	s3 =	sadd.s32 s3, s9;
	s6 =	sadd.s32 @!p0 $0x88, s6;
	s7 =	simm.s32 @p2 $0x1082  }
0x22: {  	[simem:s7], [sflag:s8] =	dma.local @!p0 [hbm:s6], $0xF7A  }
0x23: {  	s9 =	sor.u32 $0xD0000000, s2;
	s6 =	simm.s32 $0x108;
	_ =	swait.ge @!p0 [sflag:s8], $0x0  }
0x24: {  	s3 =	sadd.s32 $0x88, s3;
	s6 =	simm.s32 @!p1 $0x1082;
	[sflag:s4] =	ssyncset.s32 $0xFFFFF086  }
0x25: {  	[simem:s6], [sflag:s4] =	dma.local [hbm:s3], $0xF7A  }
0x26: {  	[smem:$0x3F9F] =	sst s1;
	(tag) =	ssettag s2;
	_ =	strace s9  }
0x27: {  	s1 =	sld [smem:$0x3FAF]  }
0x28: {  	s2 =	sld [smem:$0x3FB0]  }
0x29: {  	s4 =	sld [smem:$0x3FB2]  }
0x2a: {  	p0 =	seq.s32 s5, $0x0;
	s5 =	sld [smem:$0x3FB3]  }
0x2b: {  	s6 =	sld [smem:$0x3FB4]  }
0x2c: {  	s7 =	sld [smem:$0x3FB5]  }
0x2d: {  	s3 =	simm.s32 $0x108;
	s8 =	sld [smem:$0x3FB6]  }
0x2e: {  	s3 =	simm.s32 @!p0 $0x1082;
	s9 =	sld [smem:$0x3FB7]  }
0x2f: {  	lr =	sadd.s32 s0, s3;
	s0 =	sld [smem:$0x3FAE]  }
0x30: {  	s3 =	sld [smem:$0x3FB1]  }
0x31: {  	[smem:$0x3FBA] =	sst s10  }
0x32: {  	s10 =	sld [smem:$0x3FB8];
	_ =	sdelay $0x3  }
0x33: {  	p0 =	seq.s32 s10, $0x1;
	s10 =	sld [smem:$0x3FBA];
	_ =	sdelay $0x3  }
0x34: {  	[smem:$0x3FBA] =	sst s10  }
0x35: {  	s10 =	sld [smem:$0x3FB9];
	_ =	sdelay $0x3  }
0x36: {  	p1 =	seq.s32 s10, $0x1;
	s10 =	sld [smem:$0x3FBA];
	_ =	sdelay $0x3  }
0x37: {  	[smem:$0x3FBA] =	sst s10  }
0x38: {  	s10 =	sld [smem:$0x3FBB]  }
0x39: {  	_ = 	snop;
	(pc) =	sbr.ind lr, $3  }
0x3a: {  	_ = 	snop  }
0x3b: {  	_ = 	snop  }
0x3c: {  	p2 =	seq.s32 s10, $0x1;
	s10 =	sld [smem:$0x3FBA]  }
0x3d: {  	_ =	shalt  }
0x3e: {  	_ =	shalt  }
0x3f: {  	_ =	shalt  }
0x40: {  	_ =	shalt  }
0x41: {  	_ =	shalt  }
0x42: {  	_ =	shalt  }
0x43: {  	_ =	shalt  }
0x44: {  	_ =	shalt  }
0x45: {  	_ =	shalt  }
0x46: {  	_ =	shalt  }
0x47: {  	_ =	shalt  }
0x48: {  	_ =	shalt  }
0x49: {  	_ =	shalt  }
0x4a: {  	_ =	shalt  }
0x4b: {  	_ =	shalt  }
0x4c: {  	_ =	shalt  }
0x4d: {  	_ =	shalt  }
0x4e: {  	_ =	shalt  }
0x4f: {  	_ =	shalt  }
0x50: {  	_ =	shalt  }
0x51: {  	_ =	shalt  }
0x52: {  	_ =	shalt  }
0x53: {  	_ =	shalt  }
0x54: {  	_ =	shalt  }
0x55: {  	_ =	shalt  }
0x56: {  	_ =	shalt  }
0x57: {  	_ =	shalt  }
0x58: {  	_ =	shalt  }
0x59: {  	_ =	shalt  }
0x5a: {  	_ =	shalt  }
0x5b: {  	_ =	shalt  }
0x5c: {  	_ =	shalt  }
0x5d: {  	_ =	shalt  }
0x5e: {  	_ =	shalt  }
0x5f: {  	_ =	shalt  }
0x60: {  	_ =	shalt  }
0x61: {  	_ =	shalt  }
0x62: {  	_ =	shalt  }
0x63: {  	_ =	shalt  }
0x64: {  	_ =	shalt  }
0x65: {  	_ =	shalt  }
0x66: {  	_ =	shalt  }
0x67: {  	_ =	shalt  }
0x68: {  	_ =	shalt  }
0x69: {  	_ =	shalt  }
0x6a: {  	_ =	shalt  }
0x6b: {  	_ =	shalt  }
0x6c: {  	_ =	shalt  }
0x6d: {  	_ =	shalt  }
0x6e: {  	_ =	shalt  }
0x6f: {  	_ =	shalt  }
0x70: {  	_ =	shalt  }
0x71: {  	_ =	shalt  }
0x72: {  	_ =	shalt  }
0x73: {  	_ =	shalt  }
0x74: {  	_ =	shalt  }
0x75: {  	_ =	shalt  }
0x76: {  	_ =	shalt  }
0x77: {  	_ =	shalt  }
0x78: {  	_ =	shalt  }
0x79: {  	_ =	shalt  }
0x7a: {  	_ =	shalt  }
0x7b: {  	_ =	shalt  }
0x7c: {  	_ =	shalt  }
0x7d: {  	_ =	shalt  }
0x7e: {  	_ =	shalt  }
0x7f: {  	_ =	shalt  }
0x80: {  	_ =	shalt  }
0x81: {  	_ =	shalt  }
0x82: {  	_ =	shalt  }
0x83: {  	_ =	shalt  }
0x84: {  	_ =	shalt  }
0x85: {  	_ =	shalt  }
0x86: {  	_ =	shalt  }
0x87: {  	_ =	shalt  }
.Lfunc_end0:
.L_simem_size_0:
called_computation_lowered:
.L_overlay_start_0:
0x88: {  	s2 =	sld [smem:$0x3FD9]  }
0x89: {  	s3 =	sld [smem:$0x3FFE];
	_ =	sdelay $0x1  }
0x8a: {  	s1 =	srdreg.scid  }
0x8b: {  	s0 =	sand.u32 $0x1, s1  }
0x8c: {  	s14 =	sshll.u32 s0, $0xA;
	s2 =	sadd.s32 s3, s2  }
0x8d: {  	s2 =	sadd.s32 s2, s14  }
0x8e: {  	[smem:$0x3FC6] =	sst s2  }
0x8f: {  	_ = 	snop  }
0x90: {  	s2 =	sld [smem:$0x3FD0];
	_ =	sdelay $0x2  }
0x91: {  	s4 =	simm.s32 $0xA;
	s5 =	simm.s32 $0x10;
	s15 =	sld [smem:$0x3FC8]  }
0x92: {  	[smem:s5], [sflag:s4] =	dma.local [hbm:s2], $0x1  }
0x93: {  	_ =	swait.eq [sflag:s4], $0x1  }
0x94: {  	s16 =	sld [smem:$0x10];
	[sflag:s4] =	ssyncset.done $0x0  }
0x95: {  	s17 =	sld [smem:$0x13];
	[sflag:s4] =	ssyncadd.s32 $0xFFFFFFFF  }
0x96: {  	s18 =	sld [smem:$0x14];
	(tm) =	ssettm $0x1  }
0x97: {  	s6 =	sld [smem:$0x3FFB];
	_ =	sdelay $0x3  }
0x98: {  	_ =	strace s6  }
0x99: {  	s6 =	sld [smem:$0x3FFC];
	_ =	sdelay $0x3  }
0x9a: {  	_ =	strace s6  }
0x9b: {  	s6 =	sld [smem:$0x3FFD];
	_ =	sdelay $0x3  }
0x9c: {  	_ =	strace s6  }
0x9d: {  	_ =	strace $0x8FFFFFFF  }
0x9e: {  	s19 =	sld [smem:$0x3FDB];
	_ =	sdelay $0x1  }
0x9f: {  	s7 =	simm.s32 $_scs_section_size  }
0xa0: {  	s8 =	simm.s32 $_size__tile_overlayer_lowered;
	s9 =	simm.s32 $_tile_overlayer_lowered  }
0xa1: {  	s22 =	simm.s32 $0x1BFF;
	s21 =	sshll.u32 s9, $0x1;
	s6 =	sadd.s32 s7, s19  }
0xa2: {  	s10 =	simm.s32 $0x0;
	s20 =	sshll.u32 s8, $0x1;
	s8 =	sadd.s32 s21, s6  }
0xa3: {  	[timem:s10], [sflag:s22] =	dma.local [hbm:s8], s20  }
0xa4: {  	_ =	swait.ge [sflag:s22], s20  }
0xa5: {  	s7 =	ssub.s32 $0x0, s20;
	[sflag:s22] =	ssyncset.done $0x0  }
0xa6: {  	[sflag:s22] =	ssyncadd.s32 s7;
	_ =	sdelay $0x1  }
0xa7: {  	s23 =	simm.s32 $0x1B8B  }
0xa8: {  	_ =	swait.ge [sflag:s23], $0x1  }
0xa9: {  	[sflag:s23] =	ssyncset.done $0x0  }
0xaa: {  	s25 =	simm.s32 $0x1B8E;
	s24 =	sld [smem:$0x3FFE];
	[sflag:s23] =	ssyncadd.s32 $0xFFFFFFFF  }
0xab: {  	s26 =	simm.s32 $execute0_lowered;
	[smem:$0x3FD2] =	sst s25  }
0xac: {  	s8 =	sshll.u32 s26, $0x1;
	_ =	strace $0x80000046;
	[dreg:$0x1] =	wrdreg $0xFFFFFFFF  }
0xad: {  	s28 =	simm.s32 $_size_execute0_lowered;
	s6 =	sadd.s32 s6, s8;
	[dreg:$0x0] =	wrdreg $0x0  }
0xae: {  	s8 =	sshll.u32 s28, $0x1;
	[dreg:$0x2] =	wrdreg s6  }
0xaf: {  	[dreg:$0x3] =	wrdreg s8  }
0xb0: {  	[dreg:$0x4] =	wrdreg $0xC0  }
0xb1: {  	_ =	task [dreg:s10], $0x5FFFF  }
0xb2: {  	[dreg:$0x1] =	wrdreg $0xFFFFFFFF  }
0xb3: {  	[dreg:$0x0] =	wrdreg $0x60  }
0xb4: {  	[dreg:$0x2] =	wrdreg s15  }
0xb5: {  	[dreg:$0x3] =	wrdreg s18  }
0xb6: {  	[dreg:$0x4] =	wrdreg s17  }
0xb7: {  	[dreg:$0x5] =	wrdreg s24  }
0xb8: {  	[dreg:$0x6] =	wrdreg s16  }
0xb9: {  	[dreg:$0x7] =	wrdreg $0x9  }
0xba: {  	_ =	task.clear_ibuf [dreg:s10], $0x8FFFF;
	_ =	strace $0x90000046  }
0xbb: {  	s29 =	simm.s32 $0x9;
	_ =	strace $0x80000048  }
0xbc: {  	_ =	swait.ge [sflag:s29], $0x1  }
0xbd: {  	[sflag:s29] =	ssyncadd.s32 $0xFFFFFFFF  }
0xbe: {  	_ =	strace $0x90000048  }
0xbf: {  	_ =	sfence  }
0xc0: {  	s30 =	sld [smem:$0x0];
	_ =	sdelay $0x2  }
0xc1: {  	s31 =	sshll.u32 s1, $0xD;
	s1 =	sshrl.u32 s1, $0x2  }
0xc2: {  	s3 =	sand.u32 $0x4000, s31;
	s1 =	sadd.s32 s1, s30  }
0xc3: {  	s0 =	sor.u32 s3, s0;
	s1 =	sshll.u32 s1, $0x11  }
0xc4: {  	s0 =	sor.u32 s1, s0  }
0xc5: {  	s0 =	sadd.s32 $0x8F2B, s0  }
0xc6: {  	[sflag:s0] =	ssyncadd.remote.s32 $0x1  }
0xc7: {  	_ =	sfence.sel $0xFFFF  }
0xc8: {  	[dreg:$0x0] =	wrdreg $0xFFFFFFFF;
	(pc) =	sbr.abs _section_cstart, $3  }
0xc9: {  	[dreg:$0x1] =	wrdreg $0xFFFFFFFF  }
0xca: {  	_ =	task.clear_ibuf [dreg:s10], $0x2FFFF;
	_ =	strace $0x9FFFFFFF  }
0xcb: {  	(tm) =	ssettm $0x7FFFFFFF  }
tec
execute0_lowered:
.L_overlay_start_1:
0x0: {  	(tag) =	ssettag $0x1  }
0x1: {  	s0 =	rddreg [dreg:$0x0]  }
0x2: {  	s4 =	rddreg [dreg:$0x1]  }
0x3: {  	s5 =	rddreg [dreg:$0x2]  }
0x4: {  	s6 =	rddreg [dreg:$0x3]  }
0x5: {  	s7 =	rddreg [dreg:$0x4];
	s3 =	simm.s32 $0x0  }
0x6: {  	s24 =	simm.s32 $0x80;
	[smem:$0x7FF] =	sst s3  }
0x7: {  	s25 =	simm.s32 $0x100;
	_ =	strace $0x80000047;
	[dreg:$0xc] =	wrdreg s24  }
0x8: {  	s1 =	stileid.u32;
	s26 =	simm.s32 $0x980;
	[dreg:$0xd] =	wrdreg s25  }
0x9: {  	s8 =	sshll.u32 s1, $0x8;
	s1 =	simm.s32 $0x1180;
	[dreg:$0xe] =	wrdreg s26  }
0xa: {  	s2 =	srdreg.scid;
	s11 =	simm.s32 $0x4980;
	[dreg:$0xf] =	wrdreg s1  }
0xb: {  	s12 =	simm.s32 $0x5180;
	s13 =	simm.s32 $0x5980;
	[dreg:$0x16] =	wrdreg s11  }
0xc: {  	s14 =	simm.s32 $0x6180;
	s15 =	simm.s32 $0x6980;
	[dreg:$0x17] =	wrdreg s12  }
0xd: {  	s16 =	simm.s32 $0x7180;
	s17 =	simm.s32 $0x7980;
	[dreg:$0x18] =	wrdreg s13  }
0xe: {  	s28 =	simm.s32 $0x16180;
	s29 =	simm.s32 $0x16980;
	[dreg:$0x19] =	wrdreg s14  }
0xf: {  	s30 =	simm.s32 $0x17180;
	s2 =	sand.u32 $0x1, s2;
	[dreg:$0x1a] =	wrdreg s15  }
0x10: {  	s31 =	simm.s32 $0x17980;
	s9 =	sshll.u32 s2, $0x7;
	[dreg:$0x1b] =	wrdreg s16  }
0x11: {  	[dreg:$0x1c] =	wrdreg s17;
	s2 =	ssub.s32 $0x2, s2;
	s24 =	simm.s32 $0xB180  }
0x12: {  	s25 =	simm.s32 $0xB980;
	s26 =	simm.s32 $0xC180;
	[smem:$0x7FB] =	sst s24  }
0x13: {  	s11 =	simm.s32 $0xE180;
	s12 =	simm.s32 $0xE980;
	[smem:$0x7FC] =	sst s25  }
0x14: {  	s13 =	simm.s32 $0xF180;
	s8 =	sor.u32 s9, s8;
	[smem:$0x7FD] =	sst s26  }
0x15: {  	s9 =	sshrl.u32 s8, $0x3;
	s19 =	sshll.u32 s8, $0x5;
	s8 =	simm.s32 $0x3180  }
0x16: {  	s14 =	simm.s32 $0xF980;
	s4 =	sadd.s32 s4, s9;
	[dreg:$0x13] =	wrdreg s8  }
0x17: {  	s15 =	simm.s32 $0x10180;
	s18 =	sadd.s32 s5, s9;
	[dreg:$0x6] =	wrdreg s4  }
0x18: {  	s16 =	simm.s32 $0x10980;
	s21 =	sadd.s32 s7, s19;
	[dreg:$0x7] =	wrdreg s18  }
0x19: {  	s17 =	simm.s32 $0x11180;
	s5 =	simm.s32 $0x1980;
	[dreg:$0x9] =	wrdreg s21  }
0x1a: {  	s24 =	simm.s32 $0x14980;
	s7 =	simm.s32 $0x2980;
	[dreg:$0x10] =	wrdreg s5  }
0x1b: {  	s10 =	sadd.s32 s9, s6;
	s9 =	simm.s32 $0x3980;
	[dreg:$0x12] =	wrdreg s7  }
0x1c: {  	s6 =	sadd.s32 s19, s6;
	s19 =	simm.s32 $0x9180;
	[dreg:$0x14] =	wrdreg s9  }
0x1d: {  	s25 =	simm.s32 $0x15180;
	s20 =	sadd.s32 $0xA00, s10;
	[dreg:$0x1e] =	wrdreg s19  }
0x1e: {  	s26 =	simm.s32 $0x15980;
	s22 =	sadd.s32 $0xC00, s6;
	[dreg:$0x8] =	wrdreg s20  }
0x1f: {  	s23 =	sadd.s32 $0x20C00, s6;
	s6 =	simm.s32 $0x2180;
	[dreg:$0xa] =	wrdreg s22  }
0x20: {  	s10 =	simm.s32 $0x4180;
	s18 =	simm.s32 $0x8980;
	[dreg:$0xb] =	wrdreg s23  }
0x21: {  	s21 =	simm.s32 $0xA180;
	s5 =	simm.s32 $0x2;
	[dreg:$0x11] =	wrdreg s6  }
0x22: {  	s7 =	simm.s32 $0x8180;
	s9 =	simm.s32 $0xD180;
	[dreg:$0x15] =	wrdreg s10  }
0x23: {  	s19 =	simm.s32 $0x12180;
	[dreg:$0x1d] =	wrdreg s18;
	s20 =	simm.s32 $0x9980  }
0x24: {  	s22 =	sshrl.u32 s2, $0x1;
	[smem:$0x7F9] =	sst s21;
	s23 =	simm.s32 $0xA980  }
0x25: {  	s6 =	simm.s32 $0x180;
	s10 =	simm.s32 $0xD980;
	s18 =	simm.s32 $0x11980  }
0x26: {  	v2 =	vlaneseq.u32;
	s21 =	simm.s32 $0x13180;
	[dreg:$0x1f] =	wrdreg s20;
	s2 =	ssub.s32 s2, s22  }
0x27: {  	vm0 =	vmmov $0xffff;
	v1 =	vshrl.u32 v2, $0x3;
	[smem:$0x7FA] =	sst s23;
	s20 =	simm.s32 $0x12980;
	s22 =	simm.s32 $0x13980  }
0x28: {  	v0 =	vand.u32 $0x7, v2;
	v2 =	vor.u32 $0x8, v2;
	v1 =	vmul.u32 $0x8, v1;
	s23 =	simm.s32 $0x14180;
	s4 =	smax.u32 s2, $0x1;
	s2 =	simm.s32 $0x1  }
.LBB2_1:
0x29: {  	s1 =	rddreg [dreg:$0x6]  }
0x2a: {  	[tilespmem:s3], [sflag:$0x2] =	stream.linear.gather [hbm4b:s1+s3], $0x80, $0x38;
	[tilespmem:$0x18180] =	vst v63  }
0x2b: {  	_ =	swait.ge [sflag:s5], $0x80  }
0x2c: {  	s1 =	rddreg [dreg:$0x7];
	[sflag:s5] =	ssyncset.done $0x0  }
0x2d: {  	s8 =	rddreg [dreg:$0xc];
	[sflag:s5] =	ssyncadd.s32 $0xFFFFFF80  }
0x2e: {  	[tilespmem:s8], [sflag:$0x2] =	stream.linear.gather [hbm4b:s1+s3], $0x80, $0x38;
	[tilespmem:$0x18180] =	vst v63  }
0x2f: {  	_ =	swait.ge [sflag:s5], $0x80  }
0x30: {  	s1 =	rddreg [dreg:$0x8];
	[sflag:s5] =	ssyncset.done $0x0  }
0x31: {  	s8 =	rddreg [dreg:$0xd];
	[sflag:s5] =	ssyncadd.s32 $0xFFFFFF80  }
0x32: {  	[tilespmem:s8], [sflag:$0x2] =	stream.linear.gather [hbm4b:s1+s3], $0x80, $0x38;
	[tilespmem:$0x18180] =	vst v63  }
0x33: {  	_ =	swait.ge [sflag:s5], $0x80  }
0x34: {  	[sflag:s5] =	ssyncset.done $0x0  }
0x35: {  	[sflag:s5] =	ssyncadd.s32 $0xFFFFFF80  }
0x36: {  	v3 =	vld [tilespmem:$0x0];
	_ =	sdelay $0x4  }
0x37: {  	v4 =	vshll.u32 v3, $0x1  }
0x38: {  	v3 =	vand.u32 $0x7, v3;
	v4 =	vand.u32 $0xFFFFFFF0, v4  }
0x39: {  	v3 =	vor.u32 v3, v4  }
0x3a: {  	v4 =	vperm.xlane v3, v0;
	_ =	sdelay $0x1  }
0x3b: {  	v3 =	vperm.xlane v3, v2;
	v4 =	vadd.s32 v1, v4;
	_ =	sdelay $0x1  }
0x3c: {  	v3 =	vadd.s32 v1, v3;
	_ =	sdelay $0x2  }
0x3d: {  	[tilespmem:s6], [sflag:$0x1] =	stream.indirect_vreg.gather [hbm4b:s0+s3], $0x80, v4, vm0, $0xb8;
	[tilespmem:$0x18180] =	vst v63  }
0x3e: {  	s8 =	rddreg [dreg:$0xe]  }
0x3f: {  	[tilespmem:s8], [sflag:$0x1] =	stream.indirect_vreg.gather [hbm4b:s0+s3], $0x80, v3, vm0, $0xb8;
	[tilespmem:$0x18180] =	vst v63  }
0x40: {  	v3 =	vld [tilespmem:$0x10];
	_ =	sdelay $0x4  }
0x41: {  	v41 =	vshll.u32 v3, $0x1  }
0x42: {  	v3 =	vand.u32 $0x7, v3;
	v4 =	vand.u32 $0xFFFFFFF0, v41  }
0x43: {  	v3 =	vor.u32 v3, v4  }
0x44: {  	v4 =	vperm.xlane v3, v0;
	_ =	sdelay $0x1  }
0x45: {  	v3 =	vperm.xlane v3, v2;
	v4 =	vadd.s32 v1, v4;
	_ =	sdelay $0x1  }
0x46: {  	v3 =	vadd.s32 v1, v3;
	_ =	sdelay $0x1  }
0x47: {  	s1 =	rddreg [dreg:$0xf]  }
0x48: {  	[tilespmem:s1], [sflag:$0x1] =	stream.indirect_vreg.gather [hbm4b:s0+s3], $0x80, v4, vm0, $0xb8;
	[tilespmem:$0x18180] =	vst v63  }
0x49: {  	s8 =	rddreg [dreg:$0x10]  }
0x4a: {  	[tilespmem:s8], [sflag:$0x1] =	stream.indirect_vreg.gather [hbm4b:s0+s3], $0x80, v3, vm0, $0xb8;
	[tilespmem:$0x18180] =	vst v63  }
0x4b: {  	v3 =	vld [tilespmem:$0x20];
	_ =	sdelay $0x4  }
0x4c: {  	v42 =	vshll.u32 v3, $0x1  }
0x4d: {  	v3 =	vand.u32 $0x7, v3;
	v4 =	vand.u32 $0xFFFFFFF0, v42  }
0x4e: {  	v3 =	vor.u32 v3, v4  }
0x4f: {  	v4 =	vperm.xlane v3, v0;
	_ =	sdelay $0x1  }
0x50: {  	v3 =	vperm.xlane v3, v2;
	v4 =	vadd.s32 v1, v4;
	_ =	sdelay $0x1  }
0x51: {  	v3 =	vadd.s32 v1, v3;
	_ =	sdelay $0x1  }
0x52: {  	s1 =	rddreg [dreg:$0x11]  }
0x53: {  	[tilespmem:s1], [sflag:$0x1] =	stream.indirect_vreg.gather [hbm4b:s0+s3], $0x80, v4, vm0, $0xb8;
	[tilespmem:$0x18180] =	vst v63  }
0x54: {  	s8 =	rddreg [dreg:$0x12]  }
0x55: {  	[tilespmem:s8], [sflag:$0x1] =	stream.indirect_vreg.gather [hbm4b:s0+s3], $0x80, v3, vm0, $0xb8;
	[tilespmem:$0x18180] =	vst v63  }
0x56: {  	v3 =	vld [tilespmem:$0x30];
	_ =	sdelay $0x4  }
0x57: {  	v43 =	vshll.u32 v3, $0x1  }
0x58: {  	v3 =	vand.u32 $0x7, v3;
	v4 =	vand.u32 $0xFFFFFFF0, v43  }
0x59: {  	v3 =	vor.u32 v3, v4  }
0x5a: {  	v4 =	vperm.xlane v3, v0;
	_ =	sdelay $0x1  }
0x5b: {  	v3 =	vperm.xlane v3, v2;
	v4 =	vadd.s32 v1, v4;
	_ =	sdelay $0x1  }
0x5c: {  	v3 =	vadd.s32 v1, v3;
	_ =	sdelay $0x1  }
0x5d: {  	s1 =	rddreg [dreg:$0x13]  }
0x5e: {  	[tilespmem:s1], [sflag:$0x1] =	stream.indirect_vreg.gather [hbm4b:s0+s3], $0x80, v4, vm0, $0xb8;
	[tilespmem:$0x18180] =	vst v63  }
0x5f: {  	s8 =	rddreg [dreg:$0x14]  }
0x60: {  	[tilespmem:s8], [sflag:$0x1] =	stream.indirect_vreg.gather [hbm4b:s0+s3], $0x80, v3, vm0, $0xb8;
	[tilespmem:$0x18180] =	vst v63  }
0x61: {  	v3 =	vld [tilespmem:$0x40];
	_ =	sdelay $0x4  }
0x62: {  	v44 =	vshll.u32 v3, $0x1  }
0x63: {  	v3 =	vand.u32 $0x7, v3;
	v4 =	vand.u32 $0xFFFFFFF0, v44  }
0x64: {  	v3 =	vor.u32 v3, v4  }
0x65: {  	v4 =	vperm.xlane v3, v0;
	_ =	sdelay $0x1  }
0x66: {  	v3 =	vperm.xlane v3, v2;
	v4 =	vadd.s32 v1, v4;
	_ =	sdelay $0x1  }
0x67: {  	v3 =	vadd.s32 v1, v3;
	_ =	sdelay $0x1  }
0x68: {  	s1 =	rddreg [dreg:$0x15]  }
0x69: {  	[tilespmem:s1], [sflag:$0x1] =	stream.indirect_vreg.gather [hbm4b:s0+s3], $0x80, v4, vm0, $0xb8;
	[tilespmem:$0x18180] =	vst v63  }
0x6a: {  	s8 =	rddreg [dreg:$0x16]  }
0x6b: {  	[tilespmem:s8], [sflag:$0x1] =	stream.indirect_vreg.gather [hbm4b:s0+s3], $0x80, v3, vm0, $0xb8;
	[tilespmem:$0x18180] =	vst v63  }
0x6c: {  	v3 =	vld [tilespmem:$0x50];
	_ =	sdelay $0x4  }
0x6d: {  	v45 =	vshll.u32 v3, $0x1  }
0x6e: {  	v3 =	vand.u32 $0x7, v3;
	v4 =	vand.u32 $0xFFFFFFF0, v45  }
0x6f: {  	v3 =	vor.u32 v3, v4  }
0x70: {  	v4 =	vperm.xlane v3, v0;
	_ =	sdelay $0x1  }
0x71: {  	v3 =	vperm.xlane v3, v2;
	v4 =	vadd.s32 v1, v4;
	_ =	sdelay $0x1  }
0x72: {  	v3 =	vadd.s32 v1, v3;
	_ =	sdelay $0x1  }
0x73: {  	s1 =	rddreg [dreg:$0x17]  }
0x74: {  	[tilespmem:s1], [sflag:$0x1] =	stream.indirect_vreg.gather [hbm4b:s0+s3], $0x80, v4, vm0, $0xb8;
	[tilespmem:$0x18180] =	vst v63  }
0x75: {  	s8 =	rddreg [dreg:$0x18]  }
0x76: {  	[tilespmem:s8], [sflag:$0x1] =	stream.indirect_vreg.gather [hbm4b:s0+s3], $0x80, v3, vm0, $0xb8;
	[tilespmem:$0x18180] =	vst v63  }
0x77: {  	v3 =	vld [tilespmem:$0x60];
	_ =	sdelay $0x4  }
0x78: {  	v46 =	vshll.u32 v3, $0x1  }
0x79: {  	v3 =	vand.u32 $0x7, v3;
	v4 =	vand.u32 $0xFFFFFFF0, v46  }
0x7a: {  	v3 =	vor.u32 v3, v4  }
0x7b: {  	v4 =	vperm.xlane v3, v0;
	_ =	sdelay $0x1  }
0x7c: {  	v3 =	vperm.xlane v3, v2;
	v4 =	vadd.s32 v1, v4;
	_ =	sdelay $0x1  }
0x7d: {  	v3 =	vadd.s32 v1, v3;
	_ =	sdelay $0x1  }
0x7e: {  	s1 =	rddreg [dreg:$0x19]  }
0x7f: {  	[tilespmem:s1], [sflag:$0x1] =	stream.indirect_vreg.gather [hbm4b:s0+s3], $0x80, v4, vm0, $0xb8;
	[tilespmem:$0x18180] =	vst v63  }
0x80: {  	s8 =	rddreg [dreg:$0x1a]  }
0x81: {  	[tilespmem:s8], [sflag:$0x1] =	stream.indirect_vreg.gather [hbm4b:s0+s3], $0x80, v3, vm0, $0xb8;
	[tilespmem:$0x18180] =	vst v63  }
0x82: {  	v3 =	vld [tilespmem:$0x70];
	_ =	sdelay $0x4  }
0x83: {  	v47 =	vshll.u32 v3, $0x1  }
0x84: {  	v3 =	vand.u32 $0x7, v3;
	v4 =	vand.u32 $0xFFFFFFF0, v47  }
0x85: {  	v3 =	vor.u32 v3, v4  }
0x86: {  	v4 =	vperm.xlane v3, v0;
	_ =	sdelay $0x1  }
0x87: {  	v3 =	vperm.xlane v3, v2;
	v4 =	vadd.s32 v1, v4;
	_ =	sdelay $0x1  }
0x88: {  	v3 =	vadd.s32 v1, v3;
	_ =	sdelay $0x1  }
0x89: {  	s1 =	rddreg [dreg:$0x1b]  }
0x8a: {  	[tilespmem:s1], [sflag:$0x1] =	stream.indirect_vreg.gather [hbm4b:s0+s3], $0x80, v4, vm0, $0xb8;
	[tilespmem:$0x18180] =	vst v63  }
0x8b: {  	s8 =	rddreg [dreg:$0x1c]  }
0x8c: {  	[tilespmem:s8], [sflag:$0x1] =	stream.indirect_vreg.gather [hbm4b:s0+s3], $0x80, v3, vm0, $0xb8;
	[tilespmem:$0x18180] =	vst v63  }
0x8d: {  	v3 =	vld [tilespmem:$0x80];
	_ =	sdelay $0x4  }
0x8e: {  	v48 =	vshll.u32 v3, $0x1  }
0x8f: {  	v3 =	vand.u32 $0x7, v3;
	v4 =	vand.u32 $0xFFFFFFF0, v48  }
0x90: {  	v3 =	vor.u32 v3, v4  }
0x91: {  	v4 =	vperm.xlane v3, v0;
	_ =	sdelay $0x1  }
0x92: {  	v3 =	vperm.xlane v3, v2;
	v4 =	vadd.s32 v1, v4;
	_ =	sdelay $0x1  }
0x93: {  	v3 =	vadd.s32 v1, v3;
	_ =	sdelay $0x2  }
0x94: {  	[tilespmem:s7], [sflag:$0x1] =	stream.indirect_vreg.gather [hbm4b:s0+s3], $0x80, v4, vm0, $0xb8;
	[tilespmem:$0x18180] =	vst v63  }
0x95: {  	s8 =	rddreg [dreg:$0x1d]  }
0x96: {  	[tilespmem:s8], [sflag:$0x1] =	stream.indirect_vreg.gather [hbm4b:s0+s3], $0x80, v3, vm0, $0xb8;
	[tilespmem:$0x18180] =	vst v63  }
0x97: {  	v3 =	vld [tilespmem:$0x90];
	_ =	sdelay $0x4  }
0x98: {  	v49 =	vshll.u32 v3, $0x1  }
0x99: {  	v3 =	vand.u32 $0x7, v3;
	v4 =	vand.u32 $0xFFFFFFF0, v49  }
0x9a: {  	v3 =	vor.u32 v3, v4  }
0x9b: {  	v4 =	vperm.xlane v3, v0;
	_ =	sdelay $0x1  }
0x9c: {  	v3 =	vperm.xlane v3, v2;
	v4 =	vadd.s32 v1, v4;
	_ =	sdelay $0x1  }
0x9d: {  	v3 =	vadd.s32 v1, v3;
	_ =	sdelay $0x1  }
0x9e: {  	s1 =	rddreg [dreg:$0x1e]  }
0x9f: {  	[tilespmem:s1], [sflag:$0x1] =	stream.indirect_vreg.gather [hbm4b:s0+s3], $0x80, v4, vm0, $0xb8;
	[tilespmem:$0x18180] =	vst v63  }
0xa0: {  	s8 =	rddreg [dreg:$0x1f]  }
0xa1: {  	[tilespmem:s8], [sflag:$0x1] =	stream.indirect_vreg.gather [hbm4b:s0+s3], $0x80, v3, vm0, $0xb8;
	[tilespmem:$0x18180] =	vst v63  }
0xa2: {  	v3 =	vld [tilespmem:$0xA0];
	_ =	sdelay $0x4  }
0xa3: {  	v50 =	vshll.u32 v3, $0x1  }
0xa4: {  	v3 =	vand.u32 $0x7, v3;
	v4 =	vand.u32 $0xFFFFFFF0, v50  }
0xa5: {  	v3 =	vor.u32 v3, v4  }
0xa6: {  	v4 =	vperm.xlane v3, v0;
	_ =	sdelay $0x1  }
0xa7: {  	v3 =	vperm.xlane v3, v2;
	v4 =	vadd.s32 v1, v4;
	_ =	sdelay $0x1  }
0xa8: {  	s1 =	sld [smem:$0x7F9];
	v3 =	vadd.s32 v1, v3;
	_ =	sdelay $0x1  }
0xa9: {  	s8 =	sld [smem:$0x7FA]  }
0xaa: {  	[tilespmem:s1], [sflag:$0x1] =	stream.indirect_vreg.gather [hbm4b:s0+s3], $0x80, v4, vm0, $0xb8;
	[tilespmem:$0x18180] =	vst v63  }
0xab: {  	_ = 	snop  }
0xac: {  	[tilespmem:s8], [sflag:$0x1] =	stream.indirect_vreg.gather [hbm4b:s0+s3], $0x80, v3, vm0, $0xb8;
	[tilespmem:$0x18180] =	vst v63  }
0xad: {  	v3 =	vld [tilespmem:$0xB0];
	_ =	sdelay $0x4  }
0xae: {  	v51 =	vshll.u32 v3, $0x1  }
0xaf: {  	v3 =	vand.u32 $0x7, v3;
	v4 =	vand.u32 $0xFFFFFFF0, v51  }
0xb0: {  	v3 =	vor.u32 v3, v4  }
0xb1: {  	v4 =	vperm.xlane v3, v0;
	_ =	sdelay $0x1  }
0xb2: {  	v3 =	vperm.xlane v3, v2;
	v4 =	vadd.s32 v1, v4;
	_ =	sdelay $0x1  }
0xb3: {  	s1 =	sld [smem:$0x7FB];
	v3 =	vadd.s32 v1, v3;
	_ =	sdelay $0x1  }
0xb4: {  	s8 =	sld [smem:$0x7FC]  }
0xb5: {  	[tilespmem:s1], [sflag:$0x1] =	stream.indirect_vreg.gather [hbm4b:s0+s3], $0x80, v4, vm0, $0xb8;
	[tilespmem:$0x18180] =	vst v63  }
0xb6: {  	_ = 	snop  }
0xb7: {  	[tilespmem:s8], [sflag:$0x1] =	stream.indirect_vreg.gather [hbm4b:s0+s3], $0x80, v3, vm0, $0xb8;
	[tilespmem:$0x18180] =	vst v63  }
0xb8: {  	v3 =	vld [tilespmem:$0xC0];
	_ =	sdelay $0x4  }
0xb9: {  	v52 =	vshll.u32 v3, $0x1  }
0xba: {  	v3 =	vand.u32 $0x7, v3;
	v4 =	vand.u32 $0xFFFFFFF0, v52  }
0xbb: {  	v3 =	vor.u32 v3, v4  }
0xbc: {  	v4 =	vperm.xlane v3, v0;
	_ =	sdelay $0x1  }
0xbd: {  	v3 =	vperm.xlane v3, v2;
	v4 =	vadd.s32 v1, v4;
	_ =	sdelay $0x1  }
0xbe: {  	s8 =	sld [smem:$0x7FD];
	v3 =	vadd.s32 v1, v3;
	_ =	sdelay $0x2  }
0xbf: {  	[tilespmem:s8], [sflag:$0x1] =	stream.indirect_vreg.gather [hbm4b:s0+s3], $0x80, v4, vm0, $0xb8;
	[tilespmem:$0x18180] =	vst v63  }
0xc0: {  	s8 =	simm.s32 $0xC980  }
0xc1: {  	[tilespmem:s8], [sflag:$0x1] =	stream.indirect_vreg.gather [hbm4b:s0+s3], $0x80, v3, vm0, $0xb8;
	[tilespmem:$0x18180] =	vst v63  }
0xc2: {  	v3 =	vld [tilespmem:$0xD0];
	_ =	sdelay $0x4  }
0xc3: {  	v53 =	vshll.u32 v3, $0x1  }
0xc4: {  	v3 =	vand.u32 $0x7, v3;
	v4 =	vand.u32 $0xFFFFFFF0, v53  }
0xc5: {  	v3 =	vor.u32 v3, v4  }
0xc6: {  	v4 =	vperm.xlane v3, v0;
	_ =	sdelay $0x1  }
0xc7: {  	v3 =	vperm.xlane v3, v2;
	v4 =	vadd.s32 v1, v4;
	_ =	sdelay $0x1  }
0xc8: {  	v3 =	vadd.s32 v1, v3;
	_ =	sdelay $0x2  }
0xc9: {  	[tilespmem:s9], [sflag:$0x1] =	stream.indirect_vreg.gather [hbm4b:s0+s3], $0x80, v4, vm0, $0xb8;
	[tilespmem:$0x18180] =	vst v63  }
0xca: {  	_ = 	snop  }
0xcb: {  	[tilespmem:s10], [sflag:$0x1] =	stream.indirect_vreg.gather [hbm4b:s0+s3], $0x80, v3, vm0, $0xb8;
	[tilespmem:$0x18180] =	vst v63  }
0xcc: {  	v3 =	vld [tilespmem:$0xE0];
	_ =	sdelay $0x4  }
0xcd: {  	v54 =	vshll.u32 v3, $0x1  }
0xce: {  	v3 =	vand.u32 $0x7, v3;
	v4 =	vand.u32 $0xFFFFFFF0, v54  }
0xcf: {  	v3 =	vor.u32 v3, v4  }
0xd0: {  	v4 =	vperm.xlane v3, v0;
	_ =	sdelay $0x1  }
0xd1: {  	v3 =	vperm.xlane v3, v2;
	v4 =	vadd.s32 v1, v4;
	_ =	sdelay $0x1  }
0xd2: {  	v3 =	vadd.s32 v1, v3;
	_ =	sdelay $0x2  }
0xd3: {  	[tilespmem:s11], [sflag:$0x1] =	stream.indirect_vreg.gather [hbm4b:s0+s3], $0x80, v4, vm0, $0xb8;
	[tilespmem:$0x18180] =	vst v63  }
0xd4: {  	_ = 	snop  }
0xd5: {  	[tilespmem:s12], [sflag:$0x1] =	stream.indirect_vreg.gather [hbm4b:s0+s3], $0x80, v3, vm0, $0xb8;
	[tilespmem:$0x18180] =	vst v63  }
0xd6: {  	v3 =	vld [tilespmem:$0xF0];
	_ =	sdelay $0x4  }
0xd7: {  	v55 =	vshll.u32 v3, $0x1  }
0xd8: {  	v3 =	vand.u32 $0x7, v3;
	v4 =	vand.u32 $0xFFFFFFF0, v55  }
0xd9: {  	v3 =	vor.u32 v3, v4  }
0xda: {  	v4 =	vperm.xlane v3, v0;
	_ =	sdelay $0x1  }
0xdb: {  	v3 =	vperm.xlane v3, v2;
	v4 =	vadd.s32 v1, v4;
	_ =	sdelay $0x1  }
0xdc: {  	v3 =	vadd.s32 v1, v3;
	_ =	sdelay $0x2  }
0xdd: {  	[tilespmem:s13], [sflag:$0x1] =	stream.indirect_vreg.gather [hbm4b:s0+s3], $0x80, v4, vm0, $0xb8;
	[tilespmem:$0x18180] =	vst v63  }
0xde: {  	_ = 	snop  }
0xdf: {  	[tilespmem:s14], [sflag:$0x1] =	stream.indirect_vreg.gather [hbm4b:s0+s3], $0x80, v3, vm0, $0xb8;
	[tilespmem:$0x18180] =	vst v63  }
0xe0: {  	v3 =	vld [tilespmem:$0x100];
	_ =	sdelay $0x4  }
0xe1: {  	v56 =	vshll.u32 v3, $0x1  }
0xe2: {  	v3 =	vand.u32 $0x7, v3;
	v4 =	vand.u32 $0xFFFFFFF0, v56  }
0xe3: {  	v3 =	vor.u32 v3, v4  }
0xe4: {  	v4 =	vperm.xlane v3, v0;
	_ =	sdelay $0x1  }
0xe5: {  	v3 =	vperm.xlane v3, v2;
	v4 =	vadd.s32 v1, v4;
	_ =	sdelay $0x1  }
0xe6: {  	v3 =	vadd.s32 v1, v3;
	_ =	sdelay $0x2  }
0xe7: {  	[tilespmem:s15], [sflag:$0x1] =	stream.indirect_vreg.gather [hbm4b:s0+s3], $0x80, v4, vm0, $0xb8;
	[tilespmem:$0x18180] =	vst v63  }
0xe8: {  	_ = 	snop  }
0xe9: {  	[tilespmem:s16], [sflag:$0x1] =	stream.indirect_vreg.gather [hbm4b:s0+s3], $0x80, v3, vm0, $0xb8;
	[tilespmem:$0x18180] =	vst v63  }
0xea: {  	v3 =	vld [tilespmem:$0x110];
	_ =	sdelay $0x4  }
0xeb: {  	v57 =	vshll.u32 v3, $0x1  }
0xec: {  	v3 =	vand.u32 $0x7, v3;
	v4 =	vand.u32 $0xFFFFFFF0, v57  }
0xed: {  	v3 =	vor.u32 v3, v4  }
0xee: {  	v4 =	vperm.xlane v3, v0;
	_ =	sdelay $0x1  }
0xef: {  	v3 =	vperm.xlane v3, v2;
	v4 =	vadd.s32 v1, v4;
	_ =	sdelay $0x1  }
0xf0: {  	v3 =	vadd.s32 v1, v3;
	_ =	sdelay $0x2  }
0xf1: {  	[tilespmem:s17], [sflag:$0x1] =	stream.indirect_vreg.gather [hbm4b:s0+s3], $0x80, v4, vm0, $0xb8;
	[tilespmem:$0x18180] =	vst v63  }
0xf2: {  	_ = 	snop  }
0xf3: {  	[tilespmem:s18], [sflag:$0x1] =	stream.indirect_vreg.gather [hbm4b:s0+s3], $0x80, v3, vm0, $0xb8;
	[tilespmem:$0x18180] =	vst v63  }
0xf4: {  	v3 =	vld [tilespmem:$0x120];
	_ =	sdelay $0x4  }
0xf5: {  	v58 =	vshll.u32 v3, $0x1  }
0xf6: {  	v3 =	vand.u32 $0x7, v3;
	v4 =	vand.u32 $0xFFFFFFF0, v58  }
0xf7: {  	v3 =	vor.u32 v3, v4  }
0xf8: {  	v4 =	vperm.xlane v3, v0;
	_ =	sdelay $0x1  }
0xf9: {  	v3 =	vperm.xlane v3, v2;
	v4 =	vadd.s32 v1, v4;
	_ =	sdelay $0x1  }
0xfa: {  	v3 =	vadd.s32 v1, v3;
	_ =	sdelay $0x2  }
0xfb: {  	[tilespmem:s19], [sflag:$0x1] =	stream.indirect_vreg.gather [hbm4b:s0+s3], $0x80, v4, vm0, $0xb8;
	[tilespmem:$0x18180] =	vst v63  }
0xfc: {  	_ = 	snop  }
0xfd: {  	[tilespmem:s20], [sflag:$0x1] =	stream.indirect_vreg.gather [hbm4b:s0+s3], $0x80, v3, vm0, $0xb8;
	[tilespmem:$0x18180] =	vst v63  }
0xfe: {  	v3 =	vld [tilespmem:$0x130];
	_ =	sdelay $0x4  }
0xff: {  	v59 =	vshll.u32 v3, $0x1  }
0x100: {  	v3 =	vand.u32 $0x7, v3;
	v4 =	vand.u32 $0xFFFFFFF0, v59  }
0x101: {  	v3 =	vor.u32 v3, v4  }
0x102: {  	v4 =	vperm.xlane v3, v0;
	_ =	sdelay $0x1  }
0x103: {  	v3 =	vperm.xlane v3, v2;
	v4 =	vadd.s32 v1, v4;
	_ =	sdelay $0x1  }
0x104: {  	v3 =	vadd.s32 v1, v3;
	_ =	sdelay $0x2  }
0x105: {  	[tilespmem:s21], [sflag:$0x1] =	stream.indirect_vreg.gather [hbm4b:s0+s3], $0x80, v4, vm0, $0xb8;
	[tilespmem:$0x18180] =	vst v63  }
0x106: {  	_ = 	snop  }
0x107: {  	[tilespmem:s22], [sflag:$0x1] =	stream.indirect_vreg.gather [hbm4b:s0+s3], $0x80, v3, vm0, $0xb8;
	[tilespmem:$0x18180] =	vst v63  }
0x108: {  	v3 =	vld [tilespmem:$0x140];
	_ =	sdelay $0x4  }
0x109: {  	v60 =	vshll.u32 v3, $0x1  }
0x10a: {  	v3 =	vand.u32 $0x7, v3;
	v4 =	vand.u32 $0xFFFFFFF0, v60  }
0x10b: {  	v3 =	vor.u32 v3, v4  }
0x10c: {  	v4 =	vperm.xlane v3, v0;
	_ =	sdelay $0x1  }
0x10d: {  	v3 =	vperm.xlane v3, v2;
	v4 =	vadd.s32 v1, v4;
	_ =	sdelay $0x1  }
0x10e: {  	v3 =	vadd.s32 v1, v3;
	_ =	sdelay $0x2  }
0x10f: {  	[tilespmem:s23], [sflag:$0x1] =	stream.indirect_vreg.gather [hbm4b:s0+s3], $0x80, v4, vm0, $0xb8;
	[tilespmem:$0x18180] =	vst v63  }
0x110: {  	_ = 	snop  }
0x111: {  	[tilespmem:s24], [sflag:$0x1] =	stream.indirect_vreg.gather [hbm4b:s0+s3], $0x80, v3, vm0, $0xb8;
	[tilespmem:$0x18180] =	vst v63  }
0x112: {  	v3 =	vld [tilespmem:$0x150];
	_ =	sdelay $0x4  }
0x113: {  	v61 =	vshll.u32 v3, $0x1  }
0x114: {  	v3 =	vand.u32 $0x7, v3;
	v4 =	vand.u32 $0xFFFFFFF0, v61  }
0x115: {  	v3 =	vor.u32 v3, v4  }
0x116: {  	v4 =	vperm.xlane v3, v0;
	_ =	sdelay $0x1  }
0x117: {  	v3 =	vperm.xlane v3, v2;
	v4 =	vadd.s32 v1, v4;
	_ =	sdelay $0x1  }
0x118: {  	v3 =	vadd.s32 v1, v3;
	_ =	sdelay $0x2  }
0x119: {  	[tilespmem:s25], [sflag:$0x1] =	stream.indirect_vreg.gather [hbm4b:s0+s3], $0x80, v4, vm0, $0xb8;
	[tilespmem:$0x18180] =	vst v63  }
0x11a: {  	_ = 	snop  }
0x11b: {  	[tilespmem:s26], [sflag:$0x1] =	stream.indirect_vreg.gather [hbm4b:s0+s3], $0x80, v3, vm0, $0xb8;
	[tilespmem:$0x18180] =	vst v63  }
0x11c: {  	v3 =	vld [tilespmem:$0x160];
	_ =	sdelay $0x4  }
0x11d: {  	v62 =	vshll.u32 v3, $0x1  }
0x11e: {  	v3 =	vand.u32 $0x7, v3;
	v4 =	vand.u32 $0xFFFFFFF0, v62  }
0x11f: {  	v3 =	vor.u32 v3, v4  }
0x120: {  	v4 =	vperm.xlane v3, v0;
	_ =	sdelay $0x1  }
0x121: {  	v3 =	vperm.xlane v3, v2;
	v4 =	vadd.s32 v1, v4;
	_ =	sdelay $0x1  }
0x122: {  	v3 =	vadd.s32 v1, v3;
	_ =	sdelay $0x2  }
0x123: {  	[tilespmem:s28], [sflag:$0x1] =	stream.indirect_vreg.gather [hbm4b:s0+s3], $0x80, v4, vm0, $0xb8;
	[tilespmem:$0x18180] =	vst v63  }
0x124: {  	_ = 	snop  }
0x125: {  	[tilespmem:s29], [sflag:$0x1] =	stream.indirect_vreg.gather [hbm4b:s0+s3], $0x80, v3, vm0, $0xb8;
	[tilespmem:$0x18180] =	vst v63  }
0x126: {  	v3 =	vld [tilespmem:$0x170];
	_ =	sdelay $0x4  }
0x127: {  	v63 =	vshll.u32 v3, $0x1  }
0x128: {  	v3 =	vand.u32 $0x7, v3;
	v4 =	vand.u32 $0xFFFFFFF0, v63  }
0x129: {  	v3 =	vor.u32 v3, v4  }
0x12a: {  	v4 =	vperm.xlane v3, v0;
	_ =	sdelay $0x1  }
0x12b: {  	v3 =	vperm.xlane v3, v2;
	v4 =	vadd.s32 v1, v4;
	_ =	sdelay $0x1  }
0x12c: {  	v3 =	vadd.s32 v1, v3;
	_ =	sdelay $0x2  }
0x12d: {  	[tilespmem:s30], [sflag:$0x1] =	stream.indirect_vreg.gather [hbm4b:s0+s3], $0x80, v4, vm0, $0xb8;
	[tilespmem:$0x18180] =	vst v63  }
0x12e: {  	_ = 	snop  }
0x12f: {  	[tilespmem:s31], [sflag:$0x1] =	stream.indirect_vreg.gather [hbm4b:s0+s3], $0x80, v3, vm0, $0xb8;
	[tilespmem:$0x18180] =	vst v63  }
0x130: {  	_ =	swait.ge [sflag:s2], $0x8000  }
0x131: {  	[sflag:s2] =	ssyncset.done $0x0  }
0x132: {  	[sflag:s2] =	ssyncadd.s32 $0xFFFF8000  }
0x133: {  	_ =	swait.ge [sflag:s2], $0x8000  }
0x134: {  	[sflag:s2] =	ssyncset.done $0x0  }
0x135: {  	[sflag:s2] =	ssyncadd.s32 $0xFFFF8000  }
0x136: {  	_ =	swait.ge [sflag:s2], $0x8000  }
0x137: {  	[sflag:s2] =	ssyncset.done $0x0  }
0x138: {  	s8 =	rddreg [dreg:$0x9];
	[sflag:s2] =	ssyncadd.s32 $0xFFFF8000  }
0x139: {  	[hbm4b:s8+s3] =	stream.linear.scatter [tilespmem:s6], [sflag:$0x2], $0x8000, $0x38;
	[tilespmem:$0x18180] =	vst v63  }
0x13a: {  	_ =	swait.ge [sflag:s5], $0x8000  }
0x13b: {  	[sflag:s5] =	ssyncset.done $0x0  }
0x13c: {  	s8 =	rddreg [dreg:$0xa];
	[sflag:s5] =	ssyncadd.s32 $0xFFFF8000  }
0x13d: {  	[hbm4b:s8+s3] =	stream.linear.scatter [tilespmem:s7], [sflag:$0x2], $0x8000, $0x38;
	[tilespmem:$0x18180] =	vst v63  }
0x13e: {  	_ =	swait.ge [sflag:s5], $0x8000  }
0x13f: {  	p0 =	sne.s32 s4, $0x1;
	[sflag:s5] =	ssyncset.done $0x0  }
.Ltmp0:
0x140: {  	s8 =	rddreg [dreg:$0xb];
	[sflag:s5] =	ssyncadd.s32 $0xFFFF8000;
	(pc) =	sbr.rel @p0 .LBB2_1-.Ltmp0, $4  }
0x141: {  	[hbm4b:s8+s3] =	stream.linear.scatter [tilespmem:s15], [sflag:$0x2], $0x8000, $0x38;
	[tilespmem:$0x18180] =	vst v63  }
0x142: {  	_ =	swait.ge [sflag:s5], $0x8000  }
0x143: {  	[sflag:s5] =	ssyncset.done $0x0  }
0x144: {  	s4 =	sadd.s32 $0xFFFFFFFF, s4;
	[sflag:s5] =	ssyncadd.s32 $0xFFFF8000  }
0x145: {  	_ =	sfence.sel $0x180000  }
0x146: {  	[bflag:$0x0] =	sbarrier.arrive $0xFFFF  }
0x147: {  	_ =	strace $0x90000047  }
0x148: {  	s0 =	stileid.u32;
	[bflag:$0x2] =	sbarrier.arrive $0xFFFF  }
0x149: {  	p0 =	sne.s32 s0, $0x0;
	s0 =	rddreg [dreg:$0x5]  }
0x14a: {  	s0 =	sadd.s32 @!p0 $0x100000, s0  }
0x14b: {  	[sflag:s0] =	ssyncadd.tile.s32 @!p0 $0x1;
	_ =	shalt  }
.Lfunc_end2:
_tile_overlayer_lowered:
.L_overlay_start_2:
0x14c: {  	(tag) =	ssettag $0x2  }
0x14d: {  	s0 =	rddreg [dreg:$0x0];
	s2 =	stileid.u32  }
0x14e: {  	s1 =	rddreg [dreg:$0x1];
	p0 =	sne.s32 s2, $0x0  }
0x14f: {  	s3 =	rddreg [dreg:$0x2];
	[bflag:$0x3] =	sbarrier.arrive $0xFFFF;
	s2 =	simm.s32 @!p0 $0x1C02  }
0x150: {  	[timem:s3], [sflag:s2] =	dma.local @!p0 [hbm:s0], s1  }
0x151: {  	s0 =	simm.s32 @!p0 $0x2  }
0x152: {  	_ =	swait.ge @!p0 [sflag:s0], s1  }
0x153: {  	s1 =	ssub.s32 @!p0 $0x0, s1;
	[sflag:s0] =	ssyncset.done @!p0 $0x0  }
0x154: {  	[sflag:s0] =	ssyncadd.s32 @!p0 s1  }
0x155: {  	[bflag:$0x3] =	sbarrier.arrive $0xFFFF  }
0x156: {  	_ =	shalt  }

</sc_bundles>
